<compile_context>
chip_gen: v7x
topology: tpu7x:2x2x1
jax: 0.10.2.dev20260603
libtpu: 0.0.44.dev20260713+nightly
codegen_flags: <defaults>
</compile_context>

<pallas_src>
import jax
import jax.numpy as jnp
from jax import lax
from jax.experimental import pallas as pl
from jax.experimental.pallas import tpu as pltpu
from jax.experimental.pallas import tpu_sc as plsc

N_NODES = 10000
N_EDGES = 320000
D = 128

NC = 2
NS = 16
NW = NC * NS

CHUNK = 64
CPT = 160
SEG = 32
NSEG = CPT // SEG
E_PAD = CHUNK * CPT * NW
N_CHUNK_ROWS = E_PAD // CHUNK
N_PAD = 10240
NPR = N_PAD // 128
ROWS_PER_TILE = N_PAD // NS


def _agg_body(x_hbm, ed_hbm, out_hbm, cntout_hbm,
              seg, rows0, rows1, rows2, cnt_v, acc,
              gsem0, gsem1, gsem2, ssem0, ssem1, ssem2, isem):
    c = lax.axis_index("c")
    s = lax.axis_index("s")
    wid = s * NC + c
    base = wid * CPT

    rows = (rows0, rows1, rows2)
    gsem = (gsem0, gsem1, gsem2)
    ssem = (ssem0, ssem1, ssem2)

    def zero_rows0(i, carry):
        for cc in range(D // 16):
            rows0[i, pl.ds(cc * 16, 16)] = jnp.zeros((16,), jnp.float32)
        return carry
    lax.fori_loop(0, CHUNK, zero_rows0, 0)

    def zero_cnt(i, carry):
        for cc in range(D // 16):
            cnt_v[i, pl.ds(cc * 16, 16)] = jnp.zeros((16,), jnp.float32)
        return carry
    lax.fori_loop(0, NPR, zero_cnt, 0)

    row0 = s * ROWS_PER_TILE

    def zero_acc(i, carry):
        pltpu.sync_copy(rows0, acc.at[pl.ds(row0 + i * CHUNK, CHUNK)])
        return carry
    lax.fori_loop(0, ROWS_PER_TILE // CHUNK, zero_acc, 0)

    plsc.subcore_barrier()

    pltpu.sync_copy(ed_hbm.at[pl.ds(base, SEG)], seg.at[0])

    def src_idx(q):
        return seg.at[(q // SEG) % 2, lax.rem(q, SEG), 0]

    def dst_idx(q):
        return seg.at[(q // SEG) % 2, lax.rem(q, SEG), 1]

    def issue(q, b):
        pltpu.async_copy(x_hbm.at[src_idx(q)], rows[b], gsem[b])

    def drain_g(b):
        pltpu.make_async_copy(x_hbm.at[pl.ds(0, CHUNK)], rows[b], gsem[b]).wait()

    def scatter(q, b):
        pltpu.async_copy(rows[b], acc.at[dst_idx(q)], ssem[b], add=True)

    def drain_s(b):
        pltpu.make_async_copy(rows[b], acc.at[pl.ds(0, CHUNK)], ssem[b]).wait()

    ones16 = jnp.ones((16,), jnp.float32)

    def count(q):
        a = (q // SEG) % 2
        r = lax.rem(q, SEG)
        for cc in range(CHUNK // 16):
            idx = seg[a, r, 1, pl.ds(cc * 16, 16)]
            plsc.addupdate_scatter(
                cnt_v, [lax.shift_right_logical(idx, 7),
                        lax.bitwise_and(idx, 127)], ones16)

    def step(q, b, first):
        nb = (b + 2) % 3
        k1 = q // SEG + 1

        if first:
            @pl.when(q >= 1)
            def _():
                drain_s(nb)
        else:
            drain_s(nb)

        @pl.when(jnp.logical_and(lax.rem(q, SEG) == 0, k1 < NSEG))
        def _():
            pltpu.async_copy(ed_hbm.at[pl.ds(base + k1 * SEG, SEG)],
                             seg.at[lax.rem(k1, 2)], isem)

        @pl.when(jnp.logical_and(lax.rem(q, SEG) == SEG - 2, k1 < NSEG))
        def _():
            pltpu.make_async_copy(ed_hbm.at[pl.ds(0, SEG)], seg.at[0],
                                  isem).wait()

        @pl.when(q + 2 < CPT)
        def _():
            issue(q + 2, nb)

        drain_g(b)
        scatter(q, b)
        count(q)

    issue(0, 0)
    issue(1, 1)

    def group(g, carry):
        step(g * 3, 0, True)
        step(g * 3 + 1, 1, False)
        step(g * 3 + 2, 2, False)
        return carry
    lax.fori_loop(0, (CPT - 1) // 3, group, 0)

    qt = CPT - 1
    drain_g(0)
    scatter(qt, 0)
    count(qt)
    drain_s(2)
    drain_s(0)

    plsc.subcore_barrier()

    pltpu.sync_copy(acc.at[pl.ds(row0, ROWS_PER_TILE)],
                    out_hbm.at[c, pl.ds(row0, ROWS_PER_TILE)])
    pltpu.sync_copy(cnt_v, cntout_hbm.at[wid])


_agg = pl.kernel(
    _agg_body,
    out_type=[
        jax.ShapeDtypeStruct((NC, N_PAD, D), jnp.float32),
        jax.ShapeDtypeStruct((NW, NPR, 128), jnp.float32),
    ],
    compiler_params=pltpu.CompilerParams(
        use_tc_tiling_on_sc=False, needs_layout_passes=False),
    mesh=plsc.VectorSubcoreMesh(core_axis_name="c", subcore_axis_name="s"),
    scratch_types=[
        pltpu.VMEM((2, SEG, 2, CHUNK), jnp.int32),
        pltpu.VMEM((CHUNK, D), jnp.float32),
        pltpu.VMEM((CHUNK, D), jnp.float32),
        pltpu.VMEM((CHUNK, D), jnp.float32),
        pltpu.VMEM((NPR, 128), jnp.float32),
        pltpu.VMEM_SHARED((N_PAD, D), jnp.float32),
        pltpu.SemaphoreType.DMA,
        pltpu.SemaphoreType.DMA,
        pltpu.SemaphoreType.DMA,
        pltpu.SemaphoreType.DMA,
        pltpu.SemaphoreType.DMA,
        pltpu.SemaphoreType.DMA,
        pltpu.SemaphoreType.DMA,
    ],
)


_BLK = 2048


def _dense_body(p0, p1, cn, xr, wl, bl, wr, o):
    rcp = 1.0 / jnp.maximum(cn[...], 1.0)
    mean = (p0[...] + p1[...]) * rcp
    acc = jnp.dot(mean, wl[...], preferred_element_type=jnp.float32)
    acc = acc + jnp.dot(xr[...], wr[...], preferred_element_type=jnp.float32)
    o[...] = jnp.maximum(acc + bl[...], 0.0)


def _dense(sums, cnts, x, Wl, bl, Wr):
    return pl.pallas_call(
        _dense_body,
        grid=(N_PAD // _BLK,),
        in_specs=[
            pl.BlockSpec((None, _BLK, D), lambda i: (0, i, 0)),
            pl.BlockSpec((None, _BLK, D), lambda i: (1, i, 0)),
            pl.BlockSpec((_BLK, 1), lambda i: (i, 0)),
            pl.BlockSpec((_BLK, D), lambda i: (i, 0)),
            pl.BlockSpec((D, D), lambda i: (0, 0)),
            pl.BlockSpec((1, D), lambda i: (0, 0)),
            pl.BlockSpec((D, D), lambda i: (0, 0)),
        ],
        out_specs=pl.BlockSpec((_BLK, D), lambda i: (i, 0)),
        out_shape=jax.ShapeDtypeStruct((N_NODES, D), jnp.float32),
    )(sums, sums, cnts, x, Wl.T, bl.reshape(1, D), Wr.T)


def kernel(x, edge_index, W1l, b1l, W1r, W2l, b2l, W2r):
    src = edge_index[0].astype(jnp.int32)
    dst = edge_index[1].astype(jnp.int32)
    pad = E_PAD - N_EDGES
    pad_src = (jnp.arange(pad, dtype=jnp.int32) * 61) % N_NODES
    pad_dst = N_NODES + (jnp.arange(pad, dtype=jnp.int32) % (N_PAD - N_NODES))
    src2d = jnp.concatenate([src, pad_src]).reshape(N_CHUNK_ROWS, CHUNK)
    dst2d = jnp.concatenate([dst, pad_dst]).reshape(N_CHUNK_ROWS, CHUNK)
    ed2d = jnp.stack([src2d, dst2d], axis=1)

    sums1, cnts1 = _agg(x, ed2d)
    cnt_col1 = jnp.sum(cnts1, axis=0).reshape(N_PAD, 1)
    hid = _dense(sums1, cnt_col1, x, W1l, b1l, W1r)
    sums2, cnts2 = _agg(hid, ed2d)
    cnt_col2 = jnp.sum(cnts2, axis=0).reshape(N_PAD, 1)
    out = _dense(sums2, cnt_col2, hid, W2l, b2l, W2r)
    return out

# --- scband reference (transcript-rebuilt; emitter-appended) ---
"""Pipeline reference for scband-sage-23210003267951 (READ-ONLY COPY).

The authoritative reference and input builder live on the scoring server;
editing this copy changes nothing except your own understanding.
"""

import jax, jax.numpy as jnp
import numpy as np

N_NODES = 10000
N_EDGES = 320000
D_IN = 128
D_HID = 128
D_OUT = 128


def setup_inputs(seed: int = 0) -> dict:
    key = jax.random.key(seed)
    ks = jax.random.split(key, 8)
    x = jax.random.normal(ks[0], (N_NODES, D_IN), dtype=jnp.float32)
    edge_index = jax.random.randint(ks[1], (2, N_EDGES), 0, N_NODES, dtype=jnp.int64 if jax.config.jax_enable_x64 else jnp.int32)
    s1 = 1.0 / np.sqrt(D_IN)
    s2 = 1.0 / np.sqrt(D_HID)
    W1l = jax.random.uniform(ks[2], (D_HID, D_IN), jnp.float32, -s1, s1)
    b1l = jax.random.uniform(ks[3], (D_HID,), jnp.float32, -s1, s1)
    W1r = jax.random.uniform(ks[4], (D_HID, D_IN), jnp.float32, -s1, s1)
    W2l = jax.random.uniform(ks[5], (D_OUT, D_HID), jnp.float32, -s2, s2)
    b2l = jax.random.uniform(ks[6], (D_OUT,), jnp.float32, -s2, s2)
    W2r = jax.random.uniform(ks[7], (D_OUT, D_HID), jnp.float32, -s2, s2)
    return {"x": x, "edge_index": edge_index, "W1l": W1l, "b1l": b1l, "W1r": W1r, "W2l": W2l, "b2l": b2l, "W2r": W2r}


def _sage_conv(x, edge_index, Wl, bl, Wr):
    # SAGEConv with mean aggregation:
    # out_i = Wl @ mean_{j in N(i)} x_j + bl + Wr @ x_i
    src = edge_index[0]
    dst = edge_index[1]
    msgs = jnp.take(x, src, axis=0)                       # gather [E, d]
    sums = jax.ops.segment_sum(msgs, dst, num_segments=x.shape[0])
    counts = jax.ops.segment_sum(jnp.ones((edge_index.shape[1],), dtype=x.dtype), dst, num_segments=x.shape[0])
    mean = sums / jnp.clip(counts, 1.0)[:, None]
    return mean @ Wl.T + bl + x @ Wr.T


def reference(x, edge_index, W1l, b1l, W1r, W2l, b2l, W2r):
    hid = _sage_conv(x, edge_index, W1l, b1l, W1r)
    hid = jax.nn.relu(hid)
    out = _sage_conv(hid, edge_index, W2l, b2l, W2r)
    out = jax.nn.relu(out)
    return out

if __name__ == "__main__":
    import jax
    _d = setup_inputs()
    print(jax.jit(kernel)(*tuple(_d.values())))

</pallas_src>

<mosaic_0001>
#map = affine_map<(d0, d1) -> (0, 0)>
#map1 = affine_map<(d0, d1) -> (0, 0, 0)>
module attributes {stable_mosaic.version = 14 : i64} {
  func.func @_agg_body(%arg0: i32, %arg1: i32, %arg2: memref<10000x128xf32, #tpu.memory_space<hbm>>, %arg3: memref<5120x2x64xi32, #tpu.memory_space<hbm>>, %arg4: memref<2x10240x128xf32, #tpu.memory_space<hbm>>, %arg5: memref<32x80x128xf32, #tpu.memory_space<hbm>>, %arg6: memref<2x32x2x64xi32, #tpu.memory_space<vmem>>, %arg7: memref<64x128xf32, #tpu.memory_space<vmem>>, %arg8: memref<64x128xf32, #tpu.memory_space<vmem>>, %arg9: memref<64x128xf32, #tpu.memory_space<vmem>>, %arg10: memref<80x128xf32, #tpu.memory_space<vmem>>, %arg11: memref<10240x128xf32, #tpu.memory_space<vmem_shared>>, %arg12: memref<!tpu.dma_semaphore, #tpu.memory_space<semaphore_mem>>, %arg13: memref<!tpu.dma_semaphore, #tpu.memory_space<semaphore_mem>>, %arg14: memref<!tpu.dma_semaphore, #tpu.memory_space<semaphore_mem>>, %arg15: memref<!tpu.dma_semaphore, #tpu.memory_space<semaphore_mem>>, %arg16: memref<!tpu.dma_semaphore, #tpu.memory_space<semaphore_mem>>, %arg17: memref<!tpu.dma_semaphore, #tpu.memory_space<semaphore_mem>>, %arg18: memref<!tpu.dma_semaphore, #tpu.memory_space<semaphore_mem>>) attributes {dimension_semantics = [#tpu.dimension_semantics<core_parallel>, #tpu.dimension_semantics<subcore_parallel>], iteration_bounds = array<i64: 2, 16>, scalar_prefetch = 0 : i64, scratch_operands = 13 : i64, tpu.core_type = #tpu.core_type<sc_vector_subcore>, window_params = [{transform_indices = #map}, {transform_indices = #map1}, {transform_indices = #map1}, {transform_indices = #map1}]} {
    %mul3A = arith.constant 2 : i32
    %mul3A_0 = arith.muli %arg1, %mul3A : i32
    %add3A = arith.addi %mul3A_0, %arg0 : i32
    %mul3A_1 = arith.constant 160 : i32
    %mul3A_2 = arith.muli %add3A, %mul3A_1 : i32
    %scan3A = arith.constant 0 : i32
    %scan3A_3 = arith.constant 0 : i32
    %scan3A_4 = arith.constant 64 : i32
    %scan3A_5 = arith.addi %scan3A_3, %scan3A_4 : i32
    %scan3A_6 = arith.constant 1 : i32
    scf.for %scan3A_130 = %scan3A_3 to %scan3A_5 step %scan3A_6  : i32 {
      %broadcast_in_dim3A_131 = arith.constant 0.000000e+00 : f32
      %broadcast_in_dim3A_132 = vector.broadcast %broadcast_in_dim3A_131 : f32 to vector<16xf32>
      %swap3A = arith.index_cast %scan3A_130 : i32 to index
      %swap3A_133 = arith.constant 0 : index
      %swap3A_134 = tpu.vector_load %arg7[%swap3A, %swap3A_133] {strides = array<i32>} : memref<64x128xf32, #tpu.memory_space<vmem>>, vector<16xf32>,
      tpu.vector_store %arg7[%swap3A, %swap3A_133], %broadcast_in_dim3A_132 {strides = array<i32>} : memref<64x128xf32, #tpu.memory_space<vmem>>, vector<16xf32>,
      %broadcast_in_dim3A_135 = arith.constant 0.000000e+00 : f32
      %broadcast_in_dim3A_136 = vector.broadcast %broadcast_in_dim3A_135 : f32 to vector<16xf32>
      %swap3A_137 = arith.index_cast %scan3A_130 : i32 to index
      %swap3A_138 = arith.constant 16 : index
      %swap3A_139 = tpu.vector_load %arg7[%swap3A_137, %swap3A_138] {strides = array<i32>} : memref<64x128xf32, #tpu.memory_space<vmem>>, vector<16xf32>,
      tpu.vector_store %arg7[%swap3A_137, %swap3A_138], %broadcast_in_dim3A_136 {strides = array<i32>} : memref<64x128xf32, #tpu.memory_space<vmem>>, vector<16xf32>,
      %broadcast_in_dim3A_140 = arith.constant 0.000000e+00 : f32
      %broadcast_in_dim3A_141 = vector.broadcast %broadcast_in_dim3A_140 : f32 to vector<16xf32>
      %swap3A_142 = arith.index_cast %scan3A_130 : i32 to index
      %swap3A_143 = arith.constant 32 : index
      %swap3A_144 = tpu.vector_load %arg7[%swap3A_142, %swap3A_143] {strides = array<i32>} : memref<64x128xf32, #tpu.memory_space<vmem>>, vector<16xf32>,
      tpu.vector_store %arg7[%swap3A_142, %swap3A_143], %broadcast_in_dim3A_141 {strides = array<i32>} : memref<64x128xf32, #tpu.memory_space<vmem>>, vector<16xf32>,
      %broadcast_in_dim3A_145 = arith.constant 0.000000e+00 : f32
      %broadcast_in_dim3A_146 = vector.broadcast %broadcast_in_dim3A_145 : f32 to vector<16xf32>
      %swap3A_147 = arith.index_cast %scan3A_130 : i32 to index
      %swap3A_148 = arith.constant 48 : index
      %swap3A_149 = tpu.vector_load %arg7[%swap3A_147, %swap3A_148] {strides = array<i32>} : memref<64x128xf32, #tpu.memory_space<vmem>>, vector<16xf32>,
      tpu.vector_store %arg7[%swap3A_147, %swap3A_148], %broadcast_in_dim3A_146 {strides = array<i32>} : memref<64x128xf32, #tpu.memory_space<vmem>>, vector<16xf32>,
      %broadcast_in_dim3A_150 = arith.constant 0.000000e+00 : f32
      %broadcast_in_dim3A_151 = vector.broadcast %broadcast_in_dim3A_150 : f32 to vector<16xf32>
      %swap3A_152 = arith.index_cast %scan3A_130 : i32 to index
      %swap3A_153 = arith.constant 64 : index
      %swap3A_154 = tpu.vector_load %arg7[%swap3A_152, %swap3A_153] {strides = array<i32>} : memref<64x128xf32, #tpu.memory_space<vmem>>, vector<16xf32>,
      tpu.vector_store %arg7[%swap3A_152, %swap3A_153], %broadcast_in_dim3A_151 {strides = array<i32>} : memref<64x128xf32, #tpu.memory_space<vmem>>, vector<16xf32>,
      %broadcast_in_dim3A_155 = arith.constant 0.000000e+00 : f32
      %broadcast_in_dim3A_156 = vector.broadcast %broadcast_in_dim3A_155 : f32 to vector<16xf32>
      %swap3A_157 = arith.index_cast %scan3A_130 : i32 to index
      %swap3A_158 = arith.constant 80 : index
      %swap3A_159 = tpu.vector_load %arg7[%swap3A_157, %swap3A_158] {strides = array<i32>} : memref<64x128xf32, #tpu.memory_space<vmem>>, vector<16xf32>,
      tpu.vector_store %arg7[%swap3A_157, %swap3A_158], %broadcast_in_dim3A_156 {strides = array<i32>} : memref<64x128xf32, #tpu.memory_space<vmem>>, vector<16xf32>,
      %broadcast_in_dim3A_160 = arith.constant 0.000000e+00 : f32
      %broadcast_in_dim3A_161 = vector.broadcast %broadcast_in_dim3A_160 : f32 to vector<16xf32>
      %swap3A_162 = arith.index_cast %scan3A_130 : i32 to index
      %swap3A_163 = arith.constant 96 : index
      %swap3A_164 = tpu.vector_load %arg7[%swap3A_162, %swap3A_163] {strides = array<i32>} : memref<64x128xf32, #tpu.memory_space<vmem>>, vector<16xf32>,
      tpu.vector_store %arg7[%swap3A_162, %swap3A_163], %broadcast_in_dim3A_161 {strides = array<i32>} : memref<64x128xf32, #tpu.memory_space<vmem>>, vector<16xf32>,
      %broadcast_in_dim3A_165 = arith.constant 0.000000e+00 : f32
      %broadcast_in_dim3A_166 = vector.broadcast %broadcast_in_dim3A_165 : f32 to vector<16xf32>
      %swap3A_167 = arith.index_cast %scan3A_130 : i32 to index
      %swap3A_168 = arith.constant 112 : index
      %swap3A_169 = tpu.vector_load %arg7[%swap3A_167, %swap3A_168] {strides = array<i32>} : memref<64x128xf32, #tpu.memory_space<vmem>>, vector<16xf32>,
      tpu.vector_store %arg7[%swap3A_167, %swap3A_168], %broadcast_in_dim3A_166 {strides = array<i32>} : memref<64x128xf32, #tpu.memory_space<vmem>>, vector<16xf32>,
    }
    %scan3A_7 = arith.constant 64 : i32
    %scan3A_8 = arith.constant 0 : i32
    %scan3A_9 = arith.constant 0 : i32
    %scan3A_10 = arith.constant 80 : i32
    %scan3A_11 = arith.addi %scan3A_9, %scan3A_10 : i32
    %scan3A_12 = arith.constant 1 : i32
    scf.for %scan3A_130 = %scan3A_9 to %scan3A_11 step %scan3A_12  : i32 {
      %broadcast_in_dim3A_131 = arith.constant 0.000000e+00 : f32
      %broadcast_in_dim3A_132 = vector.broadcast %broadcast_in_dim3A_131 : f32 to vector<16xf32>
      %swap3A = arith.index_cast %scan3A_130 : i32 to index
      %swap3A_133 = arith.constant 0 : index
      %swap3A_134 = tpu.vector_load %arg10[%swap3A, %swap3A_133] {strides = array<i32>} : memref<80x128xf32, #tpu.memory_space<vmem>>, vector<16xf32>,
      tpu.vector_store %arg10[%swap3A, %swap3A_133], %broadcast_in_dim3A_132 {strides = array<i32>} : memref<80x128xf32, #tpu.memory_space<vmem>>, vector<16xf32>,
      %broadcast_in_dim3A_135 = arith.constant 0.000000e+00 : f32
      %broadcast_in_dim3A_136 = vector.broadcast %broadcast_in_dim3A_135 : f32 to vector<16xf32>
      %swap3A_137 = arith.index_cast %scan3A_130 : i32 to index
      %swap3A_138 = arith.constant 16 : index
      %swap3A_139 = tpu.vector_load %arg10[%swap3A_137, %swap3A_138] {strides = array<i32>} : memref<80x128xf32, #tpu.memory_space<vmem>>, vector<16xf32>,
      tpu.vector_store %arg10[%swap3A_137, %swap3A_138], %broadcast_in_dim3A_136 {strides = array<i32>} : memref<80x128xf32, #tpu.memory_space<vmem>>, vector<16xf32>,
      %broadcast_in_dim3A_140 = arith.constant 0.000000e+00 : f32
      %broadcast_in_dim3A_141 = vector.broadcast %broadcast_in_dim3A_140 : f32 to vector<16xf32>
      %swap3A_142 = arith.index_cast %scan3A_130 : i32 to index
      %swap3A_143 = arith.constant 32 : index
      %swap3A_144 = tpu.vector_load %arg10[%swap3A_142, %swap3A_143] {strides = array<i32>} : memref<80x128xf32, #tpu.memory_space<vmem>>, vector<16xf32>,
      tpu.vector_store %arg10[%swap3A_142, %swap3A_143], %broadcast_in_dim3A_141 {strides = array<i32>} : memref<80x128xf32, #tpu.memory_space<vmem>>, vector<16xf32>,
      %broadcast_in_dim3A_145 = arith.constant 0.000000e+00 : f32
      %broadcast_in_dim3A_146 = vector.broadcast %broadcast_in_dim3A_145 : f32 to vector<16xf32>
      %swap3A_147 = arith.index_cast %scan3A_130 : i32 to index
      %swap3A_148 = arith.constant 48 : index
      %swap3A_149 = tpu.vector_load %arg10[%swap3A_147, %swap3A_148] {strides = array<i32>} : memref<80x128xf32, #tpu.memory_space<vmem>>, vector<16xf32>,
      tpu.vector_store %arg10[%swap3A_147, %swap3A_148], %broadcast_in_dim3A_146 {strides = array<i32>} : memref<80x128xf32, #tpu.memory_space<vmem>>, vector<16xf32>,
      %broadcast_in_dim3A_150 = arith.constant 0.000000e+00 : f32
      %broadcast_in_dim3A_151 = vector.broadcast %broadcast_in_dim3A_150 : f32 to vector<16xf32>
      %swap3A_152 = arith.index_cast %scan3A_130 : i32 to index
      %swap3A_153 = arith.constant 64 : index
      %swap3A_154 = tpu.vector_load %arg10[%swap3A_152, %swap3A_153] {strides = array<i32>} : memref<80x128xf32, #tpu.memory_space<vmem>>, vector<16xf32>,
      tpu.vector_store %arg10[%swap3A_152, %swap3A_153], %broadcast_in_dim3A_151 {strides = array<i32>} : memref<80x128xf32, #tpu.memory_space<vmem>>, vector<16xf32>,
      %broadcast_in_dim3A_155 = arith.constant 0.000000e+00 : f32
      %broadcast_in_dim3A_156 = vector.broadcast %broadcast_in_dim3A_155 : f32 to vector<16xf32>
      %swap3A_157 = arith.index_cast %scan3A_130 : i32 to index
      %swap3A_158 = arith.constant 80 : index
      %swap3A_159 = tpu.vector_load %arg10[%swap3A_157, %swap3A_158] {strides = array<i32>} : memref<80x128xf32, #tpu.memory_space<vmem>>, vector<16xf32>,
      tpu.vector_store %arg10[%swap3A_157, %swap3A_158], %broadcast_in_dim3A_156 {strides = array<i32>} : memref<80x128xf32, #tpu.memory_space<vmem>>, vector<16xf32>,
      %broadcast_in_dim3A_160 = arith.constant 0.000000e+00 : f32
      %broadcast_in_dim3A_161 = vector.broadcast %broadcast_in_dim3A_160 : f32 to vector<16xf32>
      %swap3A_162 = arith.index_cast %scan3A_130 : i32 to index
      %swap3A_163 = arith.constant 96 : index
      %swap3A_164 = tpu.vector_load %arg10[%swap3A_162, %swap3A_163] {strides = array<i32>} : memref<80x128xf32, #tpu.memory_space<vmem>>, vector<16xf32>,
      tpu.vector_store %arg10[%swap3A_162, %swap3A_163], %broadcast_in_dim3A_161 {strides = array<i32>} : memref<80x128xf32, #tpu.memory_space<vmem>>, vector<16xf32>,
      %broadcast_in_dim3A_165 = arith.constant 0.000000e+00 : f32
      %broadcast_in_dim3A_166 = vector.broadcast %broadcast_in_dim3A_165 : f32 to vector<16xf32>
      %swap3A_167 = arith.index_cast %scan3A_130 : i32 to index
      %swap3A_168 = arith.constant 112 : index
      %swap3A_169 = tpu.vector_load %arg10[%swap3A_167, %swap3A_168] {strides = array<i32>} : memref<80x128xf32, #tpu.memory_space<vmem>>, vector<16xf32>,
      tpu.vector_store %arg10[%swap3A_167, %swap3A_168], %broadcast_in_dim3A_166 {strides = array<i32>} : memref<80x128xf32, #tpu.memory_space<vmem>>, vector<16xf32>,
    }
    %scan3A_13 = arith.constant 80 : i32
    %mul3A_14 = arith.constant 640 : i32
    %mul3A_15 = arith.muli %arg1, %mul3A_14 : i32
    %scan3A_16 = arith.constant 0 : i32
    %scan3A_17 = arith.constant 0 : i32
    %scan3A_18 = arith.constant 10 : i32
    %scan3A_19 = arith.addi %scan3A_17, %scan3A_18 : i32
    %scan3A_20 = arith.constant 1 : i32
    scf.for %scan3A_130 = %scan3A_17 to %scan3A_19 step %scan3A_20  : i32 {
      %mul3A_131 = arith.constant 64 : i32
      %mul3A_132 = arith.muli %scan3A_130, %mul3A_131 : i32
      %add3A_133 = arith.addi %mul3A_15, %mul3A_132 : i32
      "tpu.region"() ({
        %run_scoped3A_134 = tpu.sem_alloc : memref<!tpu.dma_semaphore, #tpu.memory_space<semaphore_mem>>
        %dma_start3A_135 = arith.constant 0 : i32
        %dma_start3A_136 = tpu.memref_slice %arg11[%add3A_133, %dma_start3A_135] : memref<10240x128xf32, #tpu.memory_space<vmem_shared>> -> memref<64x128xf32, #tpu.memory_space<vmem_shared>>
        %dma_start3A_137 = arith.constant 0 : i32
        %dma_start3A_138 = tpu.memref_slice %arg11[%add3A_133, %dma_start3A_137] : memref<10240x128xf32, #tpu.memory_space<vmem_shared>> -> memref<64x128xf32, #tpu.memory_space<vmem_shared>>
        tpu.enqueue_dma source(%arg7 : memref<64x128xf32, #tpu.memory_space<vmem>>) target(%dma_start3A_138 : memref<64x128xf32, #tpu.memory_space<vmem_shared>>) target_semaphore(%run_scoped3A_134 : memref<!tpu.dma_semaphore, #tpu.memory_space<semaphore_mem>>)
        %dma_wait3A_139 = arith.constant 0 : i32
        %dma_wait3A_140 = tpu.memref_slice %arg11[%add3A_133, %dma_wait3A_139] : memref<10240x128xf32, #tpu.memory_space<vmem_shared>> -> memref<64x128xf32, #tpu.memory_space<vmem_shared>>
        %dma_wait3A_141 = arith.constant 0 : i32
        %dma_wait3A_142 = tpu.memref_slice %arg11[%add3A_133, %dma_wait3A_141] : memref<10240x128xf32, #tpu.memory_space<vmem_shared>> -> memref<64x128xf32, #tpu.memory_space<vmem_shared>>
        tpu.wait_dma2 semaphore(%run_scoped3A_134 : memref<!tpu.dma_semaphore, #tpu.memory_space<semaphore_mem>>) src(%arg7 : memref<64x128xf32, #tpu.memory_space<vmem>>) dst(%dma_wait3A_142 : memref<64x128xf32, #tpu.memory_space<vmem_shared>>)
        tpu.yield
      }) : () -> ()
    }
    %scan3A_21 = arith.constant 10 : i32
    %barrier3A = arith.constant 0 : index
    tpu.barrier barrier_id(%barrier3A)
    %run_scoped3A = arith.constant 0 : i32
    "tpu.region"() ({
      %run_scoped3A_130 = tpu.sem_alloc : memref<!tpu.dma_semaphore, #tpu.memory_space<semaphore_mem>>
      %dma_start3A_131 = arith.constant 0 : i32
      %dma_start3A_132 = arith.constant 0 : i32
      %dma_start3A_133 = arith.constant 0 : i32
      %dma_start3A_134 = tpu.memref_slice %arg6[%run_scoped3A, %dma_start3A_131, %dma_start3A_132, %dma_start3A_133] : memref<2x32x2x64xi32, #tpu.memory_space<vmem>> -> memref<1x32x2x64xi32, #tpu.memory_space<vmem>>
      %dma_start3A_135 = tpu.memref_squeeze %dma_start3A_134 : memref<1x32x2x64xi32, #tpu.memory_space<vmem>> -> memref<32x2x64xi32, #tpu.memory_space<vmem>>
      %dma_start3A_136 = arith.constant 0 : i32
      %dma_start3A_137 = arith.constant 0 : i32
      %dma_start3A_138 = tpu.memref_slice %arg3[%mul3A_2, %dma_start3A_136, %dma_start3A_137] : memref<5120x2x64xi32, #tpu.memory_space<hbm>> -> memref<32x2x64xi32, #tpu.memory_space<hbm>>
      %dma_start3A_139 = arith.constant 0 : i32
      %dma_start3A_140 = arith.constant 0 : i32
      %dma_start3A_141 = arith.constant 0 : i32
      %dma_start3A_142 = tpu.memref_slice %arg6[%run_scoped3A, %dma_start3A_139, %dma_start3A_140, %dma_start3A_141] : memref<2x32x2x64xi32, #tpu.memory_space<vmem>> -> memref<1x32x2x64xi32, #tpu.memory_space<vmem>>
      %dma_start3A_143 = tpu.memref_squeeze %dma_start3A_142 : memref<1x32x2x64xi32, #tpu.memory_space<vmem>> -> memref<32x2x64xi32, #tpu.memory_space<vmem>>
      %dma_start3A_144 = arith.constant 0 : i32
      %dma_start3A_145 = arith.constant 0 : i32
      %dma_start3A_146 = tpu.memref_slice %arg3[%mul3A_2, %dma_start3A_144, %dma_start3A_145] : memref<5120x2x64xi32, #tpu.memory_space<hbm>> -> memref<32x2x64xi32, #tpu.memory_space<hbm>>
      tpu.enqueue_dma source(%dma_start3A_146 : memref<32x2x64xi32, #tpu.memory_space<hbm>>) target(%dma_start3A_143 : memref<32x2x64xi32, #tpu.memory_space<vmem>>) target_semaphore(%run_scoped3A_130 : memref<!tpu.dma_semaphore, #tpu.memory_space<semaphore_mem>>)
      %dma_wait3A_147 = arith.constant 0 : i32
      %dma_wait3A_148 = arith.constant 0 : i32
      %dma_wait3A_149 = arith.constant 0 : i32
      %dma_wait3A_150 = tpu.memref_slice %arg6[%run_scoped3A, %dma_wait3A_147, %dma_wait3A_148, %dma_wait3A_149] : memref<2x32x2x64xi32, #tpu.memory_space<vmem>> -> memref<1x32x2x64xi32, #tpu.memory_space<vmem>>
      %dma_wait3A_151 = tpu.memref_squeeze %dma_wait3A_150 : memref<1x32x2x64xi32, #tpu.memory_space<vmem>> -> memref<32x2x64xi32, #tpu.memory_space<vmem>>
      %dma_wait3A_152 = arith.constant 0 : i32
      %dma_wait3A_153 = arith.constant 0 : i32
      %dma_wait3A_154 = tpu.memref_slice %arg3[%mul3A_2, %dma_wait3A_152, %dma_wait3A_153] : memref<5120x2x64xi32, #tpu.memory_space<hbm>> -> memref<32x2x64xi32, #tpu.memory_space<hbm>>
      %dma_wait3A_155 = arith.constant 0 : i32
      %dma_wait3A_156 = arith.constant 0 : i32
      %dma_wait3A_157 = arith.constant 0 : i32
      %dma_wait3A_158 = tpu.memref_slice %arg6[%run_scoped3A, %dma_wait3A_155, %dma_wait3A_156, %dma_wait3A_157] : memref<2x32x2x64xi32, #tpu.memory_space<vmem>> -> memref<1x32x2x64xi32, #tpu.memory_space<vmem>>
      %dma_wait3A_159 = tpu.memref_squeeze %dma_wait3A_158 : memref<1x32x2x64xi32, #tpu.memory_space<vmem>> -> memref<32x2x64xi32, #tpu.memory_space<vmem>>
      %dma_wait3A_160 = arith.constant 0 : i32
      %dma_wait3A_161 = arith.constant 0 : i32
      %dma_wait3A_162 = tpu.memref_slice %arg3[%mul3A_2, %dma_wait3A_160, %dma_wait3A_161] : memref<5120x2x64xi32, #tpu.memory_space<hbm>> -> memref<32x2x64xi32, #tpu.memory_space<hbm>>
      tpu.wait_dma2 semaphore(%run_scoped3A_130 : memref<!tpu.dma_semaphore, #tpu.memory_space<semaphore_mem>>) src(%dma_wait3A_162 : memref<32x2x64xi32, #tpu.memory_space<hbm>>) dst(%dma_wait3A_159 : memref<32x2x64xi32, #tpu.memory_space<vmem>>)
      tpu.yield
    }) : () -> ()
    %broadcast_in_dim3A = arith.constant 1.000000e+00 : f32
    %broadcast_in_dim3A_22 = vector.broadcast %broadcast_in_dim3A : f32 to vector<16xf32>
    %rem3A = arith.constant 0 : i32
    %rem3A_23 = arith.constant 32 : i32
    %rem3A_24 = arith.remsi %rem3A, %rem3A_23 : i32
    %dma_start3A = arith.constant 0 : i32
    %dma_start3A_25 = arith.constant 0 : i32
    %dma_start3A_26 = arith.constant 0 : i32
    %dma_start3A_27 = tpu.memref_slice %arg6[%dma_start3A, %rem3A_24, %dma_start3A_25, %dma_start3A_26] : memref<2x32x2x64xi32, #tpu.memory_space<vmem>> -> memref<1x1x1x64xi32, #tpu.memory_space<vmem>>
    %dma_start3A_28 = tpu.memref_squeeze %dma_start3A_27 : memref<1x1x1x64xi32, #tpu.memory_space<vmem>> -> memref<64xi32, #tpu.memory_space<vmem>>
    %dma_start3A_29 = arith.constant 0 : i32
    %dma_start3A_30 = arith.constant 0 : i32
    %dma_start3A_31 = tpu.memref_slice %arg2[%dma_start3A_29, %dma_start3A_30] : memref<10000x128xf32, #tpu.memory_space<hbm>> -> memref<10000x128xf32, #tpu.memory_space<hbm>>
    tpu.enqueue_indirect_dma source(%dma_start3A_31 : memref<10000x128xf32, #tpu.memory_space<hbm>>) target(%arg7 : memref<64x128xf32, #tpu.memory_space<vmem>>) offsets(%dma_start3A_28 : memref<64xi32, #tpu.memory_space<vmem>>) semaphore(%arg12 : memref<!tpu.dma_semaphore, #tpu.memory_space<semaphore_mem>>)
    %rem3A_32 = arith.constant 1 : i32
    %rem3A_33 = arith.constant 32 : i32
    %rem3A_34 = arith.remsi %rem3A_32, %rem3A_33 : i32
    %dma_start3A_35 = arith.constant 0 : i32
    %dma_start3A_36 = arith.constant 0 : i32
    %dma_start3A_37 = arith.constant 0 : i32
    %dma_start3A_38 = tpu.memref_slice %arg6[%dma_start3A_35, %rem3A_34, %dma_start3A_36, %dma_start3A_37] : memref<2x32x2x64xi32, #tpu.memory_space<vmem>> -> memref<1x1x1x64xi32, #tpu.memory_space<vmem>>
    %dma_start3A_39 = tpu.memref_squeeze %dma_start3A_38 : memref<1x1x1x64xi32, #tpu.memory_space<vmem>> -> memref<64xi32, #tpu.memory_space<vmem>>
    %dma_start3A_40 = arith.constant 0 : i32
    %dma_start3A_41 = arith.constant 0 : i32
    %dma_start3A_42 = tpu.memref_slice %arg2[%dma_start3A_40, %dma_start3A_41] : memref<10000x128xf32, #tpu.memory_space<hbm>> -> memref<10000x128xf32, #tpu.memory_space<hbm>>
    tpu.enqueue_indirect_dma source(%dma_start3A_42 : memref<10000x128xf32, #tpu.memory_space<hbm>>) target(%arg8 : memref<64x128xf32, #tpu.memory_space<vmem>>) offsets(%dma_start3A_39 : memref<64xi32, #tpu.memory_space<vmem>>) semaphore(%arg13 : memref<!tpu.dma_semaphore, #tpu.memory_space<semaphore_mem>>)
    %scan3A_43 = arith.constant 0 : i32
    %scan3A_44 = arith.constant 0 : i32
    %scan3A_45 = arith.constant 53 : i32
    %scan3A_46 = arith.addi %scan3A_44, %scan3A_45 : i32
    %scan3A_47 = arith.constant 1 : i32
    scf.for %scan3A_130 = %scan3A_44 to %scan3A_46 step %scan3A_47  : i32 {
      %mul3A_131 = arith.constant 3 : i32
      %mul3A_132 = arith.muli %scan3A_130, %mul3A_131 : i32
      %jit3A = arith.constant 32 : i32
      %div3A = arith.divsi %mul3A_132, %jit3A : i32
      %sign3A = arith.constant 0 : i32
      %sign3A_133 = arith.cmpi sgt, %mul3A_132, %sign3A : i32
      %sign3A_134 = arith.extui %sign3A_133 : i1 to i32
      %sign3A_135 = arith.constant 0 : i32
      %sign3A_136 = arith.cmpi slt, %mul3A_132, %sign3A_135 : i32
      %sign3A_137 = arith.extui %sign3A_136 : i1 to i32
      %sign3A_138 = arith.subi %sign3A_134, %sign3A_137 : i32
      %sign3A_139 = arith.constant 0 : i32
      %sign3A_140 = arith.cmpi sgt, %jit3A, %sign3A_139 : i32
      %sign3A_141 = arith.extui %sign3A_140 : i1 to i32
      %sign3A_142 = arith.constant 0 : i32
      %sign3A_143 = arith.cmpi slt, %jit3A, %sign3A_142 : i32
      %sign3A_144 = arith.extui %sign3A_143 : i1 to i32
      %sign3A_145 = arith.subi %sign3A_141, %sign3A_144 : i32
      %ne3A = arith.cmpi ne, %sign3A_138, %sign3A_145 : i32
      %rem3A_146 = arith.remsi %mul3A_132, %jit3A : i32
      %ne3A_147 = arith.constant 0 : i32
      %ne3A_148 = arith.cmpi ne, %rem3A_146, %ne3A_147 : i32
      %and3A_149 = arith.andi %ne3A, %ne3A_148 : i1
      %sub3A = arith.constant 1 : i32
      %sub3A_150 = arith.subi %div3A, %sub3A : i32
      %select_n3A = arith.select %and3A_149, %sub3A_150, %div3A : i32
      %add3A_151 = arith.constant 1 : i32
      %add3A_152 = arith.addi %select_n3A, %add3A_151 : i32
      %ge3A = arith.constant 1 : i32
      %ge3A_153 = arith.cmpi sge, %mul3A_132, %ge3A : i32
      %convert_element_type3A = arith.extui %ge3A_153 : i1 to i32
      %cond3A = arith.constant 0 : i32
      %cond3A_154 = arith.cmpi ne, %convert_element_type3A, %cond3A : i32
      scf.if %cond3A_154 {
        %dma_wait3A_741 = arith.constant 0 : i32
        %dma_wait3A_742 = arith.constant 0 : i32
        %dma_wait3A_743 = tpu.memref_slice %arg11[%dma_wait3A_741, %dma_wait3A_742] : memref<10240x128xf32, #tpu.memory_space<vmem_shared>> -> memref<64x128xf32, #tpu.memory_space<vmem_shared>>
        %dma_wait3A_744 = arith.constant 0 : i32
        %dma_wait3A_745 = arith.constant 0 : i32
        %dma_wait3A_746 = tpu.memref_slice %arg11[%dma_wait3A_744, %dma_wait3A_745] : memref<10240x128xf32, #tpu.memory_space<vmem_shared>> -> memref<64x128xf32, #tpu.memory_space<vmem_shared>>
        tpu.wait_dma2 semaphore(%arg17 : memref<!tpu.dma_semaphore, #tpu.memory_space<semaphore_mem>>) src(%arg9 : memref<64x128xf32, #tpu.memory_space<vmem>>) dst(%dma_wait3A_746 : memref<64x128xf32, #tpu.memory_space<vmem_shared>>)
      } else {
      }
      %rem3A_155 = arith.constant 32 : i32
      %rem3A_156 = arith.remsi %mul3A_132, %rem3A_155 : i32
      %eq3A = arith.constant 0 : i32
      %eq3A_157 = arith.cmpi eq, %rem3A_156, %eq3A : i32
      %lt3A = arith.constant 5 : i32
      %lt3A_158 = arith.cmpi slt, %add3A_152, %lt3A : i32
      %and3A_159 = arith.andi %eq3A_157, %lt3A_158 : i1
      %convert_element_type3A_160 = arith.extui %and3A_159 : i1 to i32
      %cond3A_161 = arith.constant 0 : i32
      %cond3A_162 = arith.cmpi ne, %convert_element_type3A_160, %cond3A_161 : i32
      scf.if %cond3A_162 {
        %mul3A_741 = arith.constant 32 : i32
        %mul3A_742 = arith.muli %add3A_152, %mul3A_741 : i32
        %add3A_743 = arith.addi %mul3A_2, %mul3A_742 : i32
        %rem3A_744 = arith.constant 2 : i32
        %rem3A_745 = arith.remsi %add3A_152, %rem3A_744 : i32
        %dma_start3A_746 = arith.constant 0 : i32
        %dma_start3A_747 = arith.constant 0 : i32
        %dma_start3A_748 = arith.constant 0 : i32
        %dma_start3A_749 = tpu.memref_slice %arg6[%rem3A_745, %dma_start3A_746, %dma_start3A_747, %dma_start3A_748] : memref<2x32x2x64xi32, #tpu.memory_space<vmem>> -> memref<1x32x2x64xi32, #tpu.memory_space<vmem>>
        %dma_start3A_750 = tpu.memref_squeeze %dma_start3A_749 : memref<1x32x2x64xi32, #tpu.memory_space<vmem>> -> memref<32x2x64xi32, #tpu.memory_space<vmem>>
        %dma_start3A_751 = arith.constant 0 : i32
        %dma_start3A_752 = arith.constant 0 : i32
        %dma_start3A_753 = tpu.memref_slice %arg3[%add3A_743, %dma_start3A_751, %dma_start3A_752] : memref<5120x2x64xi32, #tpu.memory_space<hbm>> -> memref<32x2x64xi32, #tpu.memory_space<hbm>>
        %dma_start3A_754 = arith.constant 0 : i32
        %dma_start3A_755 = arith.constant 0 : i32
        %dma_start3A_756 = arith.constant 0 : i32
        %dma_start3A_757 = tpu.memref_slice %arg6[%rem3A_745, %dma_start3A_754, %dma_start3A_755, %dma_start3A_756] : memref<2x32x2x64xi32, #tpu.memory_space<vmem>> -> memref<1x32x2x64xi32, #tpu.memory_space<vmem>>
        %dma_start3A_758 = tpu.memref_squeeze %dma_start3A_757 : memref<1x32x2x64xi32, #tpu.memory_space<vmem>> -> memref<32x2x64xi32, #tpu.memory_space<vmem>>
        %dma_start3A_759 = arith.constant 0 : i32
        %dma_start3A_760 = arith.constant 0 : i32
        %dma_start3A_761 = tpu.memref_slice %arg3[%add3A_743, %dma_start3A_759, %dma_start3A_760] : memref<5120x2x64xi32, #tpu.memory_space<hbm>> -> memref<32x2x64xi32, #tpu.memory_space<hbm>>
        tpu.enqueue_dma source(%dma_start3A_761 : memref<32x2x64xi32, #tpu.memory_space<hbm>>) target(%dma_start3A_758 : memref<32x2x64xi32, #tpu.memory_space<vmem>>) target_semaphore(%arg18 : memref<!tpu.dma_semaphore, #tpu.memory_space<semaphore_mem>>)
      } else {
      }
      %rem3A_163 = arith.constant 32 : i32
      %rem3A_164 = arith.remsi %mul3A_132, %rem3A_163 : i32
      %eq3A_165 = arith.constant 30 : i32
      %eq3A_166 = arith.cmpi eq, %rem3A_164, %eq3A_165 : i32
      %lt3A_167 = arith.constant 5 : i32
      %lt3A_168 = arith.cmpi slt, %add3A_152, %lt3A_167 : i32
      %and3A_169 = arith.andi %eq3A_166, %lt3A_168 : i1
      %convert_element_type3A_170 = arith.extui %and3A_169 : i1 to i32
      %cond3A_171 = arith.constant 0 : i32
      %cond3A_172 = arith.cmpi ne, %convert_element_type3A_170, %cond3A_171 : i32
      scf.if %cond3A_172 {
        %dma_wait3A_741 = arith.constant 0 : i32
        %dma_wait3A_742 = arith.constant 0 : i32
        %dma_wait3A_743 = arith.constant 0 : i32
        %dma_wait3A_744 = arith.constant 0 : i32
        %dma_wait3A_745 = tpu.memref_slice %arg6[%dma_wait3A_741, %dma_wait3A_742, %dma_wait3A_743, %dma_wait3A_744] : memref<2x32x2x64xi32, #tpu.memory_space<vmem>> -> memref<1x32x2x64xi32, #tpu.memory_space<vmem>>
        %dma_wait3A_746 = tpu.memref_squeeze %dma_wait3A_745 : memref<1x32x2x64xi32, #tpu.memory_space<vmem>> -> memref<32x2x64xi32, #tpu.memory_space<vmem>>
        %dma_wait3A_747 = arith.constant 0 : i32
        %dma_wait3A_748 = arith.constant 0 : i32
        %dma_wait3A_749 = arith.constant 0 : i32
        %dma_wait3A_750 = tpu.memref_slice %arg3[%dma_wait3A_747, %dma_wait3A_748, %dma_wait3A_749] : memref<5120x2x64xi32, #tpu.memory_space<hbm>> -> memref<32x2x64xi32, #tpu.memory_space<hbm>>
        %dma_wait3A_751 = arith.constant 0 : i32
        %dma_wait3A_752 = arith.constant 0 : i32
        %dma_wait3A_753 = arith.constant 0 : i32
        %dma_wait3A_754 = tpu.memref_slice %arg6[%dma_wait3A_741, %dma_wait3A_751, %dma_wait3A_752, %dma_wait3A_753] : memref<2x32x2x64xi32, #tpu.memory_space<vmem>> -> memref<1x32x2x64xi32, #tpu.memory_space<vmem>>
        %dma_wait3A_755 = tpu.memref_squeeze %dma_wait3A_754 : memref<1x32x2x64xi32, #tpu.memory_space<vmem>> -> memref<32x2x64xi32, #tpu.memory_space<vmem>>
        %dma_wait3A_756 = arith.constant 0 : i32
        %dma_wait3A_757 = arith.constant 0 : i32
        %dma_wait3A_758 = arith.constant 0 : i32
        %dma_wait3A_759 = tpu.memref_slice %arg3[%dma_wait3A_756, %dma_wait3A_757, %dma_wait3A_758] : memref<5120x2x64xi32, #tpu.memory_space<hbm>> -> memref<32x2x64xi32, #tpu.memory_space<hbm>>
        tpu.wait_dma2 semaphore(%arg18 : memref<!tpu.dma_semaphore, #tpu.memory_space<semaphore_mem>>) src(%dma_wait3A_759 : memref<32x2x64xi32, #tpu.memory_space<hbm>>) dst(%dma_wait3A_755 : memref<32x2x64xi32, #tpu.memory_space<vmem>>)
      } else {
      }
      %add3A_173 = arith.constant 2 : i32
      %add3A_174 = arith.addi %mul3A_132, %add3A_173 : i32
      %lt3A_175 = arith.constant 160 : i32
      %lt3A_176 = arith.cmpi slt, %add3A_174, %lt3A_175 : i32
      %convert_element_type3A_177 = arith.extui %lt3A_176 : i1 to i32
      %cond3A_178 = arith.constant 0 : i32
      %cond3A_179 = arith.cmpi ne, %convert_element_type3A_177, %cond3A_178 : i32
      scf.if %cond3A_179 {
        %add3A_741 = arith.constant 2 : i32
        %add3A_742 = arith.addi %mul3A_132, %add3A_741 : i32
        %jit3A_743 = arith.constant 32 : i32
        %div3A_744 = arith.divsi %add3A_742, %jit3A_743 : i32
        %sign3A_745 = arith.constant 0 : i32
        %sign3A_746 = arith.cmpi sgt, %add3A_742, %sign3A_745 : i32
        %sign3A_747 = arith.extui %sign3A_746 : i1 to i32
        %sign3A_748 = arith.constant 0 : i32
        %sign3A_749 = arith.cmpi slt, %add3A_742, %sign3A_748 : i32
        %sign3A_750 = arith.extui %sign3A_749 : i1 to i32
        %sign3A_751 = arith.subi %sign3A_747, %sign3A_750 : i32
        %sign3A_752 = arith.constant 0 : i32
        %sign3A_753 = arith.cmpi sgt, %jit3A_743, %sign3A_752 : i32
        %sign3A_754 = arith.extui %sign3A_753 : i1 to i32
        %sign3A_755 = arith.constant 0 : i32
        %sign3A_756 = arith.cmpi slt, %jit3A_743, %sign3A_755 : i32
        %sign3A_757 = arith.extui %sign3A_756 : i1 to i32
        %sign3A_758 = arith.subi %sign3A_754, %sign3A_757 : i32
        %ne3A_759 = arith.cmpi ne, %sign3A_751, %sign3A_758 : i32
        %rem3A_760 = arith.remsi %add3A_742, %jit3A_743 : i32
        %ne3A_761 = arith.constant 0 : i32
        %ne3A_762 = arith.cmpi ne, %rem3A_760, %ne3A_761 : i32
        %and3A_763 = arith.andi %ne3A_759, %ne3A_762 : i1
        %sub3A_764 = arith.constant 1 : i32
        %sub3A_765 = arith.subi %div3A_744, %sub3A_764 : i32
        %select_n3A_766 = arith.select %and3A_763, %sub3A_765, %div3A_744 : i32
        %jit3A_767 = arith.constant 2 : i32
        %eq3A_768 = arith.constant 0 : i32
        %eq3A_769 = arith.cmpi eq, %jit3A_767, %eq3A_768 : i32
        %jit3A_770 = arith.constant 1 : i32
        %select_n3A_771 = arith.select %eq3A_769, %jit3A_770, %jit3A_767 : i32
        %rem3A_772 = arith.remsi %select_n3A_766, %select_n3A_771 : i32
        %ne3A_773 = arith.constant 0 : i32
        %ne3A_774 = arith.cmpi ne, %rem3A_772, %ne3A_773 : i32
        %lt3A_775 = arith.constant 0 : i32
        %lt3A_776 = arith.cmpi slt, %rem3A_772, %lt3A_775 : i32
        %lt3A_777 = arith.constant 0 : i32
        %lt3A_778 = arith.cmpi slt, %select_n3A_771, %lt3A_777 : i32
        %ne3A_779 = arith.xori %lt3A_776, %lt3A_778 : i1
        %and3A_780 = arith.andi %ne3A_779, %ne3A_774 : i1
        %add3A_781 = arith.addi %rem3A_772, %select_n3A_771 : i32
        %select_n3A_782 = arith.select %and3A_780, %add3A_781, %rem3A_772 : i32
        %rem3A_783 = arith.constant 32 : i32
        %rem3A_784 = arith.remsi %add3A_742, %rem3A_783 : i32
        %dma_start3A_785 = arith.constant 0 : i32
        %dma_start3A_786 = arith.constant 0 : i32
        %dma_start3A_787 = tpu.memref_slice %arg6[%select_n3A_782, %rem3A_784, %dma_start3A_785, %dma_start3A_786] : memref<2x32x2x64xi32, #tpu.memory_space<vmem>> -> memref<1x1x1x64xi32, #tpu.memory_space<vmem>>
        %dma_start3A_788 = tpu.memref_squeeze %dma_start3A_787 : memref<1x1x1x64xi32, #tpu.memory_space<vmem>> -> memref<64xi32, #tpu.memory_space<vmem>>
        %dma_start3A_789 = arith.constant 0 : i32
        %dma_start3A_790 = arith.constant 0 : i32
        %dma_start3A_791 = tpu.memref_slice %arg2[%dma_start3A_789, %dma_start3A_790] : memref<10000x128xf32, #tpu.memory_space<hbm>> -> memref<10000x128xf32, #tpu.memory_space<hbm>>
        tpu.enqueue_indirect_dma source(%dma_start3A_791 : memref<10000x128xf32, #tpu.memory_space<hbm>>) target(%arg9 : memref<64x128xf32, #tpu.memory_space<vmem>>) offsets(%dma_start3A_788 : memref<64xi32, #tpu.memory_space<vmem>>) semaphore(%arg14 : memref<!tpu.dma_semaphore, #tpu.memory_space<semaphore_mem>>)
      } else {
      }
      %dma_wait3A_180 = arith.constant 0 : i32
      %dma_wait3A_181 = arith.constant 0 : i32
      %dma_wait3A_182 = tpu.memref_slice %arg2[%dma_wait3A_180, %dma_wait3A_181] : memref<10000x128xf32, #tpu.memory_space<hbm>> -> memref<64x128xf32, #tpu.memory_space<hbm>>
      %dma_wait3A_183 = arith.constant 0 : i32
      %dma_wait3A_184 = arith.constant 0 : i32
      %dma_wait3A_185 = tpu.memref_slice %arg2[%dma_wait3A_183, %dma_wait3A_184] : memref<10000x128xf32, #tpu.memory_space<hbm>> -> memref<64x128xf32, #tpu.memory_space<hbm>>
      tpu.wait_dma2 semaphore(%arg12 : memref<!tpu.dma_semaphore, #tpu.memory_space<semaphore_mem>>) src(%dma_wait3A_185 : memref<64x128xf32, #tpu.memory_space<hbm>>) dst(%arg7 : memref<64x128xf32, #tpu.memory_space<vmem>>)
      %jit3A_186 = arith.constant 32 : i32
      %div3A_187 = arith.divsi %mul3A_132, %jit3A_186 : i32
      %sign3A_188 = arith.constant 0 : i32
      %sign3A_189 = arith.cmpi sgt, %mul3A_132, %sign3A_188 : i32
      %sign3A_190 = arith.extui %sign3A_189 : i1 to i32
      %sign3A_191 = arith.constant 0 : i32
      %sign3A_192 = arith.cmpi slt, %mul3A_132, %sign3A_191 : i32
      %sign3A_193 = arith.extui %sign3A_192 : i1 to i32
      %sign3A_194 = arith.subi %sign3A_190, %sign3A_193 : i32
      %sign3A_195 = arith.constant 0 : i32
      %sign3A_196 = arith.cmpi sgt, %jit3A_186, %sign3A_195 : i32
      %sign3A_197 = arith.extui %sign3A_196 : i1 to i32
      %sign3A_198 = arith.constant 0 : i32
      %sign3A_199 = arith.cmpi slt, %jit3A_186, %sign3A_198 : i32
      %sign3A_200 = arith.extui %sign3A_199 : i1 to i32
      %sign3A_201 = arith.subi %sign3A_197, %sign3A_200 : i32
      %ne3A_202 = arith.cmpi ne, %sign3A_194, %sign3A_201 : i32
      %rem3A_203 = arith.remsi %mul3A_132, %jit3A_186 : i32
      %ne3A_204 = arith.constant 0 : i32
      %ne3A_205 = arith.cmpi ne, %rem3A_203, %ne3A_204 : i32
      %and3A_206 = arith.andi %ne3A_202, %ne3A_205 : i1
      %sub3A_207 = arith.constant 1 : i32
      %sub3A_208 = arith.subi %div3A_187, %sub3A_207 : i32
      %select_n3A_209 = arith.select %and3A_206, %sub3A_208, %div3A_187 : i32
      %jit3A_210 = arith.constant 2 : i32
      %eq3A_211 = arith.constant 0 : i32
      %eq3A_212 = arith.cmpi eq, %jit3A_210, %eq3A_211 : i32
      %jit3A_213 = arith.constant 1 : i32
      %select_n3A_214 = arith.select %eq3A_212, %jit3A_213, %jit3A_210 : i32
      %rem3A_215 = arith.remsi %select_n3A_209, %select_n3A_214 : i32
      %ne3A_216 = arith.constant 0 : i32
      %ne3A_217 = arith.cmpi ne, %rem3A_215, %ne3A_216 : i32
      %lt3A_218 = arith.constant 0 : i32
      %lt3A_219 = arith.cmpi slt, %rem3A_215, %lt3A_218 : i32
      %lt3A_220 = arith.constant 0 : i32
      %lt3A_221 = arith.cmpi slt, %select_n3A_214, %lt3A_220 : i32
      %ne3A_222 = arith.xori %lt3A_219, %lt3A_221 : i1
      %and3A_223 = arith.andi %ne3A_222, %ne3A_217 : i1
      %add3A_224 = arith.addi %rem3A_215, %select_n3A_214 : i32
      %select_n3A_225 = arith.select %and3A_223, %add3A_224, %rem3A_215 : i32
      %rem3A_226 = arith.constant 32 : i32
      %rem3A_227 = arith.remsi %mul3A_132, %rem3A_226 : i32
      %dma_start3A_228 = arith.constant 1 : i32
      %dma_start3A_229 = arith.constant 0 : i32
      %dma_start3A_230 = tpu.memref_slice %arg6[%select_n3A_225, %rem3A_227, %dma_start3A_228, %dma_start3A_229] : memref<2x32x2x64xi32, #tpu.memory_space<vmem>> -> memref<1x1x1x64xi32, #tpu.memory_space<vmem>>
      %dma_start3A_231 = tpu.memref_squeeze %dma_start3A_230 : memref<1x1x1x64xi32, #tpu.memory_space<vmem>> -> memref<64xi32, #tpu.memory_space<vmem>>
      %dma_start3A_232 = arith.constant 0 : i32
      %dma_start3A_233 = arith.constant 0 : i32
      %dma_start3A_234 = tpu.memref_slice %arg11[%dma_start3A_232, %dma_start3A_233] : memref<10240x128xf32, #tpu.memory_space<vmem_shared>> -> memref<10240x128xf32, #tpu.memory_space<vmem_shared>>
      tpu.enqueue_indirect_dma source(%arg7 : memref<64x128xf32, #tpu.memory_space<vmem>>) target(%dma_start3A_234 : memref<10240x128xf32, #tpu.memory_space<vmem_shared>>) offsets(%dma_start3A_231 : memref<64xi32, #tpu.memory_space<vmem>>) semaphore(%arg15 : memref<!tpu.dma_semaphore, #tpu.memory_space<semaphore_mem>>) {add = true}
      %jit3A_235 = arith.constant 32 : i32
      %div3A_236 = arith.divsi %mul3A_132, %jit3A_235 : i32
      %sign3A_237 = arith.constant 0 : i32
      %sign3A_238 = arith.cmpi sgt, %mul3A_132, %sign3A_237 : i32
      %sign3A_239 = arith.extui %sign3A_238 : i1 to i32
      %sign3A_240 = arith.constant 0 : i32
      %sign3A_241 = arith.cmpi slt, %mul3A_132, %sign3A_240 : i32
      %sign3A_242 = arith.extui %sign3A_241 : i1 to i32
      %sign3A_243 = arith.subi %sign3A_239, %sign3A_242 : i32
      %sign3A_244 = arith.constant 0 : i32
      %sign3A_245 = arith.cmpi sgt, %jit3A_235, %sign3A_244 : i32
      %sign3A_246 = arith.extui %sign3A_245 : i1 to i32
      %sign3A_247 = arith.constant 0 : i32
      %sign3A_248 = arith.cmpi slt, %jit3A_235, %sign3A_247 : i32
      %sign3A_249 = arith.extui %sign3A_248 : i1 to i32
      %sign3A_250 = arith.subi %sign3A_246, %sign3A_249 : i32
      %ne3A_251 = arith.cmpi ne, %sign3A_243, %sign3A_250 : i32
      %rem3A_252 = arith.remsi %mul3A_132, %jit3A_235 : i32
      %ne3A_253 = arith.constant 0 : i32
      %ne3A_254 = arith.cmpi ne, %rem3A_252, %ne3A_253 : i32
      %and3A_255 = arith.andi %ne3A_251, %ne3A_254 : i1
      %sub3A_256 = arith.constant 1 : i32
      %sub3A_257 = arith.subi %div3A_236, %sub3A_256 : i32
      %select_n3A_258 = arith.select %and3A_255, %sub3A_257, %div3A_236 : i32
      %jit3A_259 = arith.constant 2 : i32
      %eq3A_260 = arith.constant 0 : i32
      %eq3A_261 = arith.cmpi eq, %jit3A_259, %eq3A_260 : i32
      %jit3A_262 = arith.constant 1 : i32
      %select_n3A_263 = arith.select %eq3A_261, %jit3A_262, %jit3A_259 : i32
      %rem3A_264 = arith.remsi %select_n3A_258, %select_n3A_263 : i32
      %ne3A_265 = arith.constant 0 : i32
      %ne3A_266 = arith.cmpi ne, %rem3A_264, %ne3A_265 : i32
      %lt3A_267 = arith.constant 0 : i32
      %lt3A_268 = arith.cmpi slt, %rem3A_264, %lt3A_267 : i32
      %lt3A_269 = arith.constant 0 : i32
      %lt3A_270 = arith.cmpi slt, %select_n3A_263, %lt3A_269 : i32
      %ne3A_271 = arith.xori %lt3A_268, %lt3A_270 : i1
      %and3A_272 = arith.andi %ne3A_271, %ne3A_266 : i1
      %add3A_273 = arith.addi %rem3A_264, %select_n3A_263 : i32
      %select_n3A_274 = arith.select %and3A_272, %add3A_273, %rem3A_264 : i32
      %rem3A_275 = arith.constant 32 : i32
      %rem3A_276 = arith.remsi %mul3A_132, %rem3A_275 : i32
      %get3A_277 = arith.constant 1 : i32
      %get3A_278 = arith.index_cast %select_n3A_274 : i32 to index
      %get3A_279 = arith.index_cast %rem3A_276 : i32 to index
      %get3A_280 = arith.index_cast %get3A_277 : i32 to index
      %get3A_281 = arith.constant 0 : index
      %get3A_282 = tpu.vector_load %arg6[%get3A_278, %get3A_279, %get3A_280, %get3A_281] {strides = array<i32>} : memref<2x32x2x64xi32, #tpu.memory_space<vmem>>, vector<16xi32>,
      %shift_right_logical3A_283 = arith.constant 7 : i32
      %shift_right_logical3A_284 = vector.broadcast %shift_right_logical3A_283 : i32 to vector<16xi32>
      %shift_right_logical3A_285 = arith.shrui %get3A_282, %shift_right_logical3A_284 : vector<16xi32>
      %and3A_286 = arith.constant 127 : i32
      %and3A_287 = vector.broadcast %and3A_286 : i32 to vector<16xi32>
      %and3A_288 = arith.andi %get3A_282, %and3A_287 : vector<16xi32>
      tpu.vector_store_idx %arg10[%shift_right_logical3A_285, %and3A_288], %broadcast_in_dim3A_22 {add = true} : memref<80x128xf32, #tpu.memory_space<vmem>>[vector<16xi32>, vector<16xi32>], vector<16xf32>,
      %get3A_289 = arith.constant 1 : i32
      %get3A_290 = arith.index_cast %select_n3A_274 : i32 to index
      %get3A_291 = arith.index_cast %rem3A_276 : i32 to index
      %get3A_292 = arith.index_cast %get3A_289 : i32 to index
      %get3A_293 = arith.constant 16 : index
      %get3A_294 = tpu.vector_load %arg6[%get3A_290, %get3A_291, %get3A_292, %get3A_293] {strides = array<i32>} : memref<2x32x2x64xi32, #tpu.memory_space<vmem>>, vector<16xi32>,
      %shift_right_logical3A_295 = arith.constant 7 : i32
      %shift_right_logical3A_296 = vector.broadcast %shift_right_logical3A_295 : i32 to vector<16xi32>
      %shift_right_logical3A_297 = arith.shrui %get3A_294, %shift_right_logical3A_296 : vector<16xi32>
      %and3A_298 = arith.constant 127 : i32
      %and3A_299 = vector.broadcast %and3A_298 : i32 to vector<16xi32>
      %and3A_300 = arith.andi %get3A_294, %and3A_299 : vector<16xi32>
      tpu.vector_store_idx %arg10[%shift_right_logical3A_297, %and3A_300], %broadcast_in_dim3A_22 {add = true} : memref<80x128xf32, #tpu.memory_space<vmem>>[vector<16xi32>, vector<16xi32>], vector<16xf32>,
      %get3A_301 = arith.constant 1 : i32
      %get3A_302 = arith.index_cast %select_n3A_274 : i32 to index
      %get3A_303 = arith.index_cast %rem3A_276 : i32 to index
      %get3A_304 = arith.index_cast %get3A_301 : i32 to index
      %get3A_305 = arith.constant 32 : index
      %get3A_306 = tpu.vector_load %arg6[%get3A_302, %get3A_303, %get3A_304, %get3A_305] {strides = array<i32>} : memref<2x32x2x64xi32, #tpu.memory_space<vmem>>, vector<16xi32>,
      %shift_right_logical3A_307 = arith.constant 7 : i32
      %shift_right_logical3A_308 = vector.broadcast %shift_right_logical3A_307 : i32 to vector<16xi32>
      %shift_right_logical3A_309 = arith.shrui %get3A_306, %shift_right_logical3A_308 : vector<16xi32>
      %and3A_310 = arith.constant 127 : i32
      %and3A_311 = vector.broadcast %and3A_310 : i32 to vector<16xi32>
      %and3A_312 = arith.andi %get3A_306, %and3A_311 : vector<16xi32>
      tpu.vector_store_idx %arg10[%shift_right_logical3A_309, %and3A_312], %broadcast_in_dim3A_22 {add = true} : memref<80x128xf32, #tpu.memory_space<vmem>>[vector<16xi32>, vector<16xi32>], vector<16xf32>,
      %get3A_313 = arith.constant 1 : i32
      %get3A_314 = arith.index_cast %select_n3A_274 : i32 to index
      %get3A_315 = arith.index_cast %rem3A_276 : i32 to index
      %get3A_316 = arith.index_cast %get3A_313 : i32 to index
      %get3A_317 = arith.constant 48 : index
      %get3A_318 = tpu.vector_load %arg6[%get3A_314, %get3A_315, %get3A_316, %get3A_317] {strides = array<i32>} : memref<2x32x2x64xi32, #tpu.memory_space<vmem>>, vector<16xi32>,
      %shift_right_logical3A_319 = arith.constant 7 : i32
      %shift_right_logical3A_320 = vector.broadcast %shift_right_logical3A_319 : i32 to vector<16xi32>
      %shift_right_logical3A_321 = arith.shrui %get3A_318, %shift_right_logical3A_320 : vector<16xi32>
      %and3A_322 = arith.constant 127 : i32
      %and3A_323 = vector.broadcast %and3A_322 : i32 to vector<16xi32>
      %and3A_324 = arith.andi %get3A_318, %and3A_323 : vector<16xi32>
      tpu.vector_store_idx %arg10[%shift_right_logical3A_321, %and3A_324], %broadcast_in_dim3A_22 {add = true} : memref<80x128xf32, #tpu.memory_space<vmem>>[vector<16xi32>, vector<16xi32>], vector<16xf32>,
      %mul3A_325 = arith.constant 3 : i32
      %mul3A_326 = arith.muli %scan3A_130, %mul3A_325 : i32
      %add3A_327 = arith.constant 1 : i32
      %add3A_328 = arith.addi %mul3A_326, %add3A_327 : i32
      %jit3A_329 = arith.constant 32 : i32
      %div3A_330 = arith.divsi %add3A_328, %jit3A_329 : i32
      %sign3A_331 = arith.constant 0 : i32
      %sign3A_332 = arith.cmpi sgt, %add3A_328, %sign3A_331 : i32
      %sign3A_333 = arith.extui %sign3A_332 : i1 to i32
      %sign3A_334 = arith.constant 0 : i32
      %sign3A_335 = arith.cmpi slt, %add3A_328, %sign3A_334 : i32
      %sign3A_336 = arith.extui %sign3A_335 : i1 to i32
      %sign3A_337 = arith.subi %sign3A_333, %sign3A_336 : i32
      %sign3A_338 = arith.constant 0 : i32
      %sign3A_339 = arith.cmpi sgt, %jit3A_329, %sign3A_338 : i32
      %sign3A_340 = arith.extui %sign3A_339 : i1 to i32
      %sign3A_341 = arith.constant 0 : i32
      %sign3A_342 = arith.cmpi slt, %jit3A_329, %sign3A_341 : i32
      %sign3A_343 = arith.extui %sign3A_342 : i1 to i32
      %sign3A_344 = arith.subi %sign3A_340, %sign3A_343 : i32
      %ne3A_345 = arith.cmpi ne, %sign3A_337, %sign3A_344 : i32
      %rem3A_346 = arith.remsi %add3A_328, %jit3A_329 : i32
      %ne3A_347 = arith.constant 0 : i32
      %ne3A_348 = arith.cmpi ne, %rem3A_346, %ne3A_347 : i32
      %and3A_349 = arith.andi %ne3A_345, %ne3A_348 : i1
      %sub3A_350 = arith.constant 1 : i32
      %sub3A_351 = arith.subi %div3A_330, %sub3A_350 : i32
      %select_n3A_352 = arith.select %and3A_349, %sub3A_351, %div3A_330 : i32
      %add3A_353 = arith.constant 1 : i32
      %add3A_354 = arith.addi %select_n3A_352, %add3A_353 : i32
      %dma_wait3A_355 = arith.constant 0 : i32
      %dma_wait3A_356 = arith.constant 0 : i32
      %dma_wait3A_357 = tpu.memref_slice %arg11[%dma_wait3A_355, %dma_wait3A_356] : memref<10240x128xf32, #tpu.memory_space<vmem_shared>> -> memref<64x128xf32, #tpu.memory_space<vmem_shared>>
      %dma_wait3A_358 = arith.constant 0 : i32
      %dma_wait3A_359 = arith.constant 0 : i32
      %dma_wait3A_360 = tpu.memref_slice %arg11[%dma_wait3A_358, %dma_wait3A_359] : memref<10240x128xf32, #tpu.memory_space<vmem_shared>> -> memref<64x128xf32, #tpu.memory_space<vmem_shared>>
      tpu.wait_dma2 semaphore(%arg15 : memref<!tpu.dma_semaphore, #tpu.memory_space<semaphore_mem>>) src(%arg7 : memref<64x128xf32, #tpu.memory_space<vmem>>) dst(%dma_wait3A_360 : memref<64x128xf32, #tpu.memory_space<vmem_shared>>)
      %rem3A_361 = arith.constant 32 : i32
      %rem3A_362 = arith.remsi %add3A_328, %rem3A_361 : i32
      %eq3A_363 = arith.constant 0 : i32
      %eq3A_364 = arith.cmpi eq, %rem3A_362, %eq3A_363 : i32
      %lt3A_365 = arith.constant 5 : i32
      %lt3A_366 = arith.cmpi slt, %add3A_354, %lt3A_365 : i32
      %and3A_367 = arith.andi %eq3A_364, %lt3A_366 : i1
      %convert_element_type3A_368 = arith.extui %and3A_367 : i1 to i32
      %cond3A_369 = arith.constant 0 : i32
      %cond3A_370 = arith.cmpi ne, %convert_element_type3A_368, %cond3A_369 : i32
      scf.if %cond3A_370 {
        %mul3A_741 = arith.constant 32 : i32
        %mul3A_742 = arith.muli %add3A_354, %mul3A_741 : i32
        %add3A_743 = arith.addi %mul3A_2, %mul3A_742 : i32
        %rem3A_744 = arith.constant 2 : i32
        %rem3A_745 = arith.remsi %add3A_354, %rem3A_744 : i32
        %dma_start3A_746 = arith.constant 0 : i32
        %dma_start3A_747 = arith.constant 0 : i32
        %dma_start3A_748 = arith.constant 0 : i32
        %dma_start3A_749 = tpu.memref_slice %arg6[%rem3A_745, %dma_start3A_746, %dma_start3A_747, %dma_start3A_748] : memref<2x32x2x64xi32, #tpu.memory_space<vmem>> -> memref<1x32x2x64xi32, #tpu.memory_space<vmem>>
        %dma_start3A_750 = tpu.memref_squeeze %dma_start3A_749 : memref<1x32x2x64xi32, #tpu.memory_space<vmem>> -> memref<32x2x64xi32, #tpu.memory_space<vmem>>
        %dma_start3A_751 = arith.constant 0 : i32
        %dma_start3A_752 = arith.constant 0 : i32
        %dma_start3A_753 = tpu.memref_slice %arg3[%add3A_743, %dma_start3A_751, %dma_start3A_752] : memref<5120x2x64xi32, #tpu.memory_space<hbm>> -> memref<32x2x64xi32, #tpu.memory_space<hbm>>
        %dma_start3A_754 = arith.constant 0 : i32
        %dma_start3A_755 = arith.constant 0 : i32
        %dma_start3A_756 = arith.constant 0 : i32
        %dma_start3A_757 = tpu.memref_slice %arg6[%rem3A_745, %dma_start3A_754, %dma_start3A_755, %dma_start3A_756] : memref<2x32x2x64xi32, #tpu.memory_space<vmem>> -> memref<1x32x2x64xi32, #tpu.memory_space<vmem>>
        %dma_start3A_758 = tpu.memref_squeeze %dma_start3A_757 : memref<1x32x2x64xi32, #tpu.memory_space<vmem>> -> memref<32x2x64xi32, #tpu.memory_space<vmem>>
        %dma_start3A_759 = arith.constant 0 : i32
        %dma_start3A_760 = arith.constant 0 : i32
        %dma_start3A_761 = tpu.memref_slice %arg3[%add3A_743, %dma_start3A_759, %dma_start3A_760] : memref<5120x2x64xi32, #tpu.memory_space<hbm>> -> memref<32x2x64xi32, #tpu.memory_space<hbm>>
        tpu.enqueue_dma source(%dma_start3A_761 : memref<32x2x64xi32, #tpu.memory_space<hbm>>) target(%dma_start3A_758 : memref<32x2x64xi32, #tpu.memory_space<vmem>>) target_semaphore(%arg18 : memref<!tpu.dma_semaphore, #tpu.memory_space<semaphore_mem>>)
      } else {
      }
      %rem3A_371 = arith.constant 32 : i32
      %rem3A_372 = arith.remsi %add3A_328, %rem3A_371 : i32
      %eq3A_373 = arith.constant 30 : i32
      %eq3A_374 = arith.cmpi eq, %rem3A_372, %eq3A_373 : i32
      %lt3A_375 = arith.constant 5 : i32
      %lt3A_376 = arith.cmpi slt, %add3A_354, %lt3A_375 : i32
      %and3A_377 = arith.andi %eq3A_374, %lt3A_376 : i1
      %convert_element_type3A_378 = arith.extui %and3A_377 : i1 to i32
      %cond3A_379 = arith.constant 0 : i32
      %cond3A_380 = arith.cmpi ne, %convert_element_type3A_378, %cond3A_379 : i32
      scf.if %cond3A_380 {
        %dma_wait3A_741 = arith.constant 0 : i32
        %dma_wait3A_742 = arith.constant 0 : i32
        %dma_wait3A_743 = arith.constant 0 : i32
        %dma_wait3A_744 = arith.constant 0 : i32
        %dma_wait3A_745 = tpu.memref_slice %arg6[%dma_wait3A_741, %dma_wait3A_742, %dma_wait3A_743, %dma_wait3A_744] : memref<2x32x2x64xi32, #tpu.memory_space<vmem>> -> memref<1x32x2x64xi32, #tpu.memory_space<vmem>>
        %dma_wait3A_746 = tpu.memref_squeeze %dma_wait3A_745 : memref<1x32x2x64xi32, #tpu.memory_space<vmem>> -> memref<32x2x64xi32, #tpu.memory_space<vmem>>
        %dma_wait3A_747 = arith.constant 0 : i32
        %dma_wait3A_748 = arith.constant 0 : i32
        %dma_wait3A_749 = arith.constant 0 : i32
        %dma_wait3A_750 = tpu.memref_slice %arg3[%dma_wait3A_747, %dma_wait3A_748, %dma_wait3A_749] : memref<5120x2x64xi32, #tpu.memory_space<hbm>> -> memref<32x2x64xi32, #tpu.memory_space<hbm>>
        %dma_wait3A_751 = arith.constant 0 : i32
        %dma_wait3A_752 = arith.constant 0 : i32
        %dma_wait3A_753 = arith.constant 0 : i32
        %dma_wait3A_754 = tpu.memref_slice %arg6[%dma_wait3A_741, %dma_wait3A_751, %dma_wait3A_752, %dma_wait3A_753] : memref<2x32x2x64xi32, #tpu.memory_space<vmem>> -> memref<1x32x2x64xi32, #tpu.memory_space<vmem>>
        %dma_wait3A_755 = tpu.memref_squeeze %dma_wait3A_754 : memref<1x32x2x64xi32, #tpu.memory_space<vmem>> -> memref<32x2x64xi32, #tpu.memory_space<vmem>>
        %dma_wait3A_756 = arith.constant 0 : i32
        %dma_wait3A_757 = arith.constant 0 : i32
        %dma_wait3A_758 = arith.constant 0 : i32
        %dma_wait3A_759 = tpu.memref_slice %arg3[%dma_wait3A_756, %dma_wait3A_757, %dma_wait3A_758] : memref<5120x2x64xi32, #tpu.memory_space<hbm>> -> memref<32x2x64xi32, #tpu.memory_space<hbm>>
        tpu.wait_dma2 semaphore(%arg18 : memref<!tpu.dma_semaphore, #tpu.memory_space<semaphore_mem>>) src(%dma_wait3A_759 : memref<32x2x64xi32, #tpu.memory_space<hbm>>) dst(%dma_wait3A_755 : memref<32x2x64xi32, #tpu.memory_space<vmem>>)
      } else {
      }
      %add3A_381 = arith.constant 2 : i32
      %add3A_382 = arith.addi %add3A_328, %add3A_381 : i32
      %lt3A_383 = arith.constant 160 : i32
      %lt3A_384 = arith.cmpi slt, %add3A_382, %lt3A_383 : i32
      %convert_element_type3A_385 = arith.extui %lt3A_384 : i1 to i32
      %cond3A_386 = arith.constant 0 : i32
      %cond3A_387 = arith.cmpi ne, %convert_element_type3A_385, %cond3A_386 : i32
      scf.if %cond3A_387 {
        %add3A_741 = arith.constant 2 : i32
        %add3A_742 = arith.addi %add3A_328, %add3A_741 : i32
        %jit3A_743 = arith.constant 32 : i32
        %div3A_744 = arith.divsi %add3A_742, %jit3A_743 : i32
        %sign3A_745 = arith.constant 0 : i32
        %sign3A_746 = arith.cmpi sgt, %add3A_742, %sign3A_745 : i32
        %sign3A_747 = arith.extui %sign3A_746 : i1 to i32
        %sign3A_748 = arith.constant 0 : i32
        %sign3A_749 = arith.cmpi slt, %add3A_742, %sign3A_748 : i32
        %sign3A_750 = arith.extui %sign3A_749 : i1 to i32
        %sign3A_751 = arith.subi %sign3A_747, %sign3A_750 : i32
        %sign3A_752 = arith.constant 0 : i32
        %sign3A_753 = arith.cmpi sgt, %jit3A_743, %sign3A_752 : i32
        %sign3A_754 = arith.extui %sign3A_753 : i1 to i32
        %sign3A_755 = arith.constant 0 : i32
        %sign3A_756 = arith.cmpi slt, %jit3A_743, %sign3A_755 : i32
        %sign3A_757 = arith.extui %sign3A_756 : i1 to i32
        %sign3A_758 = arith.subi %sign3A_754, %sign3A_757 : i32
        %ne3A_759 = arith.cmpi ne, %sign3A_751, %sign3A_758 : i32
        %rem3A_760 = arith.remsi %add3A_742, %jit3A_743 : i32
        %ne3A_761 = arith.constant 0 : i32
        %ne3A_762 = arith.cmpi ne, %rem3A_760, %ne3A_761 : i32
        %and3A_763 = arith.andi %ne3A_759, %ne3A_762 : i1
        %sub3A_764 = arith.constant 1 : i32
        %sub3A_765 = arith.subi %div3A_744, %sub3A_764 : i32
        %select_n3A_766 = arith.select %and3A_763, %sub3A_765, %div3A_744 : i32
        %jit3A_767 = arith.constant 2 : i32
        %eq3A_768 = arith.constant 0 : i32
        %eq3A_769 = arith.cmpi eq, %jit3A_767, %eq3A_768 : i32
        %jit3A_770 = arith.constant 1 : i32
        %select_n3A_771 = arith.select %eq3A_769, %jit3A_770, %jit3A_767 : i32
        %rem3A_772 = arith.remsi %select_n3A_766, %select_n3A_771 : i32
        %ne3A_773 = arith.constant 0 : i32
        %ne3A_774 = arith.cmpi ne, %rem3A_772, %ne3A_773 : i32
        %lt3A_775 = arith.constant 0 : i32
        %lt3A_776 = arith.cmpi slt, %rem3A_772, %lt3A_775 : i32
        %lt3A_777 = arith.constant 0 : i32
        %lt3A_778 = arith.cmpi slt, %select_n3A_771, %lt3A_777 : i32
        %ne3A_779 = arith.xori %lt3A_776, %lt3A_778 : i1
        %and3A_780 = arith.andi %ne3A_779, %ne3A_774 : i1
        %add3A_781 = arith.addi %rem3A_772, %select_n3A_771 : i32
        %select_n3A_782 = arith.select %and3A_780, %add3A_781, %rem3A_772 : i32
        %rem3A_783 = arith.constant 32 : i32
        %rem3A_784 = arith.remsi %add3A_742, %rem3A_783 : i32
        %dma_start3A_785 = arith.constant 0 : i32
        %dma_start3A_786 = arith.constant 0 : i32
        %dma_start3A_787 = tpu.memref_slice %arg6[%select_n3A_782, %rem3A_784, %dma_start3A_785, %dma_start3A_786] : memref<2x32x2x64xi32, #tpu.memory_space<vmem>> -> memref<1x1x1x64xi32, #tpu.memory_space<vmem>>
        %dma_start3A_788 = tpu.memref_squeeze %dma_start3A_787 : memref<1x1x1x64xi32, #tpu.memory_space<vmem>> -> memref<64xi32, #tpu.memory_space<vmem>>
        %dma_start3A_789 = arith.constant 0 : i32
        %dma_start3A_790 = arith.constant 0 : i32
        %dma_start3A_791 = tpu.memref_slice %arg2[%dma_start3A_789, %dma_start3A_790] : memref<10000x128xf32, #tpu.memory_space<hbm>> -> memref<10000x128xf32, #tpu.memory_space<hbm>>
        tpu.enqueue_indirect_dma source(%dma_start3A_791 : memref<10000x128xf32, #tpu.memory_space<hbm>>) target(%arg7 : memref<64x128xf32, #tpu.memory_space<vmem>>) offsets(%dma_start3A_788 : memref<64xi32, #tpu.memory_space<vmem>>) semaphore(%arg12 : memref<!tpu.dma_semaphore, #tpu.memory_space<semaphore_mem>>)
      } else {
      }
      %dma_wait3A_388 = arith.constant 0 : i32
      %dma_wait3A_389 = arith.constant 0 : i32
      %dma_wait3A_390 = tpu.memref_slice %arg2[%dma_wait3A_388, %dma_wait3A_389] : memref<10000x128xf32, #tpu.memory_space<hbm>> -> memref<64x128xf32, #tpu.memory_space<hbm>>
      %dma_wait3A_391 = arith.constant 0 : i32
      %dma_wait3A_392 = arith.constant 0 : i32
      %dma_wait3A_393 = tpu.memref_slice %arg2[%dma_wait3A_391, %dma_wait3A_392] : memref<10000x128xf32, #tpu.memory_space<hbm>> -> memref<64x128xf32, #tpu.memory_space<hbm>>
      tpu.wait_dma2 semaphore(%arg13 : memref<!tpu.dma_semaphore, #tpu.memory_space<semaphore_mem>>) src(%dma_wait3A_393 : memref<64x128xf32, #tpu.memory_space<hbm>>) dst(%arg8 : memref<64x128xf32, #tpu.memory_space<vmem>>)
      %jit3A_394 = arith.constant 32 : i32
      %div3A_395 = arith.divsi %add3A_328, %jit3A_394 : i32
      %sign3A_396 = arith.constant 0 : i32
      %sign3A_397 = arith.cmpi sgt, %add3A_328, %sign3A_396 : i32
      %sign3A_398 = arith.extui %sign3A_397 : i1 to i32
      %sign3A_399 = arith.constant 0 : i32
      %sign3A_400 = arith.cmpi slt, %add3A_328, %sign3A_399 : i32
      %sign3A_401 = arith.extui %sign3A_400 : i1 to i32
      %sign3A_402 = arith.subi %sign3A_398, %sign3A_401 : i32
      %sign3A_403 = arith.constant 0 : i32
      %sign3A_404 = arith.cmpi sgt, %jit3A_394, %sign3A_403 : i32
      %sign3A_405 = arith.extui %sign3A_404 : i1 to i32
      %sign3A_406 = arith.constant 0 : i32
      %sign3A_407 = arith.cmpi slt, %jit3A_394, %sign3A_406 : i32
      %sign3A_408 = arith.extui %sign3A_407 : i1 to i32
      %sign3A_409 = arith.subi %sign3A_405, %sign3A_408 : i32
      %ne3A_410 = arith.cmpi ne, %sign3A_402, %sign3A_409 : i32
      %rem3A_411 = arith.remsi %add3A_328, %jit3A_394 : i32
      %ne3A_412 = arith.constant 0 : i32
      %ne3A_413 = arith.cmpi ne, %rem3A_411, %ne3A_412 : i32
      %and3A_414 = arith.andi %ne3A_410, %ne3A_413 : i1
      %sub3A_415 = arith.constant 1 : i32
      %sub3A_416 = arith.subi %div3A_395, %sub3A_415 : i32
      %select_n3A_417 = arith.select %and3A_414, %sub3A_416, %div3A_395 : i32
      %jit3A_418 = arith.constant 2 : i32
      %eq3A_419 = arith.constant 0 : i32
      %eq3A_420 = arith.cmpi eq, %jit3A_418, %eq3A_419 : i32
      %jit3A_421 = arith.constant 1 : i32
      %select_n3A_422 = arith.select %eq3A_420, %jit3A_421, %jit3A_418 : i32
      %rem3A_423 = arith.remsi %select_n3A_417, %select_n3A_422 : i32
      %ne3A_424 = arith.constant 0 : i32
      %ne3A_425 = arith.cmpi ne, %rem3A_423, %ne3A_424 : i32
      %lt3A_426 = arith.constant 0 : i32
      %lt3A_427 = arith.cmpi slt, %rem3A_423, %lt3A_426 : i32
      %lt3A_428 = arith.constant 0 : i32
      %lt3A_429 = arith.cmpi slt, %select_n3A_422, %lt3A_428 : i32
      %ne3A_430 = arith.xori %lt3A_427, %lt3A_429 : i1
      %and3A_431 = arith.andi %ne3A_430, %ne3A_425 : i1
      %add3A_432 = arith.addi %rem3A_423, %select_n3A_422 : i32
      %select_n3A_433 = arith.select %and3A_431, %add3A_432, %rem3A_423 : i32
      %rem3A_434 = arith.constant 32 : i32
      %rem3A_435 = arith.remsi %add3A_328, %rem3A_434 : i32
      %dma_start3A_436 = arith.constant 1 : i32
      %dma_start3A_437 = arith.constant 0 : i32
      %dma_start3A_438 = tpu.memref_slice %arg6[%select_n3A_433, %rem3A_435, %dma_start3A_436, %dma_start3A_437] : memref<2x32x2x64xi32, #tpu.memory_space<vmem>> -> memref<1x1x1x64xi32, #tpu.memory_space<vmem>>
      %dma_start3A_439 = tpu.memref_squeeze %dma_start3A_438 : memref<1x1x1x64xi32, #tpu.memory_space<vmem>> -> memref<64xi32, #tpu.memory_space<vmem>>
      %dma_start3A_440 = arith.constant 0 : i32
      %dma_start3A_441 = arith.constant 0 : i32
      %dma_start3A_442 = tpu.memref_slice %arg11[%dma_start3A_440, %dma_start3A_441] : memref<10240x128xf32, #tpu.memory_space<vmem_shared>> -> memref<10240x128xf32, #tpu.memory_space<vmem_shared>>
      tpu.enqueue_indirect_dma source(%arg8 : memref<64x128xf32, #tpu.memory_space<vmem>>) target(%dma_start3A_442 : memref<10240x128xf32, #tpu.memory_space<vmem_shared>>) offsets(%dma_start3A_439 : memref<64xi32, #tpu.memory_space<vmem>>) semaphore(%arg16 : memref<!tpu.dma_semaphore, #tpu.memory_space<semaphore_mem>>) {add = true}
      %jit3A_443 = arith.constant 32 : i32
      %div3A_444 = arith.divsi %add3A_328, %jit3A_443 : i32
      %sign3A_445 = arith.constant 0 : i32
      %sign3A_446 = arith.cmpi sgt, %add3A_328, %sign3A_445 : i32
      %sign3A_447 = arith.extui %sign3A_446 : i1 to i32
      %sign3A_448 = arith.constant 0 : i32
      %sign3A_449 = arith.cmpi slt, %add3A_328, %sign3A_448 : i32
      %sign3A_450 = arith.extui %sign3A_449 : i1 to i32
      %sign3A_451 = arith.subi %sign3A_447, %sign3A_450 : i32
      %sign3A_452 = arith.constant 0 : i32
      %sign3A_453 = arith.cmpi sgt, %jit3A_443, %sign3A_452 : i32
      %sign3A_454 = arith.extui %sign3A_453 : i1 to i32
      %sign3A_455 = arith.constant 0 : i32
      %sign3A_456 = arith.cmpi slt, %jit3A_443, %sign3A_455 : i32
      %sign3A_457 = arith.extui %sign3A_456 : i1 to i32
      %sign3A_458 = arith.subi %sign3A_454, %sign3A_457 : i32
      %ne3A_459 = arith.cmpi ne, %sign3A_451, %sign3A_458 : i32
      %rem3A_460 = arith.remsi %add3A_328, %jit3A_443 : i32
      %ne3A_461 = arith.constant 0 : i32
      %ne3A_462 = arith.cmpi ne, %rem3A_460, %ne3A_461 : i32
      %and3A_463 = arith.andi %ne3A_459, %ne3A_462 : i1
      %sub3A_464 = arith.constant 1 : i32
      %sub3A_465 = arith.subi %div3A_444, %sub3A_464 : i32
      %select_n3A_466 = arith.select %and3A_463, %sub3A_465, %div3A_444 : i32
      %jit3A_467 = arith.constant 2 : i32
      %eq3A_468 = arith.constant 0 : i32
      %eq3A_469 = arith.cmpi eq, %jit3A_467, %eq3A_468 : i32
      %jit3A_470 = arith.constant 1 : i32
      %select_n3A_471 = arith.select %eq3A_469, %jit3A_470, %jit3A_467 : i32
      %rem3A_472 = arith.remsi %select_n3A_466, %select_n3A_471 : i32
      %ne3A_473 = arith.constant 0 : i32
      %ne3A_474 = arith.cmpi ne, %rem3A_472, %ne3A_473 : i32
      %lt3A_475 = arith.constant 0 : i32
      %lt3A_476 = arith.cmpi slt, %rem3A_472, %lt3A_475 : i32
      %lt3A_477 = arith.constant 0 : i32
      %lt3A_478 = arith.cmpi slt, %select_n3A_471, %lt3A_477 : i32
      %ne3A_479 = arith.xori %lt3A_476, %lt3A_478 : i1
      %and3A_480 = arith.andi %ne3A_479, %ne3A_474 : i1
      %add3A_481 = arith.addi %rem3A_472, %select_n3A_471 : i32
      %select_n3A_482 = arith.select %and3A_480, %add3A_481, %rem3A_472 : i32
      %rem3A_483 = arith.constant 32 : i32
      %rem3A_484 = arith.remsi %add3A_328, %rem3A_483 : i32
      %get3A_485 = arith.constant 1 : i32
      %get3A_486 = arith.index_cast %select_n3A_482 : i32 to index
      %get3A_487 = arith.index_cast %rem3A_484 : i32 to index
      %get3A_488 = arith.index_cast %get3A_485 : i32 to index
      %get3A_489 = arith.constant 0 : index
      %get3A_490 = tpu.vector_load %arg6[%get3A_486, %get3A_487, %get3A_488, %get3A_489] {strides = array<i32>} : memref<2x32x2x64xi32, #tpu.memory_space<vmem>>, vector<16xi32>,
      %shift_right_logical3A_491 = arith.constant 7 : i32
      %shift_right_logical3A_492 = vector.broadcast %shift_right_logical3A_491 : i32 to vector<16xi32>
      %shift_right_logical3A_493 = arith.shrui %get3A_490, %shift_right_logical3A_492 : vector<16xi32>
      %and3A_494 = arith.constant 127 : i32
      %and3A_495 = vector.broadcast %and3A_494 : i32 to vector<16xi32>
      %and3A_496 = arith.andi %get3A_490, %and3A_495 : vector<16xi32>
      tpu.vector_store_idx %arg10[%shift_right_logical3A_493, %and3A_496], %broadcast_in_dim3A_22 {add = true} : memref<80x128xf32, #tpu.memory_space<vmem>>[vector<16xi32>, vector<16xi32>], vector<16xf32>,
      %get3A_497 = arith.constant 1 : i32
      %get3A_498 = arith.index_cast %select_n3A_482 : i32 to index
      %get3A_499 = arith.index_cast %rem3A_484 : i32 to index
      %get3A_500 = arith.index_cast %get3A_497 : i32 to index
      %get3A_501 = arith.constant 16 : index
      %get3A_502 = tpu.vector_load %arg6[%get3A_498, %get3A_499, %get3A_500, %get3A_501] {strides = array<i32>} : memref<2x32x2x64xi32, #tpu.memory_space<vmem>>, vector<16xi32>,
      %shift_right_logical3A_503 = arith.constant 7 : i32
      %shift_right_logical3A_504 = vector.broadcast %shift_right_logical3A_503 : i32 to vector<16xi32>
      %shift_right_logical3A_505 = arith.shrui %get3A_502, %shift_right_logical3A_504 : vector<16xi32>
      %and3A_506 = arith.constant 127 : i32
      %and3A_507 = vector.broadcast %and3A_506 : i32 to vector<16xi32>
      %and3A_508 = arith.andi %get3A_502, %and3A_507 : vector<16xi32>
      tpu.vector_store_idx %arg10[%shift_right_logical3A_505, %and3A_508], %broadcast_in_dim3A_22 {add = true} : memref<80x128xf32, #tpu.memory_space<vmem>>[vector<16xi32>, vector<16xi32>], vector<16xf32>,
      %get3A_509 = arith.constant 1 : i32
      %get3A_510 = arith.index_cast %select_n3A_482 : i32 to index
      %get3A_511 = arith.index_cast %rem3A_484 : i32 to index
      %get3A_512 = arith.index_cast %get3A_509 : i32 to index
      %get3A_513 = arith.constant 32 : index
      %get3A_514 = tpu.vector_load %arg6[%get3A_510, %get3A_511, %get3A_512, %get3A_513] {strides = array<i32>} : memref<2x32x2x64xi32, #tpu.memory_space<vmem>>, vector<16xi32>,
      %shift_right_logical3A_515 = arith.constant 7 : i32
      %shift_right_logical3A_516 = vector.broadcast %shift_right_logical3A_515 : i32 to vector<16xi32>
      %shift_right_logical3A_517 = arith.shrui %get3A_514, %shift_right_logical3A_516 : vector<16xi32>
      %and3A_518 = arith.constant 127 : i32
      %and3A_519 = vector.broadcast %and3A_518 : i32 to vector<16xi32>
      %and3A_520 = arith.andi %get3A_514, %and3A_519 : vector<16xi32>
      tpu.vector_store_idx %arg10[%shift_right_logical3A_517, %and3A_520], %broadcast_in_dim3A_22 {add = true} : memref<80x128xf32, #tpu.memory_space<vmem>>[vector<16xi32>, vector<16xi32>], vector<16xf32>,
      %get3A_521 = arith.constant 1 : i32
      %get3A_522 = arith.index_cast %select_n3A_482 : i32 to index
      %get3A_523 = arith.index_cast %rem3A_484 : i32 to index
      %get3A_524 = arith.index_cast %get3A_521 : i32 to index
      %get3A_525 = arith.constant 48 : index
      %get3A_526 = tpu.vector_load %arg6[%get3A_522, %get3A_523, %get3A_524, %get3A_525] {strides = array<i32>} : memref<2x32x2x64xi32, #tpu.memory_space<vmem>>, vector<16xi32>,
      %shift_right_logical3A_527 = arith.constant 7 : i32
      %shift_right_logical3A_528 = vector.broadcast %shift_right_logical3A_527 : i32 to vector<16xi32>
      %shift_right_logical3A_529 = arith.shrui %get3A_526, %shift_right_logical3A_528 : vector<16xi32>
      %and3A_530 = arith.constant 127 : i32
      %and3A_531 = vector.broadcast %and3A_530 : i32 to vector<16xi32>
      %and3A_532 = arith.andi %get3A_526, %and3A_531 : vector<16xi32>
      tpu.vector_store_idx %arg10[%shift_right_logical3A_529, %and3A_532], %broadcast_in_dim3A_22 {add = true} : memref<80x128xf32, #tpu.memory_space<vmem>>[vector<16xi32>, vector<16xi32>], vector<16xf32>,
      %mul3A_533 = arith.constant 3 : i32
      %mul3A_534 = arith.muli %scan3A_130, %mul3A_533 : i32
      %add3A_535 = arith.constant 2 : i32
      %add3A_536 = arith.addi %mul3A_534, %add3A_535 : i32
      %jit3A_537 = arith.constant 32 : i32
      %div3A_538 = arith.divsi %add3A_536, %jit3A_537 : i32
      %sign3A_539 = arith.constant 0 : i32
      %sign3A_540 = arith.cmpi sgt, %add3A_536, %sign3A_539 : i32
      %sign3A_541 = arith.extui %sign3A_540 : i1 to i32
      %sign3A_542 = arith.constant 0 : i32
      %sign3A_543 = arith.cmpi slt, %add3A_536, %sign3A_542 : i32
      %sign3A_544 = arith.extui %sign3A_543 : i1 to i32
      %sign3A_545 = arith.subi %sign3A_541, %sign3A_544 : i32
      %sign3A_546 = arith.constant 0 : i32
      %sign3A_547 = arith.cmpi sgt, %jit3A_537, %sign3A_546 : i32
      %sign3A_548 = arith.extui %sign3A_547 : i1 to i32
      %sign3A_549 = arith.constant 0 : i32
      %sign3A_550 = arith.cmpi slt, %jit3A_537, %sign3A_549 : i32
      %sign3A_551 = arith.extui %sign3A_550 : i1 to i32
      %sign3A_552 = arith.subi %sign3A_548, %sign3A_551 : i32
      %ne3A_553 = arith.cmpi ne, %sign3A_545, %sign3A_552 : i32
      %rem3A_554 = arith.remsi %add3A_536, %jit3A_537 : i32
      %ne3A_555 = arith.constant 0 : i32
      %ne3A_556 = arith.cmpi ne, %rem3A_554, %ne3A_555 : i32
      %and3A_557 = arith.andi %ne3A_553, %ne3A_556 : i1
      %sub3A_558 = arith.constant 1 : i32
      %sub3A_559 = arith.subi %div3A_538, %sub3A_558 : i32
      %select_n3A_560 = arith.select %and3A_557, %sub3A_559, %div3A_538 : i32
      %add3A_561 = arith.constant 1 : i32
      %add3A_562 = arith.addi %select_n3A_560, %add3A_561 : i32
      %dma_wait3A_563 = arith.constant 0 : i32
      %dma_wait3A_564 = arith.constant 0 : i32
      %dma_wait3A_565 = tpu.memref_slice %arg11[%dma_wait3A_563, %dma_wait3A_564] : memref<10240x128xf32, #tpu.memory_space<vmem_shared>> -> memref<64x128xf32, #tpu.memory_space<vmem_shared>>
      %dma_wait3A_566 = arith.constant 0 : i32
      %dma_wait3A_567 = arith.constant 0 : i32
      %dma_wait3A_568 = tpu.memref_slice %arg11[%dma_wait3A_566, %dma_wait3A_567] : memref<10240x128xf32, #tpu.memory_space<vmem_shared>> -> memref<64x128xf32, #tpu.memory_space<vmem_shared>>
      tpu.wait_dma2 semaphore(%arg16 : memref<!tpu.dma_semaphore, #tpu.memory_space<semaphore_mem>>) src(%arg8 : memref<64x128xf32, #tpu.memory_space<vmem>>) dst(%dma_wait3A_568 : memref<64x128xf32, #tpu.memory_space<vmem_shared>>)
      %rem3A_569 = arith.constant 32 : i32
      %rem3A_570 = arith.remsi %add3A_536, %rem3A_569 : i32
      %eq3A_571 = arith.constant 0 : i32
      %eq3A_572 = arith.cmpi eq, %rem3A_570, %eq3A_571 : i32
      %lt3A_573 = arith.constant 5 : i32
      %lt3A_574 = arith.cmpi slt, %add3A_562, %lt3A_573 : i32
      %and3A_575 = arith.andi %eq3A_572, %lt3A_574 : i1
      %convert_element_type3A_576 = arith.extui %and3A_575 : i1 to i32
      %cond3A_577 = arith.constant 0 : i32
      %cond3A_578 = arith.cmpi ne, %convert_element_type3A_576, %cond3A_577 : i32
      scf.if %cond3A_578 {
        %mul3A_741 = arith.constant 32 : i32
        %mul3A_742 = arith.muli %add3A_562, %mul3A_741 : i32
        %add3A_743 = arith.addi %mul3A_2, %mul3A_742 : i32
        %rem3A_744 = arith.constant 2 : i32
        %rem3A_745 = arith.remsi %add3A_562, %rem3A_744 : i32
        %dma_start3A_746 = arith.constant 0 : i32
        %dma_start3A_747 = arith.constant 0 : i32
        %dma_start3A_748 = arith.constant 0 : i32
        %dma_start3A_749 = tpu.memref_slice %arg6[%rem3A_745, %dma_start3A_746, %dma_start3A_747, %dma_start3A_748] : memref<2x32x2x64xi32, #tpu.memory_space<vmem>> -> memref<1x32x2x64xi32, #tpu.memory_space<vmem>>
        %dma_start3A_750 = tpu.memref_squeeze %dma_start3A_749 : memref<1x32x2x64xi32, #tpu.memory_space<vmem>> -> memref<32x2x64xi32, #tpu.memory_space<vmem>>
        %dma_start3A_751 = arith.constant 0 : i32
        %dma_start3A_752 = arith.constant 0 : i32
        %dma_start3A_753 = tpu.memref_slice %arg3[%add3A_743, %dma_start3A_751, %dma_start3A_752] : memref<5120x2x64xi32, #tpu.memory_space<hbm>> -> memref<32x2x64xi32, #tpu.memory_space<hbm>>
        %dma_start3A_754 = arith.constant 0 : i32
        %dma_start3A_755 = arith.constant 0 : i32
        %dma_start3A_756 = arith.constant 0 : i32
        %dma_start3A_757 = tpu.memref_slice %arg6[%rem3A_745, %dma_start3A_754, %dma_start3A_755, %dma_start3A_756] : memref<2x32x2x64xi32, #tpu.memory_space<vmem>> -> memref<1x32x2x64xi32, #tpu.memory_space<vmem>>
        %dma_start3A_758 = tpu.memref_squeeze %dma_start3A_757 : memref<1x32x2x64xi32, #tpu.memory_space<vmem>> -> memref<32x2x64xi32, #tpu.memory_space<vmem>>
        %dma_start3A_759 = arith.constant 0 : i32
        %dma_start3A_760 = arith.constant 0 : i32
        %dma_start3A_761 = tpu.memref_slice %arg3[%add3A_743, %dma_start3A_759, %dma_start3A_760] : memref<5120x2x64xi32, #tpu.memory_space<hbm>> -> memref<32x2x64xi32, #tpu.memory_space<hbm>>
        tpu.enqueue_dma source(%dma_start3A_761 : memref<32x2x64xi32, #tpu.memory_space<hbm>>) target(%dma_start3A_758 : memref<32x2x64xi32, #tpu.memory_space<vmem>>) target_semaphore(%arg18 : memref<!tpu.dma_semaphore, #tpu.memory_space<semaphore_mem>>)
      } else {
      }
      %rem3A_579 = arith.constant 32 : i32
      %rem3A_580 = arith.remsi %add3A_536, %rem3A_579 : i32
      %eq3A_581 = arith.constant 30 : i32
      %eq3A_582 = arith.cmpi eq, %rem3A_580, %eq3A_581 : i32
      %lt3A_583 = arith.constant 5 : i32
      %lt3A_584 = arith.cmpi slt, %add3A_562, %lt3A_583 : i32
      %and3A_585 = arith.andi %eq3A_582, %lt3A_584 : i1
      %convert_element_type3A_586 = arith.extui %and3A_585 : i1 to i32
      %cond3A_587 = arith.constant 0 : i32
      %cond3A_588 = arith.cmpi ne, %convert_element_type3A_586, %cond3A_587 : i32
      scf.if %cond3A_588 {
        %dma_wait3A_741 = arith.constant 0 : i32
        %dma_wait3A_742 = arith.constant 0 : i32
        %dma_wait3A_743 = arith.constant 0 : i32
        %dma_wait3A_744 = arith.constant 0 : i32
        %dma_wait3A_745 = tpu.memref_slice %arg6[%dma_wait3A_741, %dma_wait3A_742, %dma_wait3A_743, %dma_wait3A_744] : memref<2x32x2x64xi32, #tpu.memory_space<vmem>> -> memref<1x32x2x64xi32, #tpu.memory_space<vmem>>
        %dma_wait3A_746 = tpu.memref_squeeze %dma_wait3A_745 : memref<1x32x2x64xi32, #tpu.memory_space<vmem>> -> memref<32x2x64xi32, #tpu.memory_space<vmem>>
        %dma_wait3A_747 = arith.constant 0 : i32
        %dma_wait3A_748 = arith.constant 0 : i32
        %dma_wait3A_749 = arith.constant 0 : i32
        %dma_wait3A_750 = tpu.memref_slice %arg3[%dma_wait3A_747, %dma_wait3A_748, %dma_wait3A_749] : memref<5120x2x64xi32, #tpu.memory_space<hbm>> -> memref<32x2x64xi32, #tpu.memory_space<hbm>>
        %dma_wait3A_751 = arith.constant 0 : i32
        %dma_wait3A_752 = arith.constant 0 : i32
        %dma_wait3A_753 = arith.constant 0 : i32
        %dma_wait3A_754 = tpu.memref_slice %arg6[%dma_wait3A_741, %dma_wait3A_751, %dma_wait3A_752, %dma_wait3A_753] : memref<2x32x2x64xi32, #tpu.memory_space<vmem>> -> memref<1x32x2x64xi32, #tpu.memory_space<vmem>>
        %dma_wait3A_755 = tpu.memref_squeeze %dma_wait3A_754 : memref<1x32x2x64xi32, #tpu.memory_space<vmem>> -> memref<32x2x64xi32, #tpu.memory_space<vmem>>
        %dma_wait3A_756 = arith.constant 0 : i32
        %dma_wait3A_757 = arith.constant 0 : i32
        %dma_wait3A_758 = arith.constant 0 : i32
        %dma_wait3A_759 = tpu.memref_slice %arg3[%dma_wait3A_756, %dma_wait3A_757, %dma_wait3A_758] : memref<5120x2x64xi32, #tpu.memory_space<hbm>> -> memref<32x2x64xi32, #tpu.memory_space<hbm>>
        tpu.wait_dma2 semaphore(%arg18 : memref<!tpu.dma_semaphore, #tpu.memory_space<semaphore_mem>>) src(%dma_wait3A_759 : memref<32x2x64xi32, #tpu.memory_space<hbm>>) dst(%dma_wait3A_755 : memref<32x2x64xi32, #tpu.memory_space<vmem>>)
      } else {
      }
      %add3A_589 = arith.constant 2 : i32
      %add3A_590 = arith.addi %add3A_536, %add3A_589 : i32
      %lt3A_591 = arith.constant 160 : i32
      %lt3A_592 = arith.cmpi slt, %add3A_590, %lt3A_591 : i32
      %convert_element_type3A_593 = arith.extui %lt3A_592 : i1 to i32
      %cond3A_594 = arith.constant 0 : i32
      %cond3A_595 = arith.cmpi ne, %convert_element_type3A_593, %cond3A_594 : i32
      scf.if %cond3A_595 {
        %add3A_741 = arith.constant 2 : i32
        %add3A_742 = arith.addi %add3A_536, %add3A_741 : i32
        %jit3A_743 = arith.constant 32 : i32
        %div3A_744 = arith.divsi %add3A_742, %jit3A_743 : i32
        %sign3A_745 = arith.constant 0 : i32
        %sign3A_746 = arith.cmpi sgt, %add3A_742, %sign3A_745 : i32
        %sign3A_747 = arith.extui %sign3A_746 : i1 to i32
        %sign3A_748 = arith.constant 0 : i32
        %sign3A_749 = arith.cmpi slt, %add3A_742, %sign3A_748 : i32
        %sign3A_750 = arith.extui %sign3A_749 : i1 to i32
        %sign3A_751 = arith.subi %sign3A_747, %sign3A_750 : i32
        %sign3A_752 = arith.constant 0 : i32
        %sign3A_753 = arith.cmpi sgt, %jit3A_743, %sign3A_752 : i32
        %sign3A_754 = arith.extui %sign3A_753 : i1 to i32
        %sign3A_755 = arith.constant 0 : i32
        %sign3A_756 = arith.cmpi slt, %jit3A_743, %sign3A_755 : i32
        %sign3A_757 = arith.extui %sign3A_756 : i1 to i32
        %sign3A_758 = arith.subi %sign3A_754, %sign3A_757 : i32
        %ne3A_759 = arith.cmpi ne, %sign3A_751, %sign3A_758 : i32
        %rem3A_760 = arith.remsi %add3A_742, %jit3A_743 : i32
        %ne3A_761 = arith.constant 0 : i32
        %ne3A_762 = arith.cmpi ne, %rem3A_760, %ne3A_761 : i32
        %and3A_763 = arith.andi %ne3A_759, %ne3A_762 : i1
        %sub3A_764 = arith.constant 1 : i32
        %sub3A_765 = arith.subi %div3A_744, %sub3A_764 : i32
        %select_n3A_766 = arith.select %and3A_763, %sub3A_765, %div3A_744 : i32
        %jit3A_767 = arith.constant 2 : i32
        %eq3A_768 = arith.constant 0 : i32
        %eq3A_769 = arith.cmpi eq, %jit3A_767, %eq3A_768 : i32
        %jit3A_770 = arith.constant 1 : i32
        %select_n3A_771 = arith.select %eq3A_769, %jit3A_770, %jit3A_767 : i32
        %rem3A_772 = arith.remsi %select_n3A_766, %select_n3A_771 : i32
        %ne3A_773 = arith.constant 0 : i32
        %ne3A_774 = arith.cmpi ne, %rem3A_772, %ne3A_773 : i32
        %lt3A_775 = arith.constant 0 : i32
        %lt3A_776 = arith.cmpi slt, %rem3A_772, %lt3A_775 : i32
        %lt3A_777 = arith.constant 0 : i32
        %lt3A_778 = arith.cmpi slt, %select_n3A_771, %lt3A_777 : i32
        %ne3A_779 = arith.xori %lt3A_776, %lt3A_778 : i1
        %and3A_780 = arith.andi %ne3A_779, %ne3A_774 : i1
        %add3A_781 = arith.addi %rem3A_772, %select_n3A_771 : i32
        %select_n3A_782 = arith.select %and3A_780, %add3A_781, %rem3A_772 : i32
        %rem3A_783 = arith.constant 32 : i32
        %rem3A_784 = arith.remsi %add3A_742, %rem3A_783 : i32
        %dma_start3A_785 = arith.constant 0 : i32
        %dma_start3A_786 = arith.constant 0 : i32
        %dma_start3A_787 = tpu.memref_slice %arg6[%select_n3A_782, %rem3A_784, %dma_start3A_785, %dma_start3A_786] : memref<2x32x2x64xi32, #tpu.memory_space<vmem>> -> memref<1x1x1x64xi32, #tpu.memory_space<vmem>>
        %dma_start3A_788 = tpu.memref_squeeze %dma_start3A_787 : memref<1x1x1x64xi32, #tpu.memory_space<vmem>> -> memref<64xi32, #tpu.memory_space<vmem>>
        %dma_start3A_789 = arith.constant 0 : i32
        %dma_start3A_790 = arith.constant 0 : i32
        %dma_start3A_791 = tpu.memref_slice %arg2[%dma_start3A_789, %dma_start3A_790] : memref<10000x128xf32, #tpu.memory_space<hbm>> -> memref<10000x128xf32, #tpu.memory_space<hbm>>
        tpu.enqueue_indirect_dma source(%dma_start3A_791 : memref<10000x128xf32, #tpu.memory_space<hbm>>) target(%arg8 : memref<64x128xf32, #tpu.memory_space<vmem>>) offsets(%dma_start3A_788 : memref<64xi32, #tpu.memory_space<vmem>>) semaphore(%arg13 : memref<!tpu.dma_semaphore, #tpu.memory_space<semaphore_mem>>)
      } else {
      }
      %dma_wait3A_596 = arith.constant 0 : i32
      %dma_wait3A_597 = arith.constant 0 : i32
      %dma_wait3A_598 = tpu.memref_slice %arg2[%dma_wait3A_596, %dma_wait3A_597] : memref<10000x128xf32, #tpu.memory_space<hbm>> -> memref<64x128xf32, #tpu.memory_space<hbm>>
      %dma_wait3A_599 = arith.constant 0 : i32
      %dma_wait3A_600 = arith.constant 0 : i32
      %dma_wait3A_601 = tpu.memref_slice %arg2[%dma_wait3A_599, %dma_wait3A_600] : memref<10000x128xf32, #tpu.memory_space<hbm>> -> memref<64x128xf32, #tpu.memory_space<hbm>>
      tpu.wait_dma2 semaphore(%arg14 : memref<!tpu.dma_semaphore, #tpu.memory_space<semaphore_mem>>) src(%dma_wait3A_601 : memref<64x128xf32, #tpu.memory_space<hbm>>) dst(%arg9 : memref<64x128xf32, #tpu.memory_space<vmem>>)
      %jit3A_602 = arith.constant 32 : i32
      %div3A_603 = arith.divsi %add3A_536, %jit3A_602 : i32
      %sign3A_604 = arith.constant 0 : i32
      %sign3A_605 = arith.cmpi sgt, %add3A_536, %sign3A_604 : i32
      %sign3A_606 = arith.extui %sign3A_605 : i1 to i32
      %sign3A_607 = arith.constant 0 : i32
      %sign3A_608 = arith.cmpi slt, %add3A_536, %sign3A_607 : i32
      %sign3A_609 = arith.extui %sign3A_608 : i1 to i32
      %sign3A_610 = arith.subi %sign3A_606, %sign3A_609 : i32
      %sign3A_611 = arith.constant 0 : i32
      %sign3A_612 = arith.cmpi sgt, %jit3A_602, %sign3A_611 : i32
      %sign3A_613 = arith.extui %sign3A_612 : i1 to i32
      %sign3A_614 = arith.constant 0 : i32
      %sign3A_615 = arith.cmpi slt, %jit3A_602, %sign3A_614 : i32
      %sign3A_616 = arith.extui %sign3A_615 : i1 to i32
      %sign3A_617 = arith.subi %sign3A_613, %sign3A_616 : i32
      %ne3A_618 = arith.cmpi ne, %sign3A_610, %sign3A_617 : i32
      %rem3A_619 = arith.remsi %add3A_536, %jit3A_602 : i32
      %ne3A_620 = arith.constant 0 : i32
      %ne3A_621 = arith.cmpi ne, %rem3A_619, %ne3A_620 : i32
      %and3A_622 = arith.andi %ne3A_618, %ne3A_621 : i1
      %sub3A_623 = arith.constant 1 : i32
      %sub3A_624 = arith.subi %div3A_603, %sub3A_623 : i32
      %select_n3A_625 = arith.select %and3A_622, %sub3A_624, %div3A_603 : i32
      %jit3A_626 = arith.constant 2 : i32
      %eq3A_627 = arith.constant 0 : i32
      %eq3A_628 = arith.cmpi eq, %jit3A_626, %eq3A_627 : i32
      %jit3A_629 = arith.constant 1 : i32
      %select_n3A_630 = arith.select %eq3A_628, %jit3A_629, %jit3A_626 : i32
      %rem3A_631 = arith.remsi %select_n3A_625, %select_n3A_630 : i32
      %ne3A_632 = arith.constant 0 : i32
      %ne3A_633 = arith.cmpi ne, %rem3A_631, %ne3A_632 : i32
      %lt3A_634 = arith.constant 0 : i32
      %lt3A_635 = arith.cmpi slt, %rem3A_631, %lt3A_634 : i32
      %lt3A_636 = arith.constant 0 : i32
      %lt3A_637 = arith.cmpi slt, %select_n3A_630, %lt3A_636 : i32
      %ne3A_638 = arith.xori %lt3A_635, %lt3A_637 : i1
      %and3A_639 = arith.andi %ne3A_638, %ne3A_633 : i1
      %add3A_640 = arith.addi %rem3A_631, %select_n3A_630 : i32
      %select_n3A_641 = arith.select %and3A_639, %add3A_640, %rem3A_631 : i32
      %rem3A_642 = arith.constant 32 : i32
      %rem3A_643 = arith.remsi %add3A_536, %rem3A_642 : i32
      %dma_start3A_644 = arith.constant 1 : i32
      %dma_start3A_645 = arith.constant 0 : i32
      %dma_start3A_646 = tpu.memref_slice %arg6[%select_n3A_641, %rem3A_643, %dma_start3A_644, %dma_start3A_645] : memref<2x32x2x64xi32, #tpu.memory_space<vmem>> -> memref<1x1x1x64xi32, #tpu.memory_space<vmem>>
      %dma_start3A_647 = tpu.memref_squeeze %dma_start3A_646 : memref<1x1x1x64xi32, #tpu.memory_space<vmem>> -> memref<64xi32, #tpu.memory_space<vmem>>
      %dma_start3A_648 = arith.constant 0 : i32
      %dma_start3A_649 = arith.constant 0 : i32
      %dma_start3A_650 = tpu.memref_slice %arg11[%dma_start3A_648, %dma_start3A_649] : memref<10240x128xf32, #tpu.memory_space<vmem_shared>> -> memref<10240x128xf32, #tpu.memory_space<vmem_shared>>
      tpu.enqueue_indirect_dma source(%arg9 : memref<64x128xf32, #tpu.memory_space<vmem>>) target(%dma_start3A_650 : memref<10240x128xf32, #tpu.memory_space<vmem_shared>>) offsets(%dma_start3A_647 : memref<64xi32, #tpu.memory_space<vmem>>) semaphore(%arg17 : memref<!tpu.dma_semaphore, #tpu.memory_space<semaphore_mem>>) {add = true}
      %jit3A_651 = arith.constant 32 : i32
      %div3A_652 = arith.divsi %add3A_536, %jit3A_651 : i32
      %sign3A_653 = arith.constant 0 : i32
      %sign3A_654 = arith.cmpi sgt, %add3A_536, %sign3A_653 : i32
      %sign3A_655 = arith.extui %sign3A_654 : i1 to i32
      %sign3A_656 = arith.constant 0 : i32
      %sign3A_657 = arith.cmpi slt, %add3A_536, %sign3A_656 : i32
      %sign3A_658 = arith.extui %sign3A_657 : i1 to i32
      %sign3A_659 = arith.subi %sign3A_655, %sign3A_658 : i32
      %sign3A_660 = arith.constant 0 : i32
      %sign3A_661 = arith.cmpi sgt, %jit3A_651, %sign3A_660 : i32
      %sign3A_662 = arith.extui %sign3A_661 : i1 to i32
      %sign3A_663 = arith.constant 0 : i32
      %sign3A_664 = arith.cmpi slt, %jit3A_651, %sign3A_663 : i32
      %sign3A_665 = arith.extui %sign3A_664 : i1 to i32
      %sign3A_666 = arith.subi %sign3A_662, %sign3A_665 : i32
      %ne3A_667 = arith.cmpi ne, %sign3A_659, %sign3A_666 : i32
      %rem3A_668 = arith.remsi %add3A_536, %jit3A_651 : i32
      %ne3A_669 = arith.constant 0 : i32
      %ne3A_670 = arith.cmpi ne, %rem3A_668, %ne3A_669 : i32
      %and3A_671 = arith.andi %ne3A_667, %ne3A_670 : i1
      %sub3A_672 = arith.constant 1 : i32
      %sub3A_673 = arith.subi %div3A_652, %sub3A_672 : i32
      %select_n3A_674 = arith.select %and3A_671, %sub3A_673, %div3A_652 : i32
      %jit3A_675 = arith.constant 2 : i32
      %eq3A_676 = arith.constant 0 : i32
      %eq3A_677 = arith.cmpi eq, %jit3A_675, %eq3A_676 : i32
      %jit3A_678 = arith.constant 1 : i32
      %select_n3A_679 = arith.select %eq3A_677, %jit3A_678, %jit3A_675 : i32
      %rem3A_680 = arith.remsi %select_n3A_674, %select_n3A_679 : i32
      %ne3A_681 = arith.constant 0 : i32
      %ne3A_682 = arith.cmpi ne, %rem3A_680, %ne3A_681 : i32
      %lt3A_683 = arith.constant 0 : i32
      %lt3A_684 = arith.cmpi slt, %rem3A_680, %lt3A_683 : i32
      %lt3A_685 = arith.constant 0 : i32
      %lt3A_686 = arith.cmpi slt, %select_n3A_679, %lt3A_685 : i32
      %ne3A_687 = arith.xori %lt3A_684, %lt3A_686 : i1
      %and3A_688 = arith.andi %ne3A_687, %ne3A_682 : i1
      %add3A_689 = arith.addi %rem3A_680, %select_n3A_679 : i32
      %select_n3A_690 = arith.select %and3A_688, %add3A_689, %rem3A_680 : i32
      %rem3A_691 = arith.constant 32 : i32
      %rem3A_692 = arith.remsi %add3A_536, %rem3A_691 : i32
      %get3A_693 = arith.constant 1 : i32
      %get3A_694 = arith.index_cast %select_n3A_690 : i32 to index
      %get3A_695 = arith.index_cast %rem3A_692 : i32 to index
      %get3A_696 = arith.index_cast %get3A_693 : i32 to index
      %get3A_697 = arith.constant 0 : index
      %get3A_698 = tpu.vector_load %arg6[%get3A_694, %get3A_695, %get3A_696, %get3A_697] {strides = array<i32>} : memref<2x32x2x64xi32, #tpu.memory_space<vmem>>, vector<16xi32>,
      %shift_right_logical3A_699 = arith.constant 7 : i32
      %shift_right_logical3A_700 = vector.broadcast %shift_right_logical3A_699 : i32 to vector<16xi32>
      %shift_right_logical3A_701 = arith.shrui %get3A_698, %shift_right_logical3A_700 : vector<16xi32>
      %and3A_702 = arith.constant 127 : i32
      %and3A_703 = vector.broadcast %and3A_702 : i32 to vector<16xi32>
      %and3A_704 = arith.andi %get3A_698, %and3A_703 : vector<16xi32>
      tpu.vector_store_idx %arg10[%shift_right_logical3A_701, %and3A_704], %broadcast_in_dim3A_22 {add = true} : memref<80x128xf32, #tpu.memory_space<vmem>>[vector<16xi32>, vector<16xi32>], vector<16xf32>,
      %get3A_705 = arith.constant 1 : i32
      %get3A_706 = arith.index_cast %select_n3A_690 : i32 to index
      %get3A_707 = arith.index_cast %rem3A_692 : i32 to index
      %get3A_708 = arith.index_cast %get3A_705 : i32 to index
      %get3A_709 = arith.constant 16 : index
      %get3A_710 = tpu.vector_load %arg6[%get3A_706, %get3A_707, %get3A_708, %get3A_709] {strides = array<i32>} : memref<2x32x2x64xi32, #tpu.memory_space<vmem>>, vector<16xi32>,
      %shift_right_logical3A_711 = arith.constant 7 : i32
      %shift_right_logical3A_712 = vector.broadcast %shift_right_logical3A_711 : i32 to vector<16xi32>
      %shift_right_logical3A_713 = arith.shrui %get3A_710, %shift_right_logical3A_712 : vector<16xi32>
      %and3A_714 = arith.constant 127 : i32
      %and3A_715 = vector.broadcast %and3A_714 : i32 to vector<16xi32>
      %and3A_716 = arith.andi %get3A_710, %and3A_715 : vector<16xi32>
      tpu.vector_store_idx %arg10[%shift_right_logical3A_713, %and3A_716], %broadcast_in_dim3A_22 {add = true} : memref<80x128xf32, #tpu.memory_space<vmem>>[vector<16xi32>, vector<16xi32>], vector<16xf32>,
      %get3A_717 = arith.constant 1 : i32
      %get3A_718 = arith.index_cast %select_n3A_690 : i32 to index
      %get3A_719 = arith.index_cast %rem3A_692 : i32 to index
      %get3A_720 = arith.index_cast %get3A_717 : i32 to index
      %get3A_721 = arith.constant 32 : index
      %get3A_722 = tpu.vector_load %arg6[%get3A_718, %get3A_719, %get3A_720, %get3A_721] {strides = array<i32>} : memref<2x32x2x64xi32, #tpu.memory_space<vmem>>, vector<16xi32>,
      %shift_right_logical3A_723 = arith.constant 7 : i32
      %shift_right_logical3A_724 = vector.broadcast %shift_right_logical3A_723 : i32 to vector<16xi32>
      %shift_right_logical3A_725 = arith.shrui %get3A_722, %shift_right_logical3A_724 : vector<16xi32>
      %and3A_726 = arith.constant 127 : i32
      %and3A_727 = vector.broadcast %and3A_726 : i32 to vector<16xi32>
      %and3A_728 = arith.andi %get3A_722, %and3A_727 : vector<16xi32>
      tpu.vector_store_idx %arg10[%shift_right_logical3A_725, %and3A_728], %broadcast_in_dim3A_22 {add = true} : memref<80x128xf32, #tpu.memory_space<vmem>>[vector<16xi32>, vector<16xi32>], vector<16xf32>,
      %get3A_729 = arith.constant 1 : i32
      %get3A_730 = arith.index_cast %select_n3A_690 : i32 to index
      %get3A_731 = arith.index_cast %rem3A_692 : i32 to index
      %get3A_732 = arith.index_cast %get3A_729 : i32 to index
      %get3A_733 = arith.constant 48 : index
      %get3A_734 = tpu.vector_load %arg6[%get3A_730, %get3A_731, %get3A_732, %get3A_733] {strides = array<i32>} : memref<2x32x2x64xi32, #tpu.memory_space<vmem>>, vector<16xi32>,
      %shift_right_logical3A_735 = arith.constant 7 : i32
      %shift_right_logical3A_736 = vector.broadcast %shift_right_logical3A_735 : i32 to vector<16xi32>
      %shift_right_logical3A_737 = arith.shrui %get3A_734, %shift_right_logical3A_736 : vector<16xi32>
      %and3A_738 = arith.constant 127 : i32
      %and3A_739 = vector.broadcast %and3A_738 : i32 to vector<16xi32>
      %and3A_740 = arith.andi %get3A_734, %and3A_739 : vector<16xi32>
      tpu.vector_store_idx %arg10[%shift_right_logical3A_737, %and3A_740], %broadcast_in_dim3A_22 {add = true} : memref<80x128xf32, #tpu.memory_space<vmem>>[vector<16xi32>, vector<16xi32>], vector<16xf32>,
    }
    %scan3A_48 = arith.constant 53 : i32
    %dma_wait3A = arith.constant 0 : i32
    %dma_wait3A_49 = arith.constant 0 : i32
    %dma_wait3A_50 = tpu.memref_slice %arg2[%dma_wait3A, %dma_wait3A_49] : memref<10000x128xf32, #tpu.memory_space<hbm>> -> memref<64x128xf32, #tpu.memory_space<hbm>>
    %dma_wait3A_51 = arith.constant 0 : i32
    %dma_wait3A_52 = arith.constant 0 : i32
    %dma_wait3A_53 = tpu.memref_slice %arg2[%dma_wait3A_51, %dma_wait3A_52] : memref<10000x128xf32, #tpu.memory_space<hbm>> -> memref<64x128xf32, #tpu.memory_space<hbm>>
    tpu.wait_dma2 semaphore(%arg12 : memref<!tpu.dma_semaphore, #tpu.memory_space<semaphore_mem>>) src(%dma_wait3A_53 : memref<64x128xf32, #tpu.memory_space<hbm>>) dst(%arg7 : memref<64x128xf32, #tpu.memory_space<vmem>>)
    %rem3A_54 = arith.constant 159 : i32
    %rem3A_55 = arith.constant 32 : i32
    %rem3A_56 = arith.remsi %rem3A_54, %rem3A_55 : i32
    %dma_start3A_57 = arith.constant 0 : i32
    %dma_start3A_58 = arith.constant 1 : i32
    %dma_start3A_59 = arith.constant 0 : i32
    %dma_start3A_60 = tpu.memref_slice %arg6[%dma_start3A_57, %rem3A_56, %dma_start3A_58, %dma_start3A_59] : memref<2x32x2x64xi32, #tpu.memory_space<vmem>> -> memref<1x1x1x64xi32, #tpu.memory_space<vmem>>
    %dma_start3A_61 = tpu.memref_squeeze %dma_start3A_60 : memref<1x1x1x64xi32, #tpu.memory_space<vmem>> -> memref<64xi32, #tpu.memory_space<vmem>>
    %dma_start3A_62 = arith.constant 0 : i32
    %dma_start3A_63 = arith.constant 0 : i32
    %dma_start3A_64 = tpu.memref_slice %arg11[%dma_start3A_62, %dma_start3A_63] : memref<10240x128xf32, #tpu.memory_space<vmem_shared>> -> memref<10240x128xf32, #tpu.memory_space<vmem_shared>>
    tpu.enqueue_indirect_dma source(%arg7 : memref<64x128xf32, #tpu.memory_space<vmem>>) target(%dma_start3A_64 : memref<10240x128xf32, #tpu.memory_space<vmem_shared>>) offsets(%dma_start3A_61 : memref<64xi32, #tpu.memory_space<vmem>>) semaphore(%arg15 : memref<!tpu.dma_semaphore, #tpu.memory_space<semaphore_mem>>) {add = true}
    %rem3A_65 = arith.constant 159 : i32
    %rem3A_66 = arith.constant 32 : i32
    %rem3A_67 = arith.remsi %rem3A_65, %rem3A_66 : i32
    %get3A = arith.constant 0 : i32
    %get3A_68 = arith.constant 1 : i32
    %get3A_69 = arith.index_cast %get3A : i32 to index
    %get3A_70 = arith.index_cast %rem3A_67 : i32 to index
    %get3A_71 = arith.index_cast %get3A_68 : i32 to index
    %get3A_72 = arith.constant 0 : index
    %get3A_73 = tpu.vector_load %arg6[%get3A_69, %get3A_70, %get3A_71, %get3A_72] {strides = array<i32>} : memref<2x32x2x64xi32, #tpu.memory_space<vmem>>, vector<16xi32>,
    %shift_right_logical3A = arith.constant 7 : i32
    %shift_right_logical3A_74 = vector.broadcast %shift_right_logical3A : i32 to vector<16xi32>
    %shift_right_logical3A_75 = arith.shrui %get3A_73, %shift_right_logical3A_74 : vector<16xi32>
    %and3A = arith.constant 127 : i32
    %and3A_76 = vector.broadcast %and3A : i32 to vector<16xi32>
    %and3A_77 = arith.andi %get3A_73, %and3A_76 : vector<16xi32>
    tpu.vector_store_idx %arg10[%shift_right_logical3A_75, %and3A_77], %broadcast_in_dim3A_22 {add = true} : memref<80x128xf32, #tpu.memory_space<vmem>>[vector<16xi32>, vector<16xi32>], vector<16xf32>,
    %get3A_78 = arith.constant 0 : i32
    %get3A_79 = arith.constant 1 : i32
    %get3A_80 = arith.index_cast %get3A_78 : i32 to index
    %get3A_81 = arith.index_cast %rem3A_67 : i32 to index
    %get3A_82 = arith.index_cast %get3A_79 : i32 to index
    %get3A_83 = arith.constant 16 : index
    %get3A_84 = tpu.vector_load %arg6[%get3A_80, %get3A_81, %get3A_82, %get3A_83] {strides = array<i32>} : memref<2x32x2x64xi32, #tpu.memory_space<vmem>>, vector<16xi32>,
    %shift_right_logical3A_85 = arith.constant 7 : i32
    %shift_right_logical3A_86 = vector.broadcast %shift_right_logical3A_85 : i32 to vector<16xi32>
    %shift_right_logical3A_87 = arith.shrui %get3A_84, %shift_right_logical3A_86 : vector<16xi32>
    %and3A_88 = arith.constant 127 : i32
    %and3A_89 = vector.broadcast %and3A_88 : i32 to vector<16xi32>
    %and3A_90 = arith.andi %get3A_84, %and3A_89 : vector<16xi32>
    tpu.vector_store_idx %arg10[%shift_right_logical3A_87, %and3A_90], %broadcast_in_dim3A_22 {add = true} : memref<80x128xf32, #tpu.memory_space<vmem>>[vector<16xi32>, vector<16xi32>], vector<16xf32>,
    %get3A_91 = arith.constant 0 : i32
    %get3A_92 = arith.constant 1 : i32
    %get3A_93 = arith.index_cast %get3A_91 : i32 to index
    %get3A_94 = arith.index_cast %rem3A_67 : i32 to index
    %get3A_95 = arith.index_cast %get3A_92 : i32 to index
    %get3A_96 = arith.constant 32 : index
    %get3A_97 = tpu.vector_load %arg6[%get3A_93, %get3A_94, %get3A_95, %get3A_96] {strides = array<i32>} : memref<2x32x2x64xi32, #tpu.memory_space<vmem>>, vector<16xi32>,
    %shift_right_logical3A_98 = arith.constant 7 : i32
    %shift_right_logical3A_99 = vector.broadcast %shift_right_logical3A_98 : i32 to vector<16xi32>
    %shift_right_logical3A_100 = arith.shrui %get3A_97, %shift_right_logical3A_99 : vector<16xi32>
    %and3A_101 = arith.constant 127 : i32
    %and3A_102 = vector.broadcast %and3A_101 : i32 to vector<16xi32>
    %and3A_103 = arith.andi %get3A_97, %and3A_102 : vector<16xi32>
    tpu.vector_store_idx %arg10[%shift_right_logical3A_100, %and3A_103], %broadcast_in_dim3A_22 {add = true} : memref<80x128xf32, #tpu.memory_space<vmem>>[vector<16xi32>, vector<16xi32>], vector<16xf32>,
    %get3A_104 = arith.constant 0 : i32
    %get3A_105 = arith.constant 1 : i32
    %get3A_106 = arith.index_cast %get3A_104 : i32 to index
    %get3A_107 = arith.index_cast %rem3A_67 : i32 to index
    %get3A_108 = arith.index_cast %get3A_105 : i32 to index
    %get3A_109 = arith.constant 48 : index
    %get3A_110 = tpu.vector_load %arg6[%get3A_106, %get3A_107, %get3A_108, %get3A_109] {strides = array<i32>} : memref<2x32x2x64xi32, #tpu.memory_space<vmem>>, vector<16xi32>,
    %shift_right_logical3A_111 = arith.constant 7 : i32
    %shift_right_logical3A_112 = vector.broadcast %shift_right_logical3A_111 : i32 to vector<16xi32>
    %shift_right_logical3A_113 = arith.shrui %get3A_110, %shift_right_logical3A_112 : vector<16xi32>
    %and3A_114 = arith.constant 127 : i32
    %and3A_115 = vector.broadcast %and3A_114 : i32 to vector<16xi32>
    %and3A_116 = arith.andi %get3A_110, %and3A_115 : vector<16xi32>
    tpu.vector_store_idx %arg10[%shift_right_logical3A_113, %and3A_116], %broadcast_in_dim3A_22 {add = true} : memref<80x128xf32, #tpu.memory_space<vmem>>[vector<16xi32>, vector<16xi32>], vector<16xf32>,
    %dma_wait3A_117 = arith.constant 0 : i32
    %dma_wait3A_118 = arith.constant 0 : i32
    %dma_wait3A_119 = tpu.memref_slice %arg11[%dma_wait3A_117, %dma_wait3A_118] : memref<10240x128xf32, #tpu.memory_space<vmem_shared>> -> memref<64x128xf32, #tpu.memory_space<vmem_shared>>
    %dma_wait3A_120 = arith.constant 0 : i32
    %dma_wait3A_121 = arith.constant 0 : i32
    %dma_wait3A_122 = tpu.memref_slice %arg11[%dma_wait3A_120, %dma_wait3A_121] : memref<10240x128xf32, #tpu.memory_space<vmem_shared>> -> memref<64x128xf32, #tpu.memory_space<vmem_shared>>
    tpu.wait_dma2 semaphore(%arg17 : memref<!tpu.dma_semaphore, #tpu.memory_space<semaphore_mem>>) src(%arg9 : memref<64x128xf32, #tpu.memory_space<vmem>>) dst(%dma_wait3A_122 : memref<64x128xf32, #tpu.memory_space<vmem_shared>>)
    %dma_wait3A_123 = arith.constant 0 : i32
    %dma_wait3A_124 = arith.constant 0 : i32
    %dma_wait3A_125 = tpu.memref_slice %arg11[%dma_wait3A_123, %dma_wait3A_124] : memref<10240x128xf32, #tpu.memory_space<vmem_shared>> -> memref<64x128xf32, #tpu.memory_space<vmem_shared>>
    %dma_wait3A_126 = arith.constant 0 : i32
    %dma_wait3A_127 = arith.constant 0 : i32
    %dma_wait3A_128 = tpu.memref_slice %arg11[%dma_wait3A_126, %dma_wait3A_127] : memref<10240x128xf32, #tpu.memory_space<vmem_shared>> -> memref<64x128xf32, #tpu.memory_space<vmem_shared>>
    tpu.wait_dma2 semaphore(%arg15 : memref<!tpu.dma_semaphore, #tpu.memory_space<semaphore_mem>>) src(%arg7 : memref<64x128xf32, #tpu.memory_space<vmem>>) dst(%dma_wait3A_128 : memref<64x128xf32, #tpu.memory_space<vmem_shared>>)
    %barrier3A_129 = arith.constant 0 : index
    tpu.barrier barrier_id(%barrier3A_129)
    "tpu.region"() ({
      %run_scoped3A_130 = tpu.sem_alloc : memref<!tpu.dma_semaphore, #tpu.memory_space<semaphore_mem>>
      %dma_start3A_131 = arith.constant 0 : i32
      %dma_start3A_132 = tpu.memref_slice %arg4[%arg0, %mul3A_15, %dma_start3A_131] : memref<2x10240x128xf32, #tpu.memory_space<hbm>> -> memref<1x640x128xf32, #tpu.memory_space<hbm>>
      %dma_start3A_133 = tpu.memref_squeeze %dma_start3A_132 : memref<1x640x128xf32, #tpu.memory_space<hbm>> -> memref<640x128xf32, #tpu.memory_space<hbm>>
      %dma_start3A_134 = arith.constant 0 : i32
      %dma_start3A_135 = tpu.memref_slice %arg11[%mul3A_15, %dma_start3A_134] : memref<10240x128xf32, #tpu.memory_space<vmem_shared>> -> memref<640x128xf32, #tpu.memory_space<vmem_shared>>
      tpu.enqueue_dma source(%dma_start3A_135 : memref<640x128xf32, #tpu.memory_space<vmem_shared>>) target(%dma_start3A_133 : memref<640x128xf32, #tpu.memory_space<hbm>>) target_semaphore(%run_scoped3A_130 : memref<!tpu.dma_semaphore, #tpu.memory_space<semaphore_mem>>)
      %dma_wait3A_136 = arith.constant 0 : i32
      %dma_wait3A_137 = tpu.memref_slice %arg4[%arg0, %mul3A_15, %dma_wait3A_136] : memref<2x10240x128xf32, #tpu.memory_space<hbm>> -> memref<1x640x128xf32, #tpu.memory_space<hbm>>
      %dma_wait3A_138 = tpu.memref_squeeze %dma_wait3A_137 : memref<1x640x128xf32, #tpu.memory_space<hbm>> -> memref<640x128xf32, #tpu.memory_space<hbm>>
      %dma_wait3A_139 = arith.constant 0 : i32
      %dma_wait3A_140 = tpu.memref_slice %arg11[%mul3A_15, %dma_wait3A_139] : memref<10240x128xf32, #tpu.memory_space<vmem_shared>> -> memref<640x128xf32, #tpu.memory_space<vmem_shared>>
      tpu.wait_dma2 semaphore(%run_scoped3A_130 : memref<!tpu.dma_semaphore, #tpu.memory_space<semaphore_mem>>) src(%dma_wait3A_140 : memref<640x128xf32, #tpu.memory_space<vmem_shared>>) dst(%dma_wait3A_138 : memref<640x128xf32, #tpu.memory_space<hbm>>)
      tpu.yield
    }) : () -> ()
    "tpu.region"() ({
      %run_scoped3A_130 = tpu.sem_alloc : memref<!tpu.dma_semaphore, #tpu.memory_space<semaphore_mem>>
      %dma_start3A_131 = arith.constant 0 : i32
      %dma_start3A_132 = arith.constant 0 : i32
      %dma_start3A_133 = tpu.memref_slice %arg5[%add3A, %dma_start3A_131, %dma_start3A_132] : memref<32x80x128xf32, #tpu.memory_space<hbm>> -> memref<1x80x128xf32, #tpu.memory_space<hbm>>
      %dma_start3A_134 = tpu.memref_squeeze %dma_start3A_133 : memref<1x80x128xf32, #tpu.memory_space<hbm>> -> memref<80x128xf32, #tpu.memory_space<hbm>>
      %dma_start3A_135 = arith.constant 0 : i32
      %dma_start3A_136 = arith.constant 0 : i32
      %dma_start3A_137 = tpu.memref_slice %arg5[%add3A, %dma_start3A_135, %dma_start3A_136] : memref<32x80x128xf32, #tpu.memory_space<hbm>> -> memref<1x80x128xf32, #tpu.memory_space<hbm>>
      %dma_start3A_138 = tpu.memref_squeeze %dma_start3A_137 : memref<1x80x128xf32, #tpu.memory_space<hbm>> -> memref<80x128xf32, #tpu.memory_space<hbm>>
      tpu.enqueue_dma source(%arg10 : memref<80x128xf32, #tpu.memory_space<vmem>>) target(%dma_start3A_138 : memref<80x128xf32, #tpu.memory_space<hbm>>) target_semaphore(%run_scoped3A_130 : memref<!tpu.dma_semaphore, #tpu.memory_space<semaphore_mem>>)
      %dma_wait3A_139 = arith.constant 0 : i32
      %dma_wait3A_140 = arith.constant 0 : i32
      %dma_wait3A_141 = tpu.memref_slice %arg5[%add3A, %dma_wait3A_139, %dma_wait3A_140] : memref<32x80x128xf32, #tpu.memory_space<hbm>> -> memref<1x80x128xf32, #tpu.memory_space<hbm>>
      %dma_wait3A_142 = tpu.memref_squeeze %dma_wait3A_141 : memref<1x80x128xf32, #tpu.memory_space<hbm>> -> memref<80x128xf32, #tpu.memory_space<hbm>>
      %dma_wait3A_143 = arith.constant 0 : i32
      %dma_wait3A_144 = arith.constant 0 : i32
      %dma_wait3A_145 = tpu.memref_slice %arg5[%add3A, %dma_wait3A_143, %dma_wait3A_144] : memref<32x80x128xf32, #tpu.memory_space<hbm>> -> memref<1x80x128xf32, #tpu.memory_space<hbm>>
      %dma_wait3A_146 = tpu.memref_squeeze %dma_wait3A_145 : memref<1x80x128xf32, #tpu.memory_space<hbm>> -> memref<80x128xf32, #tpu.memory_space<hbm>>
      tpu.wait_dma2 semaphore(%run_scoped3A_130 : memref<!tpu.dma_semaphore, #tpu.memory_space<semaphore_mem>>) src(%arg10 : memref<80x128xf32, #tpu.memory_space<vmem>>) dst(%dma_wait3A_146 : memref<80x128xf32, #tpu.memory_space<hbm>>)
      tpu.yield
    }) : () -> ()
    return
  }
}

#map = affine_map<(d0, d1) -> (0, 0)>
#map1 = affine_map<(d0, d1) -> (0, 0, 0)>
module attributes {stable_mosaic.version = 14 : i64} {
  func.func @_agg_body(%arg0: i32, %arg1: i32, %arg2: memref<10000x128xf32, #tpu.memory_space<hbm>>, %arg3: memref<5120x2x64xi32, #tpu.memory_space<hbm>>, %arg4: memref<2x10240x128xf32, #tpu.memory_space<hbm>>, %arg5: memref<32x80x128xf32, #tpu.memory_space<hbm>>, %arg6: memref<2x32x2x64xi32, #tpu.memory_space<vmem>>, %arg7: memref<64x128xf32, #tpu.memory_space<vmem>>, %arg8: memref<64x128xf32, #tpu.memory_space<vmem>>, %arg9: memref<64x128xf32, #tpu.memory_space<vmem>>, %arg10: memref<80x128xf32, #tpu.memory_space<vmem>>, %arg11: memref<10240x128xf32, #tpu.memory_space<vmem_shared>>, %arg12: memref<!tpu.dma_semaphore, #tpu.memory_space<semaphore_mem>>, %arg13: memref<!tpu.dma_semaphore, #tpu.memory_space<semaphore_mem>>, %arg14: memref<!tpu.dma_semaphore, #tpu.memory_space<semaphore_mem>>, %arg15: memref<!tpu.dma_semaphore, #tpu.memory_space<semaphore_mem>>, %arg16: memref<!tpu.dma_semaphore, #tpu.memory_space<semaphore_mem>>, %arg17: memref<!tpu.dma_semaphore, #tpu.memory_space<semaphore_mem>>, %arg18: memref<!tpu.dma_semaphore, #tpu.memory_space<semaphore_mem>>) attributes {dimension_semantics = [#tpu.dimension_semantics<core_parallel>, #tpu.dimension_semantics<subcore_parallel>], iteration_bounds = array<i64: 2, 16>, scalar_prefetch = 0 : i64, scratch_operands = 13 : i64, tpu.core_type = #tpu.core_type<sc_vector_subcore>, window_params = [{transform_indices = #map}, {transform_indices = #map1}, {transform_indices = #map1}, {transform_indices = #map1}]} {
    %mul3A = arith.constant 2 : i32
    %mul3A_0 = arith.muli %arg1, %mul3A : i32
    %add3A = arith.addi %mul3A_0, %arg0 : i32
    %mul3A_1 = arith.constant 160 : i32
    %mul3A_2 = arith.muli %add3A, %mul3A_1 : i32
    %scan3A = arith.constant 0 : i32
    %scan3A_3 = arith.constant 0 : i32
    %scan3A_4 = arith.constant 64 : i32
    %scan3A_5 = arith.addi %scan3A_3, %scan3A_4 : i32
    %scan3A_6 = arith.constant 1 : i32
    scf.for %scan3A_130 = %scan3A_3 to %scan3A_5 step %scan3A_6  : i32 {
      %broadcast_in_dim3A_131 = arith.constant 0.000000e+00 : f32
      %broadcast_in_dim3A_132 = vector.broadcast %broadcast_in_dim3A_131 : f32 to vector<16xf32>
      %swap3A = arith.index_cast %scan3A_130 : i32 to index
      %swap3A_133 = arith.constant 0 : index
      %swap3A_134 = tpu.vector_load %arg7[%swap3A, %swap3A_133] {strides = array<i32>} : memref<64x128xf32, #tpu.memory_space<vmem>>, vector<16xf32>,
      tpu.vector_store %arg7[%swap3A, %swap3A_133], %broadcast_in_dim3A_132 {strides = array<i32>} : memref<64x128xf32, #tpu.memory_space<vmem>>, vector<16xf32>,
      %broadcast_in_dim3A_135 = arith.constant 0.000000e+00 : f32
      %broadcast_in_dim3A_136 = vector.broadcast %broadcast_in_dim3A_135 : f32 to vector<16xf32>
      %swap3A_137 = arith.index_cast %scan3A_130 : i32 to index
      %swap3A_138 = arith.constant 16 : index
      %swap3A_139 = tpu.vector_load %arg7[%swap3A_137, %swap3A_138] {strides = array<i32>} : memref<64x128xf32, #tpu.memory_space<vmem>>, vector<16xf32>,
      tpu.vector_store %arg7[%swap3A_137, %swap3A_138], %broadcast_in_dim3A_136 {strides = array<i32>} : memref<64x128xf32, #tpu.memory_space<vmem>>, vector<16xf32>,
      %broadcast_in_dim3A_140 = arith.constant 0.000000e+00 : f32
      %broadcast_in_dim3A_141 = vector.broadcast %broadcast_in_dim3A_140 : f32 to vector<16xf32>
      %swap3A_142 = arith.index_cast %scan3A_130 : i32 to index
      %swap3A_143 = arith.constant 32 : index
      %swap3A_144 = tpu.vector_load %arg7[%swap3A_142, %swap3A_143] {strides = array<i32>} : memref<64x128xf32, #tpu.memory_space<vmem>>, vector<16xf32>,
      tpu.vector_store %arg7[%swap3A_142, %swap3A_143], %broadcast_in_dim3A_141 {strides = array<i32>} : memref<64x128xf32, #tpu.memory_space<vmem>>, vector<16xf32>,
      %broadcast_in_dim3A_145 = arith.constant 0.000000e+00 : f32
      %broadcast_in_dim3A_146 = vector.broadcast %broadcast_in_dim3A_145 : f32 to vector<16xf32>
      %swap3A_147 = arith.index_cast %scan3A_130 : i32 to index
      %swap3A_148 = arith.constant 48 : index
      %swap3A_149 = tpu.vector_load %arg7[%swap3A_147, %swap3A_148] {strides = array<i32>} : memref<64x128xf32, #tpu.memory_space<vmem>>, vector<16xf32>,
      tpu.vector_store %arg7[%swap3A_147, %swap3A_148], %broadcast_in_dim3A_146 {strides = array<i32>} : memref<64x128xf32, #tpu.memory_space<vmem>>, vector<16xf32>,
      %broadcast_in_dim3A_150 = arith.constant 0.000000e+00 : f32
      %broadcast_in_dim3A_151 = vector.broadcast %broadcast_in_dim3A_150 : f32 to vector<16xf32>
      %swap3A_152 = arith.index_cast %scan3A_130 : i32 to index
      %swap3A_153 = arith.constant 64 : index
      %swap3A_154 = tpu.vector_load %arg7[%swap3A_152, %swap3A_153] {strides = array<i32>} : memref<64x128xf32, #tpu.memory_space<vmem>>, vector<16xf32>,
      tpu.vector_store %arg7[%swap3A_152, %swap3A_153], %broadcast_in_dim3A_151 {strides = array<i32>} : memref<64x128xf32, #tpu.memory_space<vmem>>, vector<16xf32>,
      %broadcast_in_dim3A_155 = arith.constant 0.000000e+00 : f32
      %broadcast_in_dim3A_156 = vector.broadcast %broadcast_in_dim3A_155 : f32 to vector<16xf32>
      %swap3A_157 = arith.index_cast %scan3A_130 : i32 to index
      %swap3A_158 = arith.constant 80 : index
      %swap3A_159 = tpu.vector_load %arg7[%swap3A_157, %swap3A_158] {strides = array<i32>} : memref<64x128xf32, #tpu.memory_space<vmem>>, vector<16xf32>,
      tpu.vector_store %arg7[%swap3A_157, %swap3A_158], %broadcast_in_dim3A_156 {strides = array<i32>} : memref<64x128xf32, #tpu.memory_space<vmem>>, vector<16xf32>,
      %broadcast_in_dim3A_160 = arith.constant 0.000000e+00 : f32
      %broadcast_in_dim3A_161 = vector.broadcast %broadcast_in_dim3A_160 : f32 to vector<16xf32>
      %swap3A_162 = arith.index_cast %scan3A_130 : i32 to index
      %swap3A_163 = arith.constant 96 : index
      %swap3A_164 = tpu.vector_load %arg7[%swap3A_162, %swap3A_163] {strides = array<i32>} : memref<64x128xf32, #tpu.memory_space<vmem>>, vector<16xf32>,
      tpu.vector_store %arg7[%swap3A_162, %swap3A_163], %broadcast_in_dim3A_161 {strides = array<i32>} : memref<64x128xf32, #tpu.memory_space<vmem>>, vector<16xf32>,
      %broadcast_in_dim3A_165 = arith.constant 0.000000e+00 : f32
      %broadcast_in_dim3A_166 = vector.broadcast %broadcast_in_dim3A_165 : f32 to vector<16xf32>
      %swap3A_167 = arith.index_cast %scan3A_130 : i32 to index
      %swap3A_168 = arith.constant 112 : index
      %swap3A_169 = tpu.vector_load %arg7[%swap3A_167, %swap3A_168] {strides = array<i32>} : memref<64x128xf32, #tpu.memory_space<vmem>>, vector<16xf32>,
      tpu.vector_store %arg7[%swap3A_167, %swap3A_168], %broadcast_in_dim3A_166 {strides = array<i32>} : memref<64x128xf32, #tpu.memory_space<vmem>>, vector<16xf32>,
    }
    %scan3A_7 = arith.constant 64 : i32
    %scan3A_8 = arith.constant 0 : i32
    %scan3A_9 = arith.constant 0 : i32
    %scan3A_10 = arith.constant 80 : i32
    %scan3A_11 = arith.addi %scan3A_9, %scan3A_10 : i32
    %scan3A_12 = arith.constant 1 : i32
    scf.for %scan3A_130 = %scan3A_9 to %scan3A_11 step %scan3A_12  : i32 {
      %broadcast_in_dim3A_131 = arith.constant 0.000000e+00 : f32
      %broadcast_in_dim3A_132 = vector.broadcast %broadcast_in_dim3A_131 : f32 to vector<16xf32>
      %swap3A = arith.index_cast %scan3A_130 : i32 to index
      %swap3A_133 = arith.constant 0 : index
      %swap3A_134 = tpu.vector_load %arg10[%swap3A, %swap3A_133] {strides = array<i32>} : memref<80x128xf32, #tpu.memory_space<vmem>>, vector<16xf32>,
      tpu.vector_store %arg10[%swap3A, %swap3A_133], %broadcast_in_dim3A_132 {strides = array<i32>} : memref<80x128xf32, #tpu.memory_space<vmem>>, vector<16xf32>,
      %broadcast_in_dim3A_135 = arith.constant 0.000000e+00 : f32
      %broadcast_in_dim3A_136 = vector.broadcast %broadcast_in_dim3A_135 : f32 to vector<16xf32>
      %swap3A_137 = arith.index_cast %scan3A_130 : i32 to index
      %swap3A_138 = arith.constant 16 : index
      %swap3A_139 = tpu.vector_load %arg10[%swap3A_137, %swap3A_138] {strides = array<i32>} : memref<80x128xf32, #tpu.memory_space<vmem>>, vector<16xf32>,
      tpu.vector_store %arg10[%swap3A_137, %swap3A_138], %broadcast_in_dim3A_136 {strides = array<i32>} : memref<80x128xf32, #tpu.memory_space<vmem>>, vector<16xf32>,
      %broadcast_in_dim3A_140 = arith.constant 0.000000e+00 : f32
      %broadcast_in_dim3A_141 = vector.broadcast %broadcast_in_dim3A_140 : f32 to vector<16xf32>
      %swap3A_142 = arith.index_cast %scan3A_130 : i32 to index
      %swap3A_143 = arith.constant 32 : index
      %swap3A_144 = tpu.vector_load %arg10[%swap3A_142, %swap3A_143] {strides = array<i32>} : memref<80x128xf32, #tpu.memory_space<vmem>>, vector<16xf32>,
      tpu.vector_store %arg10[%swap3A_142, %swap3A_143], %broadcast_in_dim3A_141 {strides = array<i32>} : memref<80x128xf32, #tpu.memory_space<vmem>>, vector<16xf32>,
      %broadcast_in_dim3A_145 = arith.constant 0.000000e+00 : f32
      %broadcast_in_dim3A_146 = vector.broadcast %broadcast_in_dim3A_145 : f32 to vector<16xf32>
      %swap3A_147 = arith.index_cast %scan3A_130 : i32 to index
      %swap3A_148 = arith.constant 48 : index
      %swap3A_149 = tpu.vector_load %arg10[%swap3A_147, %swap3A_148] {strides = array<i32>} : memref<80x128xf32, #tpu.memory_space<vmem>>, vector<16xf32>,
      tpu.vector_store %arg10[%swap3A_147, %swap3A_148], %broadcast_in_dim3A_146 {strides = array<i32>} : memref<80x128xf32, #tpu.memory_space<vmem>>, vector<16xf32>,
      %broadcast_in_dim3A_150 = arith.constant 0.000000e+00 : f32
      %broadcast_in_dim3A_151 = vector.broadcast %broadcast_in_dim3A_150 : f32 to vector<16xf32>
      %swap3A_152 = arith.index_cast %scan3A_130 : i32 to index
      %swap3A_153 = arith.constant 64 : index
      %swap3A_154 = tpu.vector_load %arg10[%swap3A_152, %swap3A_153] {strides = array<i32>} : memref<80x128xf32, #tpu.memory_space<vmem>>, vector<16xf32>,
      tpu.vector_store %arg10[%swap3A_152, %swap3A_153], %broadcast_in_dim3A_151 {strides = array<i32>} : memref<80x128xf32, #tpu.memory_space<vmem>>, vector<16xf32>,
      %broadcast_in_dim3A_155 = arith.constant 0.000000e+00 : f32
      %broadcast_in_dim3A_156 = vector.broadcast %broadcast_in_dim3A_155 : f32 to vector<16xf32>
      %swap3A_157 = arith.index_cast %scan3A_130 : i32 to index
      %swap3A_158 = arith.constant 80 : index
      %swap3A_159 = tpu.vector_load %arg10[%swap3A_157, %swap3A_158] {strides = array<i32>} : memref<80x128xf32, #tpu.memory_space<vmem>>, vector<16xf32>,
      tpu.vector_store %arg10[%swap3A_157, %swap3A_158], %broadcast_in_dim3A_156 {strides = array<i32>} : memref<80x128xf32, #tpu.memory_space<vmem>>, vector<16xf32>,
      %broadcast_in_dim3A_160 = arith.constant 0.000000e+00 : f32
      %broadcast_in_dim3A_161 = vector.broadcast %broadcast_in_dim3A_160 : f32 to vector<16xf32>
      %swap3A_162 = arith.index_cast %scan3A_130 : i32 to index
      %swap3A_163 = arith.constant 96 : index
      %swap3A_164 = tpu.vector_load %arg10[%swap3A_162, %swap3A_163] {strides = array<i32>} : memref<80x128xf32, #tpu.memory_space<vmem>>, vector<16xf32>,
      tpu.vector_store %arg10[%swap3A_162, %swap3A_163], %broadcast_in_dim3A_161 {strides = array<i32>} : memref<80x128xf32, #tpu.memory_space<vmem>>, vector<16xf32>,
      %broadcast_in_dim3A_165 = arith.constant 0.000000e+00 : f32
      %broadcast_in_dim3A_166 = vector.broadcast %broadcast_in_dim3A_165 : f32 to vector<16xf32>
      %swap3A_167 = arith.index_cast %scan3A_130 : i32 to index
      %swap3A_168 = arith.constant 112 : index
      %swap3A_169 = tpu.vector_load %arg10[%swap3A_167, %swap3A_168] {strides = array<i32>} : memref<80x128xf32, #tpu.memory_space<vmem>>, vector<16xf32>,
      tpu.vector_store %arg10[%swap3A_167, %swap3A_168], %broadcast_in_dim3A_166 {strides = array<i32>} : memref<80x128xf32, #tpu.memory_space<vmem>>, vector<16xf32>,
    }
    %scan3A_13 = arith.constant 80 : i32
    %mul3A_14 = arith.constant 640 : i32
    %mul3A_15 = arith.muli %arg1, %mul3A_14 : i32
    %scan3A_16 = arith.constant 0 : i32
    %scan3A_17 = arith.constant 0 : i32
    %scan3A_18 = arith.constant 10 : i32
    %scan3A_19 = arith.addi %scan3A_17, %scan3A_18 : i32
    %scan3A_20 = arith.constant 1 : i32
    scf.for %scan3A_130 = %scan3A_17 to %scan3A_19 step %scan3A_20  : i32 {
      %mul3A_131 = arith.constant 64 : i32
      %mul3A_132 = arith.muli %scan3A_130, %mul3A_131 : i32
      %add3A_133 = arith.addi %mul3A_15, %mul3A_132 : i32
      "tpu.region"() ({
        %run_scoped3A_134 = tpu.sem_alloc : memref<!tpu.dma_semaphore, #tpu.memory_space<semaphore_mem>>
        %dma_start3A_135 = arith.constant 0 : i32
        %dma_start3A_136 = tpu.memref_slice %arg11[%add3A_133, %dma_start3A_135] : memref<10240x128xf32, #tpu.memory_space<vmem_shared>> -> memref<64x128xf32, #tpu.memory_space<vmem_shared>>
        %dma_start3A_137 = arith.constant 0 : i32
        %dma_start3A_138 = tpu.memref_slice %arg11[%add3A_133, %dma_start3A_137] : memref<10240x128xf32, #tpu.memory_space<vmem_shared>> -> memref<64x128xf32, #tpu.memory_space<vmem_shared>>
        tpu.enqueue_dma source(%arg7 : memref<64x128xf32, #tpu.memory_space<vmem>>) target(%dma_start3A_138 : memref<64x128xf32, #tpu.memory_space<vmem_shared>>) target_semaphore(%run_scoped3A_134 : memref<!tpu.dma_semaphore, #tpu.memory_space<semaphore_mem>>)
        %dma_wait3A_139 = arith.constant 0 : i32
        %dma_wait3A_140 = tpu.memref_slice %arg11[%add3A_133, %dma_wait3A_139] : memref<10240x128xf32, #tpu.memory_space<vmem_shared>> -> memref<64x128xf32, #tpu.memory_space<vmem_shared>>
        %dma_wait3A_141 = arith.constant 0 : i32
        %dma_wait3A_142 = tpu.memref_slice %arg11[%add3A_133, %dma_wait3A_141] : memref<10240x128xf32, #tpu.memory_space<vmem_shared>> -> memref<64x128xf32, #tpu.memory_space<vmem_shared>>
        tpu.wait_dma2 semaphore(%run_scoped3A_134 : memref<!tpu.dma_semaphore, #tpu.memory_space<semaphore_mem>>) src(%arg7 : memref<64x128xf32, #tpu.memory_space<vmem>>) dst(%dma_wait3A_142 : memref<64x128xf32, #tpu.memory_space<vmem_shared>>)
        tpu.yield
      }) : () -> ()
    }
    %scan3A_21 = arith.constant 10 : i32
    %barrier3A = arith.constant 0 : index
    tpu.barrier barrier_id(%barrier3A)
    %run_scoped3A = arith.constant 0 : i32
    "tpu.region"() ({
      %run_scoped3A_130 = tpu.sem_alloc : memref<!tpu.dma_semaphore, #tpu.memory_space<semaphore_mem>>
      %dma_start3A_131 = arith.constant 0 : i32
      %dma_start3A_132 = arith.constant 0 : i32
      %dma_start3A_133 = arith.constant 0 : i32
      %dma_start3A_134 = tpu.memref_slice %arg6[%run_scoped3A, %dma_start3A_131, %dma_start3A_132, %dma_start3A_133] : memref<2x32x2x64xi32, #tpu.memory_space<vmem>> -> memref<1x32x2x64xi32, #tpu.memory_space<vmem>>
      %dma_start3A_135 = tpu.memref_squeeze %dma_start3A_134 : memref<1x32x2x64xi32, #tpu.memory_space<vmem>> -> memref<32x2x64xi32, #tpu.memory_space<vmem>>
      %dma_start3A_136 = arith.constant 0 : i32
      %dma_start3A_137 = arith.constant 0 : i32
      %dma_start3A_138 = tpu.memref_slice %arg3[%mul3A_2, %dma_start3A_136, %dma_start3A_137] : memref<5120x2x64xi32, #tpu.memory_space<hbm>> -> memref<32x2x64xi32, #tpu.memory_space<hbm>>
      %dma_start3A_139 = arith.constant 0 : i32
      %dma_start3A_140 = arith.constant 0 : i32
      %dma_start3A_141 = arith.constant 0 : i32
      %dma_start3A_142 = tpu.memref_slice %arg6[%run_scoped3A, %dma_start3A_139, %dma_start3A_140, %dma_start3A_141] : memref<2x32x2x64xi32, #tpu.memory_space<vmem>> -> memref<1x32x2x64xi32, #tpu.memory_space<vmem>>
      %dma_start3A_143 = tpu.memref_squeeze %dma_start3A_142 : memref<1x32x2x64xi32, #tpu.memory_space<vmem>> -> memref<32x2x64xi32, #tpu.memory_space<vmem>>
      %dma_start3A_144 = arith.constant 0 : i32
      %dma_start3A_145 = arith.constant 0 : i32
      %dma_start3A_146 = tpu.memref_slice %arg3[%mul3A_2, %dma_start3A_144, %dma_start3A_145] : memref<5120x2x64xi32, #tpu.memory_space<hbm>> -> memref<32x2x64xi32, #tpu.memory_space<hbm>>
      tpu.enqueue_dma source(%dma_start3A_146 : memref<32x2x64xi32, #tpu.memory_space<hbm>>) target(%dma_start3A_143 : memref<32x2x64xi32, #tpu.memory_space<vmem>>) target_semaphore(%run_scoped3A_130 : memref<!tpu.dma_semaphore, #tpu.memory_space<semaphore_mem>>)
      %dma_wait3A_147 = arith.constant 0 : i32
      %dma_wait3A_148 = arith.constant 0 : i32
      %dma_wait3A_149 = arith.constant 0 : i32
      %dma_wait3A_150 = tpu.memref_slice %arg6[%run_scoped3A, %dma_wait3A_147, %dma_wait3A_148, %dma_wait3A_149] : memref<2x32x2x64xi32, #tpu.memory_space<vmem>> -> memref<1x32x2x64xi32, #tpu.memory_space<vmem>>
      %dma_wait3A_151 = tpu.memref_squeeze %dma_wait3A_150 : memref<1x32x2x64xi32, #tpu.memory_space<vmem>> -> memref<32x2x64xi32, #tpu.memory_space<vmem>>
      %dma_wait3A_152 = arith.constant 0 : i32
      %dma_wait3A_153 = arith.constant 0 : i32
      %dma_wait3A_154 = tpu.memref_slice %arg3[%mul3A_2, %dma_wait3A_152, %dma_wait3A_153] : memref<5120x2x64xi32, #tpu.memory_space<hbm>> -> memref<32x2x64xi32, #tpu.memory_space<hbm>>
      %dma_wait3A_155 = arith.constant 0 : i32
      %dma_wait3A_156 = arith.constant 0 : i32
      %dma_wait3A_157 = arith.constant 0 : i32
      %dma_wait3A_158 = tpu.memref_slice %arg6[%run_scoped3A, %dma_wait3A_155, %dma_wait3A_156, %dma_wait3A_157] : memref<2x32x2x64xi32, #tpu.memory_space<vmem>> -> memref<1x32x2x64xi32, #tpu.memory_space<vmem>>
      %dma_wait3A_159 = tpu.memref_squeeze %dma_wait3A_158 : memref<1x32x2x64xi32, #tpu.memory_space<vmem>> -> memref<32x2x64xi32, #tpu.memory_space<vmem>>
      %dma_wait3A_160 = arith.constant 0 : i32
      %dma_wait3A_161 = arith.constant 0 : i32
      %dma_wait3A_162 = tpu.memref_slice %arg3[%mul3A_2, %dma_wait3A_160, %dma_wait3A_161] : memref<5120x2x64xi32, #tpu.memory_space<hbm>> -> memref<32x2x64xi32, #tpu.memory_space<hbm>>
      tpu.wait_dma2 semaphore(%run_scoped3A_130 : memref<!tpu.dma_semaphore, #tpu.memory_space<semaphore_mem>>) src(%dma_wait3A_162 : memref<32x2x64xi32, #tpu.memory_space<hbm>>) dst(%dma_wait3A_159 : memref<32x2x64xi32, #tpu.memory_space<vmem>>)
      tpu.yield
    }) : () -> ()
    %broadcast_in_dim3A = arith.constant 1.000000e+00 : f32
    %broadcast_in_dim3A_22 = vector.broadcast %broadcast_in_dim3A : f32 to vector<16xf32>
    %rem3A = arith.constant 0 : i32
    %rem3A_23 = arith.constant 32 : i32
    %rem3A_24 = arith.remsi %rem3A, %rem3A_23 : i32
    %dma_start3A = arith.constant 0 : i32
    %dma_start3A_25 = arith.constant 0 : i32
    %dma_start3A_26 = arith.constant 0 : i32
    %dma_start3A_27 = tpu.memref_slice %arg6[%dma_start3A, %rem3A_24, %dma_start3A_25, %dma_start3A_26] : memref<2x32x2x64xi32, #tpu.memory_space<vmem>> -> memref<1x1x1x64xi32, #tpu.memory_space<vmem>>
    %dma_start3A_28 = tpu.memref_squeeze %dma_start3A_27 : memref<1x1x1x64xi32, #tpu.memory_space<vmem>> -> memref<64xi32, #tpu.memory_space<vmem>>
    %dma_start3A_29 = arith.constant 0 : i32
    %dma_start3A_30 = arith.constant 0 : i32
    %dma_start3A_31 = tpu.memref_slice %arg2[%dma_start3A_29, %dma_start3A_30] : memref<10000x128xf32, #tpu.memory_space<hbm>> -> memref<10000x128xf32, #tpu.memory_space<hbm>>
    tpu.enqueue_indirect_dma source(%dma_start3A_31 : memref<10000x128xf32, #tpu.memory_space<hbm>>) target(%arg7 : memref<64x128xf32, #tpu.memory_space<vmem>>) offsets(%dma_start3A_28 : memref<64xi32, #tpu.memory_space<vmem>>) semaphore(%arg12 : memref<!tpu.dma_semaphore, #tpu.memory_space<semaphore_mem>>)
    %rem3A_32 = arith.constant 1 : i32
    %rem3A_33 = arith.constant 32 : i32
    %rem3A_34 = arith.remsi %rem3A_32, %rem3A_33 : i32
    %dma_start3A_35 = arith.constant 0 : i32
    %dma_start3A_36 = arith.constant 0 : i32
    %dma_start3A_37 = arith.constant 0 : i32
    %dma_start3A_38 = tpu.memref_slice %arg6[%dma_start3A_35, %rem3A_34, %dma_start3A_36, %dma_start3A_37] : memref<2x32x2x64xi32, #tpu.memory_space<vmem>> -> memref<1x1x1x64xi32, #tpu.memory_space<vmem>>
    %dma_start3A_39 = tpu.memref_squeeze %dma_start3A_38 : memref<1x1x1x64xi32, #tpu.memory_space<vmem>> -> memref<64xi32, #tpu.memory_space<vmem>>
    %dma_start3A_40 = arith.constant 0 : i32
    %dma_start3A_41 = arith.constant 0 : i32
    %dma_start3A_42 = tpu.memref_slice %arg2[%dma_start3A_40, %dma_start3A_41] : memref<10000x128xf32, #tpu.memory_space<hbm>> -> memref<10000x128xf32, #tpu.memory_space<hbm>>
    tpu.enqueue_indirect_dma source(%dma_start3A_42 : memref<10000x128xf32, #tpu.memory_space<hbm>>) target(%arg8 : memref<64x128xf32, #tpu.memory_space<vmem>>) offsets(%dma_start3A_39 : memref<64xi32, #tpu.memory_space<vmem>>) semaphore(%arg13 : memref<!tpu.dma_semaphore, #tpu.memory_space<semaphore_mem>>)
    %scan3A_43 = arith.constant 0 : i32
    %scan3A_44 = arith.constant 0 : i32
    %scan3A_45 = arith.constant 53 : i32
    %scan3A_46 = arith.addi %scan3A_44, %scan3A_45 : i32
    %scan3A_47 = arith.constant 1 : i32
    scf.for %scan3A_130 = %scan3A_44 to %scan3A_46 step %scan3A_47  : i32 {
      %mul3A_131 = arith.constant 3 : i32
      %mul3A_132 = arith.muli %scan3A_130, %mul3A_131 : i32
      %jit3A = arith.constant 32 : i32
      %div3A = arith.divsi %mul3A_132, %jit3A : i32
      %sign3A = arith.constant 0 : i32
      %sign3A_133 = arith.cmpi sgt, %mul3A_132, %sign3A : i32
      %sign3A_134 = arith.extui %sign3A_133 : i1 to i32
      %sign3A_135 = arith.constant 0 : i32
      %sign3A_136 = arith.cmpi slt, %mul3A_132, %sign3A_135 : i32
      %sign3A_137 = arith.extui %sign3A_136 : i1 to i32
      %sign3A_138 = arith.subi %sign3A_134, %sign3A_137 : i32
      %sign3A_139 = arith.constant 0 : i32
      %sign3A_140 = arith.cmpi sgt, %jit3A, %sign3A_139 : i32
      %sign3A_141 = arith.extui %sign3A_140 : i1 to i32
      %sign3A_142 = arith.constant 0 : i32
      %sign3A_143 = arith.cmpi slt, %jit3A, %sign3A_142 : i32
      %sign3A_144 = arith.extui %sign3A_143 : i1 to i32
      %sign3A_145 = arith.subi %sign3A_141, %sign3A_144 : i32
      %ne3A = arith.cmpi ne, %sign3A_138, %sign3A_145 : i32
      %rem3A_146 = arith.remsi %mul3A_132, %jit3A : i32
      %ne3A_147 = arith.constant 0 : i32
      %ne3A_148 = arith.cmpi ne, %rem3A_146, %ne3A_147 : i32
      %and3A_149 = arith.andi %ne3A, %ne3A_148 : i1
      %sub3A = arith.constant 1 : i32
      %sub3A_150 = arith.subi %div3A, %sub3A : i32
      %select_n3A = arith.select %and3A_149, %sub3A_150, %div3A : i32
      %add3A_151 = arith.constant 1 : i32
      %add3A_152 = arith.addi %select_n3A, %add3A_151 : i32
      %ge3A = arith.constant 1 : i32
      %ge3A_153 = arith.cmpi sge, %mul3A_132, %ge3A : i32
      %convert_element_type3A = arith.extui %ge3A_153 : i1 to i32
      %cond3A = arith.constant 0 : i32
      %cond3A_154 = arith.cmpi ne, %convert_element_type3A, %cond3A : i32
      scf.if %cond3A_154 {
        %dma_wait3A_741 = arith.constant 0 : i32
        %dma_wait3A_742 = arith.constant 0 : i32
        %dma_wait3A_743 = tpu.memref_slice %arg11[%dma_wait3A_741, %dma_wait3A_742] : memref<10240x128xf32, #tpu.memory_space<vmem_shared>> -> memref<64x128xf32, #tpu.memory_space<vmem_shared>>
        %dma_wait3A_744 = arith.constant 0 : i32
        %dma_wait3A_745 = arith.constant 0 : i32
        %dma_wait3A_746 = tpu.memref_slice %arg11[%dma_wait3A_744, %dma_wait3A_745] : memref<10240x128xf32, #tpu.memory_space<vmem_shared>> -> memref<64x128xf32, #tpu.memory_space<vmem_shared>>
        tpu.wait_dma2 semaphore(%arg17 : memref<!tpu.dma_semaphore, #tpu.memory_space<semaphore_mem>>) src(%arg9 : memref<64x128xf32, #tpu.memory_space<vmem>>) dst(%dma_wait3A_746 : memref<64x128xf32, #tpu.memory_space<vmem_shared>>)
      } else {
      }
      %rem3A_155 = arith.constant 32 : i32
      %rem3A_156 = arith.remsi %mul3A_132, %rem3A_155 : i32
      %eq3A = arith.constant 0 : i32
      %eq3A_157 = arith.cmpi eq, %rem3A_156, %eq3A : i32
      %lt3A = arith.constant 5 : i32
      %lt3A_158 = arith.cmpi slt, %add3A_152, %lt3A : i32
      %and3A_159 = arith.andi %eq3A_157, %lt3A_158 : i1
      %convert_element_type3A_160 = arith.extui %and3A_159 : i1 to i32
      %cond3A_161 = arith.constant 0 : i32
      %cond3A_162 = arith.cmpi ne, %convert_element_type3A_160, %cond3A_161 : i32
      scf.if %cond3A_162 {
        %mul3A_741 = arith.constant 32 : i32
        %mul3A_742 = arith.muli %add3A_152, %mul3A_741 : i32
        %add3A_743 = arith.addi %mul3A_2, %mul3A_742 : i32
        %rem3A_744 = arith.constant 2 : i32
        %rem3A_745 = arith.remsi %add3A_152, %rem3A_744 : i32
        %dma_start3A_746 = arith.constant 0 : i32
        %dma_start3A_747 = arith.constant 0 : i32
        %dma_start3A_748 = arith.constant 0 : i32
        %dma_start3A_749 = tpu.memref_slice %arg6[%rem3A_745, %dma_start3A_746, %dma_start3A_747, %dma_start3A_748] : memref<2x32x2x64xi32, #tpu.memory_space<vmem>> -> memref<1x32x2x64xi32, #tpu.memory_space<vmem>>
        %dma_start3A_750 = tpu.memref_squeeze %dma_start3A_749 : memref<1x32x2x64xi32, #tpu.memory_space<vmem>> -> memref<32x2x64xi32, #tpu.memory_space<vmem>>
        %dma_start3A_751 = arith.constant 0 : i32
        %dma_start3A_752 = arith.constant 0 : i32
        %dma_start3A_753 = tpu.memref_slice %arg3[%add3A_743, %dma_start3A_751, %dma_start3A_752] : memref<5120x2x64xi32, #tpu.memory_space<hbm>> -> memref<32x2x64xi32, #tpu.memory_space<hbm>>
        %dma_start3A_754 = arith.constant 0 : i32
        %dma_start3A_755 = arith.constant 0 : i32
        %dma_start3A_756 = arith.constant 0 : i32
        %dma_start3A_757 = tpu.memref_slice %arg6[%rem3A_745, %dma_start3A_754, %dma_start3A_755, %dma_start3A_756] : memref<2x32x2x64xi32, #tpu.memory_space<vmem>> -> memref<1x32x2x64xi32, #tpu.memory_space<vmem>>
        %dma_start3A_758 = tpu.memref_squeeze %dma_start3A_757 : memref<1x32x2x64xi32, #tpu.memory_space<vmem>> -> memref<32x2x64xi32, #tpu.memory_space<vmem>>
        %dma_start3A_759 = arith.constant 0 : i32
        %dma_start3A_760 = arith.constant 0 : i32
        %dma_start3A_761 = tpu.memref_slice %arg3[%add3A_743, %dma_start3A_759, %dma_start3A_760] : memref<5120x2x64xi32, #tpu.memory_space<hbm>> -> memref<32x2x64xi32, #tpu.memory_space<hbm>>
        tpu.enqueue_dma source(%dma_start3A_761 : memref<32x2x64xi32, #tpu.memory_space<hbm>>) target(%dma_start3A_758 : memref<32x2x64xi32, #tpu.memory_space<vmem>>) target_semaphore(%arg18 : memref<!tpu.dma_semaphore, #tpu.memory_space<semaphore_mem>>)
      } else {
      }
      %rem3A_163 = arith.constant 32 : i32
      %rem3A_164 = arith.remsi %mul3A_132, %rem3A_163 : i32
      %eq3A_165 = arith.constant 30 : i32
      %eq3A_166 = arith.cmpi eq, %rem3A_164, %eq3A_165 : i32
      %lt3A_167 = arith.constant 5 : i32
      %lt3A_168 = arith.cmpi slt, %add3A_152, %lt3A_167 : i32
      %and3A_169 = arith.andi %eq3A_166, %lt3A_168 : i1
      %convert_element_type3A_170 = arith.extui %and3A_169 : i1 to i32
      %cond3A_171 = arith.constant 0 : i32
      %cond3A_172 = arith.cmpi ne, %convert_element_type3A_170, %cond3A_171 : i32
      scf.if %cond3A_172 {
        %dma_wait3A_741 = arith.constant 0 : i32
        %dma_wait3A_742 = arith.constant 0 : i32
        %dma_wait3A_743 = arith.constant 0 : i32
        %dma_wait3A_744 = arith.constant 0 : i32
        %dma_wait3A_745 = tpu.memref_slice %arg6[%dma_wait3A_741, %dma_wait3A_742, %dma_wait3A_743, %dma_wait3A_744] : memref<2x32x2x64xi32, #tpu.memory_space<vmem>> -> memref<1x32x2x64xi32, #tpu.memory_space<vmem>>
        %dma_wait3A_746 = tpu.memref_squeeze %dma_wait3A_745 : memref<1x32x2x64xi32, #tpu.memory_space<vmem>> -> memref<32x2x64xi32, #tpu.memory_space<vmem>>
        %dma_wait3A_747 = arith.constant 0 : i32
        %dma_wait3A_748 = arith.constant 0 : i32
        %dma_wait3A_749 = arith.constant 0 : i32
        %dma_wait3A_750 = tpu.memref_slice %arg3[%dma_wait3A_747, %dma_wait3A_748, %dma_wait3A_749] : memref<5120x2x64xi32, #tpu.memory_space<hbm>> -> memref<32x2x64xi32, #tpu.memory_space<hbm>>
        %dma_wait3A_751 = arith.constant 0 : i32
        %dma_wait3A_752 = arith.constant 0 : i32
        %dma_wait3A_753 = arith.constant 0 : i32
        %dma_wait3A_754 = tpu.memref_slice %arg6[%dma_wait3A_741, %dma_wait3A_751, %dma_wait3A_752, %dma_wait3A_753] : memref<2x32x2x64xi32, #tpu.memory_space<vmem>> -> memref<1x32x2x64xi32, #tpu.memory_space<vmem>>
        %dma_wait3A_755 = tpu.memref_squeeze %dma_wait3A_754 : memref<1x32x2x64xi32, #tpu.memory_space<vmem>> -> memref<32x2x64xi32, #tpu.memory_space<vmem>>
        %dma_wait3A_756 = arith.constant 0 : i32
        %dma_wait3A_757 = arith.constant 0 : i32
        %dma_wait3A_758 = arith.constant 0 : i32
        %dma_wait3A_759 = tpu.memref_slice %arg3[%dma_wait3A_756, %dma_wait3A_757, %dma_wait3A_758] : memref<5120x2x64xi32, #tpu.memory_space<hbm>> -> memref<32x2x64xi32, #tpu.memory_space<hbm>>
        tpu.wait_dma2 semaphore(%arg18 : memref<!tpu.dma_semaphore, #tpu.memory_space<semaphore_mem>>) src(%dma_wait3A_759 : memref<32x2x64xi32, #tpu.memory_space<hbm>>) dst(%dma_wait3A_755 : memref<32x2x64xi32, #tpu.memory_space<vmem>>)
      } else {
      }
      %add3A_173 = arith.constant 2 : i32
      %add3A_174 = arith.addi %mul3A_132, %add3A_173 : i32
      %lt3A_175 = arith.constant 160 : i32
      %lt3A_176 = arith.cmpi slt, %add3A_174, %lt3A_175 : i32
      %convert_element_type3A_177 = arith.extui %lt3A_176 : i1 to i32
      %cond3A_178 = arith.constant 0 : i32
      %cond3A_179 = arith.cmpi ne, %convert_element_type3A_177, %cond3A_178 : i32
      scf.if %cond3A_179 {
        %add3A_741 = arith.constant 2 : i32
        %add3A_742 = arith.addi %mul3A_132, %add3A_741 : i32
        %jit3A_743 = arith.constant 32 : i32
        %div3A_744 = arith.divsi %add3A_742, %jit3A_743 : i32
        %sign3A_745 = arith.constant 0 : i32
        %sign3A_746 = arith.cmpi sgt, %add3A_742, %sign3A_745 : i32
        %sign3A_747 = arith.extui %sign3A_746 : i1 to i32
        %sign3A_748 = arith.constant 0 : i32
        %sign3A_749 = arith.cmpi slt, %add3A_742, %sign3A_748 : i32
        %sign3A_750 = arith.extui %sign3A_749 : i1 to i32
        %sign3A_751 = arith.subi %sign3A_747, %sign3A_750 : i32
        %sign3A_752 = arith.constant 0 : i32
        %sign3A_753 = arith.cmpi sgt, %jit3A_743, %sign3A_752 : i32
        %sign3A_754 = arith.extui %sign3A_753 : i1 to i32
        %sign3A_755 = arith.constant 0 : i32
        %sign3A_756 = arith.cmpi slt, %jit3A_743, %sign3A_755 : i32
        %sign3A_757 = arith.extui %sign3A_756 : i1 to i32
        %sign3A_758 = arith.subi %sign3A_754, %sign3A_757 : i32
        %ne3A_759 = arith.cmpi ne, %sign3A_751, %sign3A_758 : i32
        %rem3A_760 = arith.remsi %add3A_742, %jit3A_743 : i32
        %ne3A_761 = arith.constant 0 : i32
        %ne3A_762 = arith.cmpi ne, %rem3A_760, %ne3A_761 : i32
        %and3A_763 = arith.andi %ne3A_759, %ne3A_762 : i1
        %sub3A_764 = arith.constant 1 : i32
        %sub3A_765 = arith.subi %div3A_744, %sub3A_764 : i32
        %select_n3A_766 = arith.select %and3A_763, %sub3A_765, %div3A_744 : i32
        %jit3A_767 = arith.constant 2 : i32
        %eq3A_768 = arith.constant 0 : i32
        %eq3A_769 = arith.cmpi eq, %jit3A_767, %eq3A_768 : i32
        %jit3A_770 = arith.constant 1 : i32
        %select_n3A_771 = arith.select %eq3A_769, %jit3A_770, %jit3A_767 : i32
        %rem3A_772 = arith.remsi %select_n3A_766, %select_n3A_771 : i32
        %ne3A_773 = arith.constant 0 : i32
        %ne3A_774 = arith.cmpi ne, %rem3A_772, %ne3A_773 : i32
        %lt3A_775 = arith.constant 0 : i32
        %lt3A_776 = arith.cmpi slt, %rem3A_772, %lt3A_775 : i32
        %lt3A_777 = arith.constant 0 : i32
        %lt3A_778 = arith.cmpi slt, %select_n3A_771, %lt3A_777 : i32
        %ne3A_779 = arith.xori %lt3A_776, %lt3A_778 : i1
        %and3A_780 = arith.andi %ne3A_779, %ne3A_774 : i1
        %add3A_781 = arith.addi %rem3A_772, %select_n3A_771 : i32
        %select_n3A_782 = arith.select %and3A_780, %add3A_781, %rem3A_772 : i32
        %rem3A_783 = arith.constant 32 : i32
        %rem3A_784 = arith.remsi %add3A_742, %rem3A_783 : i32
        %dma_start3A_785 = arith.constant 0 : i32
        %dma_start3A_786 = arith.constant 0 : i32
        %dma_start3A_787 = tpu.memref_slice %arg6[%select_n3A_782, %rem3A_784, %dma_start3A_785, %dma_start3A_786] : memref<2x32x2x64xi32, #tpu.memory_space<vmem>> -> memref<1x1x1x64xi32, #tpu.memory_space<vmem>>
        %dma_start3A_788 = tpu.memref_squeeze %dma_start3A_787 : memref<1x1x1x64xi32, #tpu.memory_space<vmem>> -> memref<64xi32, #tpu.memory_space<vmem>>
        %dma_start3A_789 = arith.constant 0 : i32
        %dma_start3A_790 = arith.constant 0 : i32
        %dma_start3A_791 = tpu.memref_slice %arg2[%dma_start3A_789, %dma_start3A_790] : memref<10000x128xf32, #tpu.memory_space<hbm>> -> memref<10000x128xf32, #tpu.memory_space<hbm>>
        tpu.enqueue_indirect_dma source(%dma_start3A_791 : memref<10000x128xf32, #tpu.memory_space<hbm>>) target(%arg9 : memref<64x128xf32, #tpu.memory_space<vmem>>) offsets(%dma_start3A_788 : memref<64xi32, #tpu.memory_space<vmem>>) semaphore(%arg14 : memref<!tpu.dma_semaphore, #tpu.memory_space<semaphore_mem>>)
      } else {
      }
      %dma_wait3A_180 = arith.constant 0 : i32
      %dma_wait3A_181 = arith.constant 0 : i32
      %dma_wait3A_182 = tpu.memref_slice %arg2[%dma_wait3A_180, %dma_wait3A_181] : memref<10000x128xf32, #tpu.memory_space<hbm>> -> memref<64x128xf32, #tpu.memory_space<hbm>>
      %dma_wait3A_183 = arith.constant 0 : i32
      %dma_wait3A_184 = arith.constant 0 : i32
      %dma_wait3A_185 = tpu.memref_slice %arg2[%dma_wait3A_183, %dma_wait3A_184] : memref<10000x128xf32, #tpu.memory_space<hbm>> -> memref<64x128xf32, #tpu.memory_space<hbm>>
      tpu.wait_dma2 semaphore(%arg12 : memref<!tpu.dma_semaphore, #tpu.memory_space<semaphore_mem>>) src(%dma_wait3A_185 : memref<64x128xf32, #tpu.memory_space<hbm>>) dst(%arg7 : memref<64x128xf32, #tpu.memory_space<vmem>>)
      %jit3A_186 = arith.constant 32 : i32
      %div3A_187 = arith.divsi %mul3A_132, %jit3A_186 : i32
      %sign3A_188 = arith.constant 0 : i32
      %sign3A_189 = arith.cmpi sgt, %mul3A_132, %sign3A_188 : i32
      %sign3A_190 = arith.extui %sign3A_189 : i1 to i32
      %sign3A_191 = arith.constant 0 : i32
      %sign3A_192 = arith.cmpi slt, %mul3A_132, %sign3A_191 : i32
      %sign3A_193 = arith.extui %sign3A_192 : i1 to i32
      %sign3A_194 = arith.subi %sign3A_190, %sign3A_193 : i32
      %sign3A_195 = arith.constant 0 : i32
      %sign3A_196 = arith.cmpi sgt, %jit3A_186, %sign3A_195 : i32
      %sign3A_197 = arith.extui %sign3A_196 : i1 to i32
      %sign3A_198 = arith.constant 0 : i32
      %sign3A_199 = arith.cmpi slt, %jit3A_186, %sign3A_198 : i32
      %sign3A_200 = arith.extui %sign3A_199 : i1 to i32
      %sign3A_201 = arith.subi %sign3A_197, %sign3A_200 : i32
      %ne3A_202 = arith.cmpi ne, %sign3A_194, %sign3A_201 : i32
      %rem3A_203 = arith.remsi %mul3A_132, %jit3A_186 : i32
      %ne3A_204 = arith.constant 0 : i32
      %ne3A_205 = arith.cmpi ne, %rem3A_203, %ne3A_204 : i32
      %and3A_206 = arith.andi %ne3A_202, %ne3A_205 : i1
      %sub3A_207 = arith.constant 1 : i32
      %sub3A_208 = arith.subi %div3A_187, %sub3A_207 : i32
      %select_n3A_209 = arith.select %and3A_206, %sub3A_208, %div3A_187 : i32
      %jit3A_210 = arith.constant 2 : i32
      %eq3A_211 = arith.constant 0 : i32
      %eq3A_212 = arith.cmpi eq, %jit3A_210, %eq3A_211 : i32
      %jit3A_213 = arith.constant 1 : i32
      %select_n3A_214 = arith.select %eq3A_212, %jit3A_213, %jit3A_210 : i32
      %rem3A_215 = arith.remsi %select_n3A_209, %select_n3A_214 : i32
      %ne3A_216 = arith.constant 0 : i32
      %ne3A_217 = arith.cmpi ne, %rem3A_215, %ne3A_216 : i32
      %lt3A_218 = arith.constant 0 : i32
      %lt3A_219 = arith.cmpi slt, %rem3A_215, %lt3A_218 : i32
      %lt3A_220 = arith.constant 0 : i32
      %lt3A_221 = arith.cmpi slt, %select_n3A_214, %lt3A_220 : i32
      %ne3A_222 = arith.xori %lt3A_219, %lt3A_221 : i1
      %and3A_223 = arith.andi %ne3A_222, %ne3A_217 : i1
      %add3A_224 = arith.addi %rem3A_215, %select_n3A_214 : i32
      %select_n3A_225 = arith.select %and3A_223, %add3A_224, %rem3A_215 : i32
      %rem3A_226 = arith.constant 32 : i32
      %rem3A_227 = arith.remsi %mul3A_132, %rem3A_226 : i32
      %dma_start3A_228 = arith.constant 1 : i32
      %dma_start3A_229 = arith.constant 0 : i32
      %dma_start3A_230 = tpu.memref_slice %arg6[%select_n3A_225, %rem3A_227, %dma_start3A_228, %dma_start3A_229] : memref<2x32x2x64xi32, #tpu.memory_space<vmem>> -> memref<1x1x1x64xi32, #tpu.memory_space<vmem>>
      %dma_start3A_231 = tpu.memref_squeeze %dma_start3A_230 : memref<1x1x1x64xi32, #tpu.memory_space<vmem>> -> memref<64xi32, #tpu.memory_space<vmem>>
      %dma_start3A_232 = arith.constant 0 : i32
      %dma_start3A_233 = arith.constant 0 : i32
      %dma_start3A_234 = tpu.memref_slice %arg11[%dma_start3A_232, %dma_start3A_233] : memref<10240x128xf32, #tpu.memory_space<vmem_shared>> -> memref<10240x128xf32, #tpu.memory_space<vmem_shared>>
      tpu.enqueue_indirect_dma source(%arg7 : memref<64x128xf32, #tpu.memory_space<vmem>>) target(%dma_start3A_234 : memref<10240x128xf32, #tpu.memory_space<vmem_shared>>) offsets(%dma_start3A_231 : memref<64xi32, #tpu.memory_space<vmem>>) semaphore(%arg15 : memref<!tpu.dma_semaphore, #tpu.memory_space<semaphore_mem>>) {add = true}
      %jit3A_235 = arith.constant 32 : i32
      %div3A_236 = arith.divsi %mul3A_132, %jit3A_235 : i32
      %sign3A_237 = arith.constant 0 : i32
      %sign3A_238 = arith.cmpi sgt, %mul3A_132, %sign3A_237 : i32
      %sign3A_239 = arith.extui %sign3A_238 : i1 to i32
      %sign3A_240 = arith.constant 0 : i32
      %sign3A_241 = arith.cmpi slt, %mul3A_132, %sign3A_240 : i32
      %sign3A_242 = arith.extui %sign3A_241 : i1 to i32
      %sign3A_243 = arith.subi %sign3A_239, %sign3A_242 : i32
      %sign3A_244 = arith.constant 0 : i32
      %sign3A_245 = arith.cmpi sgt, %jit3A_235, %sign3A_244 : i32
      %sign3A_246 = arith.extui %sign3A_245 : i1 to i32
      %sign3A_247 = arith.constant 0 : i32
      %sign3A_248 = arith.cmpi slt, %jit3A_235, %sign3A_247 : i32
      %sign3A_249 = arith.extui %sign3A_248 : i1 to i32
      %sign3A_250 = arith.subi %sign3A_246, %sign3A_249 : i32
      %ne3A_251 = arith.cmpi ne, %sign3A_243, %sign3A_250 : i32
      %rem3A_252 = arith.remsi %mul3A_132, %jit3A_235 : i32
      %ne3A_253 = arith.constant 0 : i32
      %ne3A_254 = arith.cmpi ne, %rem3A_252, %ne3A_253 : i32
      %and3A_255 = arith.andi %ne3A_251, %ne3A_254 : i1
      %sub3A_256 = arith.constant 1 : i32
      %sub3A_257 = arith.subi %div3A_236, %sub3A_256 : i32
      %select_n3A_258 = arith.select %and3A_255, %sub3A_257, %div3A_236 : i32
      %jit3A_259 = arith.constant 2 : i32
      %eq3A_260 = arith.constant 0 : i32
      %eq3A_261 = arith.cmpi eq, %jit3A_259, %eq3A_260 : i32
      %jit3A_262 = arith.constant 1 : i32
      %select_n3A_263 = arith.select %eq3A_261, %jit3A_262, %jit3A_259 : i32
      %rem3A_264 = arith.remsi %select_n3A_258, %select_n3A_263 : i32
      %ne3A_265 = arith.constant 0 : i32
      %ne3A_266 = arith.cmpi ne, %rem3A_264, %ne3A_265 : i32
      %lt3A_267 = arith.constant 0 : i32
      %lt3A_268 = arith.cmpi slt, %rem3A_264, %lt3A_267 : i32
      %lt3A_269 = arith.constant 0 : i32
      %lt3A_270 = arith.cmpi slt, %select_n3A_263, %lt3A_269 : i32
      %ne3A_271 = arith.xori %lt3A_268, %lt3A_270 : i1
      %and3A_272 = arith.andi %ne3A_271, %ne3A_266 : i1
      %add3A_273 = arith.addi %rem3A_264, %select_n3A_263 : i32
      %select_n3A_274 = arith.select %and3A_272, %add3A_273, %rem3A_264 : i32
      %rem3A_275 = arith.constant 32 : i32
      %rem3A_276 = arith.remsi %mul3A_132, %rem3A_275 : i32
      %get3A_277 = arith.constant 1 : i32
      %get3A_278 = arith.index_cast %select_n3A_274 : i32 to index
      %get3A_279 = arith.index_cast %rem3A_276 : i32 to index
      %get3A_280 = arith.index_cast %get3A_277 : i32 to index
      %get3A_281 = arith.constant 0 : index
      %get3A_282 = tpu.vector_load %arg6[%get3A_278, %get3A_279, %get3A_280, %get3A_281] {strides = array<i32>} : memref<2x32x2x64xi32, #tpu.memory_space<vmem>>, vector<16xi32>,
      %shift_right_logical3A_283 = arith.constant 7 : i32
      %shift_right_logical3A_284 = vector.broadcast %shift_right_logical3A_283 : i32 to vector<16xi32>
      %shift_right_logical3A_285 = arith.shrui %get3A_282, %shift_right_logical3A_284 : vector<16xi32>
      %and3A_286 = arith.constant 127 : i32
      %and3A_287 = vector.broadcast %and3A_286 : i32 to vector<16xi32>
      %and3A_288 = arith.andi %get3A_282, %and3A_287 : vector<16xi32>
      tpu.vector_store_idx %arg10[%shift_right_logical3A_285, %and3A_288], %broadcast_in_dim3A_22 {add = true} : memref<80x128xf32, #tpu.memory_space<vmem>>[vector<16xi32>, vector<16xi32>], vector<16xf32>,
      %get3A_289 = arith.constant 1 : i32
      %get3A_290 = arith.index_cast %select_n3A_274 : i32 to index
      %get3A_291 = arith.index_cast %rem3A_276 : i32 to index
      %get3A_292 = arith.index_cast %get3A_289 : i32 to index
      %get3A_293 = arith.constant 16 : index
      %get3A_294 = tpu.vector_load %arg6[%get3A_290, %get3A_291, %get3A_292, %get3A_293] {strides = array<i32>} : memref<2x32x2x64xi32, #tpu.memory_space<vmem>>, vector<16xi32>,
      %shift_right_logical3A_295 = arith.constant 7 : i32
      %shift_right_logical3A_296 = vector.broadcast %shift_right_logical3A_295 : i32 to vector<16xi32>
      %shift_right_logical3A_297 = arith.shrui %get3A_294, %shift_right_logical3A_296 : vector<16xi32>
      %and3A_298 = arith.constant 127 : i32
      %and3A_299 = vector.broadcast %and3A_298 : i32 to vector<16xi32>
      %and3A_300 = arith.andi %get3A_294, %and3A_299 : vector<16xi32>
      tpu.vector_store_idx %arg10[%shift_right_logical3A_297, %and3A_300], %broadcast_in_dim3A_22 {add = true} : memref<80x128xf32, #tpu.memory_space<vmem>>[vector<16xi32>, vector<16xi32>], vector<16xf32>,
      %get3A_301 = arith.constant 1 : i32
      %get3A_302 = arith.index_cast %select_n3A_274 : i32 to index
      %get3A_303 = arith.index_cast %rem3A_276 : i32 to index
      %get3A_304 = arith.index_cast %get3A_301 : i32 to index
      %get3A_305 = arith.constant 32 : index
      %get3A_306 = tpu.vector_load %arg6[%get3A_302, %get3A_303, %get3A_304, %get3A_305] {strides = array<i32>} : memref<2x32x2x64xi32, #tpu.memory_space<vmem>>, vector<16xi32>,
      %shift_right_logical3A_307 = arith.constant 7 : i32
      %shift_right_logical3A_308 = vector.broadcast %shift_right_logical3A_307 : i32 to vector<16xi32>
      %shift_right_logical3A_309 = arith.shrui %get3A_306, %shift_right_logical3A_308 : vector<16xi32>
      %and3A_310 = arith.constant 127 : i32
      %and3A_311 = vector.broadcast %and3A_310 : i32 to vector<16xi32>
      %and3A_312 = arith.andi %get3A_306, %and3A_311 : vector<16xi32>
      tpu.vector_store_idx %arg10[%shift_right_logical3A_309, %and3A_312], %broadcast_in_dim3A_22 {add = true} : memref<80x128xf32, #tpu.memory_space<vmem>>[vector<16xi32>, vector<16xi32>], vector<16xf32>,
      %get3A_313 = arith.constant 1 : i32
      %get3A_314 = arith.index_cast %select_n3A_274 : i32 to index
      %get3A_315 = arith.index_cast %rem3A_276 : i32 to index
      %get3A_316 = arith.index_cast %get3A_313 : i32 to index
      %get3A_317 = arith.constant 48 : index
      %get3A_318 = tpu.vector_load %arg6[%get3A_314, %get3A_315, %get3A_316, %get3A_317] {strides = array<i32>} : memref<2x32x2x64xi32, #tpu.memory_space<vmem>>, vector<16xi32>,
      %shift_right_logical3A_319 = arith.constant 7 : i32
      %shift_right_logical3A_320 = vector.broadcast %shift_right_logical3A_319 : i32 to vector<16xi32>
      %shift_right_logical3A_321 = arith.shrui %get3A_318, %shift_right_logical3A_320 : vector<16xi32>
      %and3A_322 = arith.constant 127 : i32
      %and3A_323 = vector.broadcast %and3A_322 : i32 to vector<16xi32>
      %and3A_324 = arith.andi %get3A_318, %and3A_323 : vector<16xi32>
      tpu.vector_store_idx %arg10[%shift_right_logical3A_321, %and3A_324], %broadcast_in_dim3A_22 {add = true} : memref<80x128xf32, #tpu.memory_space<vmem>>[vector<16xi32>, vector<16xi32>], vector<16xf32>,
      %mul3A_325 = arith.constant 3 : i32
      %mul3A_326 = arith.muli %scan3A_130, %mul3A_325 : i32
      %add3A_327 = arith.constant 1 : i32
      %add3A_328 = arith.addi %mul3A_326, %add3A_327 : i32
      %jit3A_329 = arith.constant 32 : i32
      %div3A_330 = arith.divsi %add3A_328, %jit3A_329 : i32
      %sign3A_331 = arith.constant 0 : i32
      %sign3A_332 = arith.cmpi sgt, %add3A_328, %sign3A_331 : i32
      %sign3A_333 = arith.extui %sign3A_332 : i1 to i32
      %sign3A_334 = arith.constant 0 : i32
      %sign3A_335 = arith.cmpi slt, %add3A_328, %sign3A_334 : i32
      %sign3A_336 = arith.extui %sign3A_335 : i1 to i32
      %sign3A_337 = arith.subi %sign3A_333, %sign3A_336 : i32
      %sign3A_338 = arith.constant 0 : i32
      %sign3A_339 = arith.cmpi sgt, %jit3A_329, %sign3A_338 : i32
      %sign3A_340 = arith.extui %sign3A_339 : i1 to i32
      %sign3A_341 = arith.constant 0 : i32
      %sign3A_342 = arith.cmpi slt, %jit3A_329, %sign3A_341 : i32
      %sign3A_343 = arith.extui %sign3A_342 : i1 to i32
      %sign3A_344 = arith.subi %sign3A_340, %sign3A_343 : i32
      %ne3A_345 = arith.cmpi ne, %sign3A_337, %sign3A_344 : i32
      %rem3A_346 = arith.remsi %add3A_328, %jit3A_329 : i32
      %ne3A_347 = arith.constant 0 : i32
      %ne3A_348 = arith.cmpi ne, %rem3A_346, %ne3A_347 : i32
      %and3A_349 = arith.andi %ne3A_345, %ne3A_348 : i1
      %sub3A_350 = arith.constant 1 : i32
      %sub3A_351 = arith.subi %div3A_330, %sub3A_350 : i32
      %select_n3A_352 = arith.select %and3A_349, %sub3A_351, %div3A_330 : i32
      %add3A_353 = arith.constant 1 : i32
      %add3A_354 = arith.addi %select_n3A_352, %add3A_353 : i32
      %dma_wait3A_355 = arith.constant 0 : i32
      %dma_wait3A_356 = arith.constant 0 : i32
      %dma_wait3A_357 = tpu.memref_slice %arg11[%dma_wait3A_355, %dma_wait3A_356] : memref<10240x128xf32, #tpu.memory_space<vmem_shared>> -> memref<64x128xf32, #tpu.memory_space<vmem_shared>>
      %dma_wait3A_358 = arith.constant 0 : i32
      %dma_wait3A_359 = arith.constant 0 : i32
      %dma_wait3A_360 = tpu.memref_slice %arg11[%dma_wait3A_358, %dma_wait3A_359] : memref<10240x128xf32, #tpu.memory_space<vmem_shared>> -> memref<64x128xf32, #tpu.memory_space<vmem_shared>>
      tpu.wait_dma2 semaphore(%arg15 : memref<!tpu.dma_semaphore, #tpu.memory_space<semaphore_mem>>) src(%arg7 : memref<64x128xf32, #tpu.memory_space<vmem>>) dst(%dma_wait3A_360 : memref<64x128xf32, #tpu.memory_space<vmem_shared>>)
      %rem3A_361 = arith.constant 32 : i32
      %rem3A_362 = arith.remsi %add3A_328, %rem3A_361 : i32
      %eq3A_363 = arith.constant 0 : i32
      %eq3A_364 = arith.cmpi eq, %rem3A_362, %eq3A_363 : i32
      %lt3A_365 = arith.constant 5 : i32
      %lt3A_366 = arith.cmpi slt, %add3A_354, %lt3A_365 : i32
      %and3A_367 = arith.andi %eq3A_364, %lt3A_366 : i1
      %convert_element_type3A_368 = arith.extui %and3A_367 : i1 to i32
      %cond3A_369 = arith.constant 0 : i32
      %cond3A_370 = arith.cmpi ne, %convert_element_type3A_368, %cond3A_369 : i32
      scf.if %cond3A_370 {
        %mul3A_741 = arith.constant 32 : i32
        %mul3A_742 = arith.muli %add3A_354, %mul3A_741 : i32
        %add3A_743 = arith.addi %mul3A_2, %mul3A_742 : i32
        %rem3A_744 = arith.constant 2 : i32
        %rem3A_745 = arith.remsi %add3A_354, %rem3A_744 : i32
        %dma_start3A_746 = arith.constant 0 : i32
        %dma_start3A_747 = arith.constant 0 : i32
        %dma_start3A_748 = arith.constant 0 : i32
        %dma_start3A_749 = tpu.memref_slice %arg6[%rem3A_745, %dma_start3A_746, %dma_start3A_747, %dma_start3A_748] : memref<2x32x2x64xi32, #tpu.memory_space<vmem>> -> memref<1x32x2x64xi32, #tpu.memory_space<vmem>>
        %dma_start3A_750 = tpu.memref_squeeze %dma_start3A_749 : memref<1x32x2x64xi32, #tpu.memory_space<vmem>> -> memref<32x2x64xi32, #tpu.memory_space<vmem>>
        %dma_start3A_751 = arith.constant 0 : i32
        %dma_start3A_752 = arith.constant 0 : i32
        %dma_start3A_753 = tpu.memref_slice %arg3[%add3A_743, %dma_start3A_751, %dma_start3A_752] : memref<5120x2x64xi32, #tpu.memory_space<hbm>> -> memref<32x2x64xi32, #tpu.memory_space<hbm>>
        %dma_start3A_754 = arith.constant 0 : i32
        %dma_start3A_755 = arith.constant 0 : i32
        %dma_start3A_756 = arith.constant 0 : i32
        %dma_start3A_757 = tpu.memref_slice %arg6[%rem3A_745, %dma_start3A_754, %dma_start3A_755, %dma_start3A_756] : memref<2x32x2x64xi32, #tpu.memory_space<vmem>> -> memref<1x32x2x64xi32, #tpu.memory_space<vmem>>
        %dma_start3A_758 = tpu.memref_squeeze %dma_start3A_757 : memref<1x32x2x64xi32, #tpu.memory_space<vmem>> -> memref<32x2x64xi32, #tpu.memory_space<vmem>>
        %dma_start3A_759 = arith.constant 0 : i32
        %dma_start3A_760 = arith.constant 0 : i32
        %dma_start3A_761 = tpu.memref_slice %arg3[%add3A_743, %dma_start3A_759, %dma_start3A_760] : memref<5120x2x64xi32, #tpu.memory_space<hbm>> -> memref<32x2x64xi32, #tpu.memory_space<hbm>>
        tpu.enqueue_dma source(%dma_start3A_761 : memref<32x2x64xi32, #tpu.memory_space<hbm>>) target(%dma_start3A_758 : memref<32x2x64xi32, #tpu.memory_space<vmem>>) target_semaphore(%arg18 : memref<!tpu.dma_semaphore, #tpu.memory_space<semaphore_mem>>)
      } else {
      }
      %rem3A_371 = arith.constant 32 : i32
      %rem3A_372 = arith.remsi %add3A_328, %rem3A_371 : i32
      %eq3A_373 = arith.constant 30 : i32
      %eq3A_374 = arith.cmpi eq, %rem3A_372, %eq3A_373 : i32
      %lt3A_375 = arith.constant 5 : i32
      %lt3A_376 = arith.cmpi slt, %add3A_354, %lt3A_375 : i32
      %and3A_377 = arith.andi %eq3A_374, %lt3A_376 : i1
      %convert_element_type3A_378 = arith.extui %and3A_377 : i1 to i32
      %cond3A_379 = arith.constant 0 : i32
      %cond3A_380 = arith.cmpi ne, %convert_element_type3A_378, %cond3A_379 : i32
      scf.if %cond3A_380 {
        %dma_wait3A_741 = arith.constant 0 : i32
        %dma_wait3A_742 = arith.constant 0 : i32
        %dma_wait3A_743 = arith.constant 0 : i32
        %dma_wait3A_744 = arith.constant 0 : i32
        %dma_wait3A_745 = tpu.memref_slice %arg6[%dma_wait3A_741, %dma_wait3A_742, %dma_wait3A_743, %dma_wait3A_744] : memref<2x32x2x64xi32, #tpu.memory_space<vmem>> -> memref<1x32x2x64xi32, #tpu.memory_space<vmem>>
        %dma_wait3A_746 = tpu.memref_squeeze %dma_wait3A_745 : memref<1x32x2x64xi32, #tpu.memory_space<vmem>> -> memref<32x2x64xi32, #tpu.memory_space<vmem>>
        %dma_wait3A_747 = arith.constant 0 : i32
        %dma_wait3A_748 = arith.constant 0 : i32
        %dma_wait3A_749 = arith.constant 0 : i32
        %dma_wait3A_750 = tpu.memref_slice %arg3[%dma_wait3A_747, %dma_wait3A_748, %dma_wait3A_749] : memref<5120x2x64xi32, #tpu.memory_space<hbm>> -> memref<32x2x64xi32, #tpu.memory_space<hbm>>
        %dma_wait3A_751 = arith.constant 0 : i32
        %dma_wait3A_752 = arith.constant 0 : i32
        %dma_wait3A_753 = arith.constant 0 : i32
        %dma_wait3A_754 = tpu.memref_slice %arg6[%dma_wait3A_741, %dma_wait3A_751, %dma_wait3A_752, %dma_wait3A_753] : memref<2x32x2x64xi32, #tpu.memory_space<vmem>> -> memref<1x32x2x64xi32, #tpu.memory_space<vmem>>
        %dma_wait3A_755 = tpu.memref_squeeze %dma_wait3A_754 : memref<1x32x2x64xi32, #tpu.memory_space<vmem>> -> memref<32x2x64xi32, #tpu.memory_space<vmem>>
        %dma_wait3A_756 = arith.constant 0 : i32
        %dma_wait3A_757 = arith.constant 0 : i32
        %dma_wait3A_758 = arith.constant 0 : i32
        %dma_wait3A_759 = tpu.memref_slice %arg3[%dma_wait3A_756, %dma_wait3A_757, %dma_wait3A_758] : memref<5120x2x64xi32, #tpu.memory_space<hbm>> -> memref<32x2x64xi32, #tpu.memory_space<hbm>>
        tpu.wait_dma2 semaphore(%arg18 : memref<!tpu.dma_semaphore, #tpu.memory_space<semaphore_mem>>) src(%dma_wait3A_759 : memref<32x2x64xi32, #tpu.memory_space<hbm>>) dst(%dma_wait3A_755 : memref<32x2x64xi32, #tpu.memory_space<vmem>>)
      } else {
      }
      %add3A_381 = arith.constant 2 : i32
      %add3A_382 = arith.addi %add3A_328, %add3A_381 : i32
      %lt3A_383 = arith.constant 160 : i32
      %lt3A_384 = arith.cmpi slt, %add3A_382, %lt3A_383 : i32
      %convert_element_type3A_385 = arith.extui %lt3A_384 : i1 to i32
      %cond3A_386 = arith.constant 0 : i32
      %cond3A_387 = arith.cmpi ne, %convert_element_type3A_385, %cond3A_386 : i32
      scf.if %cond3A_387 {
        %add3A_741 = arith.constant 2 : i32
        %add3A_742 = arith.addi %add3A_328, %add3A_741 : i32
        %jit3A_743 = arith.constant 32 : i32
        %div3A_744 = arith.divsi %add3A_742, %jit3A_743 : i32
        %sign3A_745 = arith.constant 0 : i32
        %sign3A_746 = arith.cmpi sgt, %add3A_742, %sign3A_745 : i32
        %sign3A_747 = arith.extui %sign3A_746 : i1 to i32
        %sign3A_748 = arith.constant 0 : i32
        %sign3A_749 = arith.cmpi slt, %add3A_742, %sign3A_748 : i32
        %sign3A_750 = arith.extui %sign3A_749 : i1 to i32
        %sign3A_751 = arith.subi %sign3A_747, %sign3A_750 : i32
        %sign3A_752 = arith.constant 0 : i32
        %sign3A_753 = arith.cmpi sgt, %jit3A_743, %sign3A_752 : i32
        %sign3A_754 = arith.extui %sign3A_753 : i1 to i32
        %sign3A_755 = arith.constant 0 : i32
        %sign3A_756 = arith.cmpi slt, %jit3A_743, %sign3A_755 : i32
        %sign3A_757 = arith.extui %sign3A_756 : i1 to i32
        %sign3A_758 = arith.subi %sign3A_754, %sign3A_757 : i32
        %ne3A_759 = arith.cmpi ne, %sign3A_751, %sign3A_758 : i32
        %rem3A_760 = arith.remsi %add3A_742, %jit3A_743 : i32
        %ne3A_761 = arith.constant 0 : i32
        %ne3A_762 = arith.cmpi ne, %rem3A_760, %ne3A_761 : i32
        %and3A_763 = arith.andi %ne3A_759, %ne3A_762 : i1
        %sub3A_764 = arith.constant 1 : i32
        %sub3A_765 = arith.subi %div3A_744, %sub3A_764 : i32
        %select_n3A_766 = arith.select %and3A_763, %sub3A_765, %div3A_744 : i32
        %jit3A_767 = arith.constant 2 : i32
        %eq3A_768 = arith.constant 0 : i32
        %eq3A_769 = arith.cmpi eq, %jit3A_767, %eq3A_768 : i32
        %jit3A_770 = arith.constant 1 : i32
        %select_n3A_771 = arith.select %eq3A_769, %jit3A_770, %jit3A_767 : i32
        %rem3A_772 = arith.remsi %select_n3A_766, %select_n3A_771 : i32
        %ne3A_773 = arith.constant 0 : i32
        %ne3A_774 = arith.cmpi ne, %rem3A_772, %ne3A_773 : i32
        %lt3A_775 = arith.constant 0 : i32
        %lt3A_776 = arith.cmpi slt, %rem3A_772, %lt3A_775 : i32
        %lt3A_777 = arith.constant 0 : i32
        %lt3A_778 = arith.cmpi slt, %select_n3A_771, %lt3A_777 : i32
        %ne3A_779 = arith.xori %lt3A_776, %lt3A_778 : i1
        %and3A_780 = arith.andi %ne3A_779, %ne3A_774 : i1
        %add3A_781 = arith.addi %rem3A_772, %select_n3A_771 : i32
        %select_n3A_782 = arith.select %and3A_780, %add3A_781, %rem3A_772 : i32
        %rem3A_783 = arith.constant 32 : i32
        %rem3A_784 = arith.remsi %add3A_742, %rem3A_783 : i32
        %dma_start3A_785 = arith.constant 0 : i32
        %dma_start3A_786 = arith.constant 0 : i32
        %dma_start3A_787 = tpu.memref_slice %arg6[%select_n3A_782, %rem3A_784, %dma_start3A_785, %dma_start3A_786] : memref<2x32x2x64xi32, #tpu.memory_space<vmem>> -> memref<1x1x1x64xi32, #tpu.memory_space<vmem>>
        %dma_start3A_788 = tpu.memref_squeeze %dma_start3A_787 : memref<1x1x1x64xi32, #tpu.memory_space<vmem>> -> memref<64xi32, #tpu.memory_space<vmem>>
        %dma_start3A_789 = arith.constant 0 : i32
        %dma_start3A_790 = arith.constant 0 : i32
        %dma_start3A_791 = tpu.memref_slice %arg2[%dma_start3A_789, %dma_start3A_790] : memref<10000x128xf32, #tpu.memory_space<hbm>> -> memref<10000x128xf32, #tpu.memory_space<hbm>>
        tpu.enqueue_indirect_dma source(%dma_start3A_791 : memref<10000x128xf32, #tpu.memory_space<hbm>>) target(%arg7 : memref<64x128xf32, #tpu.memory_space<vmem>>) offsets(%dma_start3A_788 : memref<64xi32, #tpu.memory_space<vmem>>) semaphore(%arg12 : memref<!tpu.dma_semaphore, #tpu.memory_space<semaphore_mem>>)
      } else {
      }
      %dma_wait3A_388 = arith.constant 0 : i32
      %dma_wait3A_389 = arith.constant 0 : i32
      %dma_wait3A_390 = tpu.memref_slice %arg2[%dma_wait3A_388, %dma_wait3A_389] : memref<10000x128xf32, #tpu.memory_space<hbm>> -> memref<64x128xf32, #tpu.memory_space<hbm>>
      %dma_wait3A_391 = arith.constant 0 : i32
      %dma_wait3A_392 = arith.constant 0 : i32
      %dma_wait3A_393 = tpu.memref_slice %arg2[%dma_wait3A_391, %dma_wait3A_392] : memref<10000x128xf32, #tpu.memory_space<hbm>> -> memref<64x128xf32, #tpu.memory_space<hbm>>
      tpu.wait_dma2 semaphore(%arg13 : memref<!tpu.dma_semaphore, #tpu.memory_space<semaphore_mem>>) src(%dma_wait3A_393 : memref<64x128xf32, #tpu.memory_space<hbm>>) dst(%arg8 : memref<64x128xf32, #tpu.memory_space<vmem>>)
      %jit3A_394 = arith.constant 32 : i32
      %div3A_395 = arith.divsi %add3A_328, %jit3A_394 : i32
      %sign3A_396 = arith.constant 0 : i32
      %sign3A_397 = arith.cmpi sgt, %add3A_328, %sign3A_396 : i32
      %sign3A_398 = arith.extui %sign3A_397 : i1 to i32
      %sign3A_399 = arith.constant 0 : i32
      %sign3A_400 = arith.cmpi slt, %add3A_328, %sign3A_399 : i32
      %sign3A_401 = arith.extui %sign3A_400 : i1 to i32
      %sign3A_402 = arith.subi %sign3A_398, %sign3A_401 : i32
      %sign3A_403 = arith.constant 0 : i32
      %sign3A_404 = arith.cmpi sgt, %jit3A_394, %sign3A_403 : i32
      %sign3A_405 = arith.extui %sign3A_404 : i1 to i32
      %sign3A_406 = arith.constant 0 : i32
      %sign3A_407 = arith.cmpi slt, %jit3A_394, %sign3A_406 : i32
      %sign3A_408 = arith.extui %sign3A_407 : i1 to i32
      %sign3A_409 = arith.subi %sign3A_405, %sign3A_408 : i32
      %ne3A_410 = arith.cmpi ne, %sign3A_402, %sign3A_409 : i32
      %rem3A_411 = arith.remsi %add3A_328, %jit3A_394 : i32
      %ne3A_412 = arith.constant 0 : i32
      %ne3A_413 = arith.cmpi ne, %rem3A_411, %ne3A_412 : i32
      %and3A_414 = arith.andi %ne3A_410, %ne3A_413 : i1
      %sub3A_415 = arith.constant 1 : i32
      %sub3A_416 = arith.subi %div3A_395, %sub3A_415 : i32
      %select_n3A_417 = arith.select %and3A_414, %sub3A_416, %div3A_395 : i32
      %jit3A_418 = arith.constant 2 : i32
      %eq3A_419 = arith.constant 0 : i32
      %eq3A_420 = arith.cmpi eq, %jit3A_418, %eq3A_419 : i32
      %jit3A_421 = arith.constant 1 : i32
      %select_n3A_422 = arith.select %eq3A_420, %jit3A_421, %jit3A_418 : i32
      %rem3A_423 = arith.remsi %select_n3A_417, %select_n3A_422 : i32
      %ne3A_424 = arith.constant 0 : i32
      %ne3A_425 = arith.cmpi ne, %rem3A_423, %ne3A_424 : i32
      %lt3A_426 = arith.constant 0 : i32
      %lt3A_427 = arith.cmpi slt, %rem3A_423, %lt3A_426 : i32
      %lt3A_428 = arith.constant 0 : i32
      %lt3A_429 = arith.cmpi slt, %select_n3A_422, %lt3A_428 : i32
      %ne3A_430 = arith.xori %lt3A_427, %lt3A_429 : i1
      %and3A_431 = arith.andi %ne3A_430, %ne3A_425 : i1
      %add3A_432 = arith.addi %rem3A_423, %select_n3A_422 : i32
      %select_n3A_433 = arith.select %and3A_431, %add3A_432, %rem3A_423 : i32
      %rem3A_434 = arith.constant 32 : i32
      %rem3A_435 = arith.remsi %add3A_328, %rem3A_434 : i32
      %dma_start3A_436 = arith.constant 1 : i32
      %dma_start3A_437 = arith.constant 0 : i32
      %dma_start3A_438 = tpu.memref_slice %arg6[%select_n3A_433, %rem3A_435, %dma_start3A_436, %dma_start3A_437] : memref<2x32x2x64xi32, #tpu.memory_space<vmem>> -> memref<1x1x1x64xi32, #tpu.memory_space<vmem>>
      %dma_start3A_439 = tpu.memref_squeeze %dma_start3A_438 : memref<1x1x1x64xi32, #tpu.memory_space<vmem>> -> memref<64xi32, #tpu.memory_space<vmem>>
      %dma_start3A_440 = arith.constant 0 : i32
      %dma_start3A_441 = arith.constant 0 : i32
      %dma_start3A_442 = tpu.memref_slice %arg11[%dma_start3A_440, %dma_start3A_441] : memref<10240x128xf32, #tpu.memory_space<vmem_shared>> -> memref<10240x128xf32, #tpu.memory_space<vmem_shared>>
      tpu.enqueue_indirect_dma source(%arg8 : memref<64x128xf32, #tpu.memory_space<vmem>>) target(%dma_start3A_442 : memref<10240x128xf32, #tpu.memory_space<vmem_shared>>) offsets(%dma_start3A_439 : memref<64xi32, #tpu.memory_space<vmem>>) semaphore(%arg16 : memref<!tpu.dma_semaphore, #tpu.memory_space<semaphore_mem>>) {add = true}
      %jit3A_443 = arith.constant 32 : i32
      %div3A_444 = arith.divsi %add3A_328, %jit3A_443 : i32
      %sign3A_445 = arith.constant 0 : i32
      %sign3A_446 = arith.cmpi sgt, %add3A_328, %sign3A_445 : i32
      %sign3A_447 = arith.extui %sign3A_446 : i1 to i32
      %sign3A_448 = arith.constant 0 : i32
      %sign3A_449 = arith.cmpi slt, %add3A_328, %sign3A_448 : i32
      %sign3A_450 = arith.extui %sign3A_449 : i1 to i32
      %sign3A_451 = arith.subi %sign3A_447, %sign3A_450 : i32
      %sign3A_452 = arith.constant 0 : i32
      %sign3A_453 = arith.cmpi sgt, %jit3A_443, %sign3A_452 : i32
      %sign3A_454 = arith.extui %sign3A_453 : i1 to i32
      %sign3A_455 = arith.constant 0 : i32
      %sign3A_456 = arith.cmpi slt, %jit3A_443, %sign3A_455 : i32
      %sign3A_457 = arith.extui %sign3A_456 : i1 to i32
      %sign3A_458 = arith.subi %sign3A_454, %sign3A_457 : i32
      %ne3A_459 = arith.cmpi ne, %sign3A_451, %sign3A_458 : i32
      %rem3A_460 = arith.remsi %add3A_328, %jit3A_443 : i32
      %ne3A_461 = arith.constant 0 : i32
      %ne3A_462 = arith.cmpi ne, %rem3A_460, %ne3A_461 : i32
      %and3A_463 = arith.andi %ne3A_459, %ne3A_462 : i1
      %sub3A_464 = arith.constant 1 : i32
      %sub3A_465 = arith.subi %div3A_444, %sub3A_464 : i32
      %select_n3A_466 = arith.select %and3A_463, %sub3A_465, %div3A_444 : i32
      %jit3A_467 = arith.constant 2 : i32
      %eq3A_468 = arith.constant 0 : i32
      %eq3A_469 = arith.cmpi eq, %jit3A_467, %eq3A_468 : i32
      %jit3A_470 = arith.constant 1 : i32
      %select_n3A_471 = arith.select %eq3A_469, %jit3A_470, %jit3A_467 : i32
      %rem3A_472 = arith.remsi %select_n3A_466, %select_n3A_471 : i32
      %ne3A_473 = arith.constant 0 : i32
      %ne3A_474 = arith.cmpi ne, %rem3A_472, %ne3A_473 : i32
      %lt3A_475 = arith.constant 0 : i32
      %lt3A_476 = arith.cmpi slt, %rem3A_472, %lt3A_475 : i32
      %lt3A_477 = arith.constant 0 : i32
      %lt3A_478 = arith.cmpi slt, %select_n3A_471, %lt3A_477 : i32
      %ne3A_479 = arith.xori %lt3A_476, %lt3A_478 : i1
      %and3A_480 = arith.andi %ne3A_479, %ne3A_474 : i1
      %add3A_481 = arith.addi %rem3A_472, %select_n3A_471 : i32
      %select_n3A_482 = arith.select %and3A_480, %add3A_481, %rem3A_472 : i32
      %rem3A_483 = arith.constant 32 : i32
      %rem3A_484 = arith.remsi %add3A_328, %rem3A_483 : i32
      %get3A_485 = arith.constant 1 : i32
      %get3A_486 = arith.index_cast %select_n3A_482 : i32 to index
      %get3A_487 = arith.index_cast %rem3A_484 : i32 to index
      %get3A_488 = arith.index_cast %get3A_485 : i32 to index
      %get3A_489 = arith.constant 0 : index
      %get3A_490 = tpu.vector_load %arg6[%get3A_486, %get3A_487, %get3A_488, %get3A_489] {strides = array<i32>} : memref<2x32x2x64xi32, #tpu.memory_space<vmem>>, vector<16xi32>,
      %shift_right_logical3A_491 = arith.constant 7 : i32
      %shift_right_logical3A_492 = vector.broadcast %shift_right_logical3A_491 : i32 to vector<16xi32>
      %shift_right_logical3A_493 = arith.shrui %get3A_490, %shift_right_logical3A_492 : vector<16xi32>
      %and3A_494 = arith.constant 127 : i32
      %and3A_495 = vector.broadcast %and3A_494 : i32 to vector<16xi32>
      %and3A_496 = arith.andi %get3A_490, %and3A_495 : vector<16xi32>
      tpu.vector_store_idx %arg10[%shift_right_logical3A_493, %and3A_496], %broadcast_in_dim3A_22 {add = true} : memref<80x128xf32, #tpu.memory_space<vmem>>[vector<16xi32>, vector<16xi32>], vector<16xf32>,
      %get3A_497 = arith.constant 1 : i32
      %get3A_498 = arith.index_cast %select_n3A_482 : i32 to index
      %get3A_499 = arith.index_cast %rem3A_484 : i32 to index
      %get3A_500 = arith.index_cast %get3A_497 : i32 to index
      %get3A_501 = arith.constant 16 : index
      %get3A_502 = tpu.vector_load %arg6[%get3A_498, %get3A_499, %get3A_500, %get3A_501] {strides = array<i32>} : memref<2x32x2x64xi32, #tpu.memory_space<vmem>>, vector<16xi32>,
      %shift_right_logical3A_503 = arith.constant 7 : i32
      %shift_right_logical3A_504 = vector.broadcast %shift_right_logical3A_503 : i32 to vector<16xi32>
      %shift_right_logical3A_505 = arith.shrui %get3A_502, %shift_right_logical3A_504 : vector<16xi32>
      %and3A_506 = arith.constant 127 : i32
      %and3A_507 = vector.broadcast %and3A_506 : i32 to vector<16xi32>
      %and3A_508 = arith.andi %get3A_502, %and3A_507 : vector<16xi32>
      tpu.vector_store_idx %arg10[%shift_right_logical3A_505, %and3A_508], %broadcast_in_dim3A_22 {add = true} : memref<80x128xf32, #tpu.memory_space<vmem>>[vector<16xi32>, vector<16xi32>], vector<16xf32>,
      %get3A_509 = arith.constant 1 : i32
      %get3A_510 = arith.index_cast %select_n3A_482 : i32 to index
      %get3A_511 = arith.index_cast %rem3A_484 : i32 to index
      %get3A_512 = arith.index_cast %get3A_509 : i32 to index
      %get3A_513 = arith.constant 32 : index
      %get3A_514 = tpu.vector_load %arg6[%get3A_510, %get3A_511, %get3A_512, %get3A_513] {strides = array<i32>} : memref<2x32x2x64xi32, #tpu.memory_space<vmem>>, vector<16xi32>,
      %shift_right_logical3A_515 = arith.constant 7 : i32
      %shift_right_logical3A_516 = vector.broadcast %shift_right_logical3A_515 : i32 to vector<16xi32>
      %shift_right_logical3A_517 = arith.shrui %get3A_514, %shift_right_logical3A_516 : vector<16xi32>
      %and3A_518 = arith.constant 127 : i32
      %and3A_519 = vector.broadcast %and3A_518 : i32 to vector<16xi32>
      %and3A_520 = arith.andi %get3A_514, %and3A_519 : vector<16xi32>
      tpu.vector_store_idx %arg10[%shift_right_logical3A_517, %and3A_520], %broadcast_in_dim3A_22 {add = true} : memref<80x128xf32, #tpu.memory_space<vmem>>[vector<16xi32>, vector<16xi32>], vector<16xf32>,
      %get3A_521 = arith.constant 1 : i32
      %get3A_522 = arith.index_cast %select_n3A_482 : i32 to index
      %get3A_523 = arith.index_cast %rem3A_484 : i32 to index
      %get3A_524 = arith.index_cast %get3A_521 : i32 to index
      %get3A_525 = arith.constant 48 : index
      %get3A_526 = tpu.vector_load %arg6[%get3A_522, %get3A_523, %get3A_524, %get3A_525] {strides = array<i32>} : memref<2x32x2x64xi32, #tpu.memory_space<vmem>>, vector<16xi32>,
      %shift_right_logical3A_527 = arith.constant 7 : i32
      %shift_right_logical3A_528 = vector.broadcast %shift_right_logical3A_527 : i32 to vector<16xi32>
      %shift_right_logical3A_529 = arith.shrui %get3A_526, %shift_right_logical3A_528 : vector<16xi32>
      %and3A_530 = arith.constant 127 : i32
      %and3A_531 = vector.broadcast %and3A_530 : i32 to vector<16xi32>
      %and3A_532 = arith.andi %get3A_526, %and3A_531 : vector<16xi32>
      tpu.vector_store_idx %arg10[%shift_right_logical3A_529, %and3A_532], %broadcast_in_dim3A_22 {add = true} : memref<80x128xf32, #tpu.memory_space<vmem>>[vector<16xi32>, vector<16xi32>], vector<16xf32>,
      %mul3A_533 = arith.constant 3 : i32
      %mul3A_534 = arith.muli %scan3A_130, %mul3A_533 : i32
      %add3A_535 = arith.constant 2 : i32
      %add3A_536 = arith.addi %mul3A_534, %add3A_535 : i32
      %jit3A_537 = arith.constant 32 : i32
      %div3A_538 = arith.divsi %add3A_536, %jit3A_537 : i32
      %sign3A_539 = arith.constant 0 : i32
      %sign3A_540 = arith.cmpi sgt, %add3A_536, %sign3A_539 : i32
      %sign3A_541 = arith.extui %sign3A_540 : i1 to i32
      %sign3A_542 = arith.constant 0 : i32
      %sign3A_543 = arith.cmpi slt, %add3A_536, %sign3A_542 : i32
      %sign3A_544 = arith.extui %sign3A_543 : i1 to i32
      %sign3A_545 = arith.subi %sign3A_541, %sign3A_544 : i32
      %sign3A_546 = arith.constant 0 : i32
      %sign3A_547 = arith.cmpi sgt, %jit3A_537, %sign3A_546 : i32
      %sign3A_548 = arith.extui %sign3A_547 : i1 to i32
      %sign3A_549 = arith.constant 0 : i32
      %sign3A_550 = arith.cmpi slt, %jit3A_537, %sign3A_549 : i32
      %sign3A_551 = arith.extui %sign3A_550 : i1 to i32
      %sign3A_552 = arith.subi %sign3A_548, %sign3A_551 : i32
      %ne3A_553 = arith.cmpi ne, %sign3A_545, %sign3A_552 : i32
      %rem3A_554 = arith.remsi %add3A_536, %jit3A_537 : i32
      %ne3A_555 = arith.constant 0 : i32
      %ne3A_556 = arith.cmpi ne, %rem3A_554, %ne3A_555 : i32
      %and3A_557 = arith.andi %ne3A_553, %ne3A_556 : i1
      %sub3A_558 = arith.constant 1 : i32
      %sub3A_559 = arith.subi %div3A_538, %sub3A_558 : i32
      %select_n3A_560 = arith.select %and3A_557, %sub3A_559, %div3A_538 : i32
      %add3A_561 = arith.constant 1 : i32
      %add3A_562 = arith.addi %select_n3A_560, %add3A_561 : i32
      %dma_wait3A_563 = arith.constant 0 : i32
      %dma_wait3A_564 = arith.constant 0 : i32
      %dma_wait3A_565 = tpu.memref_slice %arg11[%dma_wait3A_563, %dma_wait3A_564] : memref<10240x128xf32, #tpu.memory_space<vmem_shared>> -> memref<64x128xf32, #tpu.memory_space<vmem_shared>>
      %dma_wait3A_566 = arith.constant 0 : i32
      %dma_wait3A_567 = arith.constant 0 : i32
      %dma_wait3A_568 = tpu.memref_slice %arg11[%dma_wait3A_566, %dma_wait3A_567] : memref<10240x128xf32, #tpu.memory_space<vmem_shared>> -> memref<64x128xf32, #tpu.memory_space<vmem_shared>>
      tpu.wait_dma2 semaphore(%arg16 : memref<!tpu.dma_semaphore, #tpu.memory_space<semaphore_mem>>) src(%arg8 : memref<64x128xf32, #tpu.memory_space<vmem>>) dst(%dma_wait3A_568 : memref<64x128xf32, #tpu.memory_space<vmem_shared>>)
      %rem3A_569 = arith.constant 32 : i32
      %rem3A_570 = arith.remsi %add3A_536, %rem3A_569 : i32
      %eq3A_571 = arith.constant 0 : i32
      %eq3A_572 = arith.cmpi eq, %rem3A_570, %eq3A_571 : i32
      %lt3A_573 = arith.constant 5 : i32
      %lt3A_574 = arith.cmpi slt, %add3A_562, %lt3A_573 : i32
      %and3A_575 = arith.andi %eq3A_572, %lt3A_574 : i1
      %convert_element_type3A_576 = arith.extui %and3A_575 : i1 to i32
      %cond3A_577 = arith.constant 0 : i32
      %cond3A_578 = arith.cmpi ne, %convert_element_type3A_576, %cond3A_577 : i32
      scf.if %cond3A_578 {
        %mul3A_741 = arith.constant 32 : i32
        %mul3A_742 = arith.muli %add3A_562, %mul3A_741 : i32
        %add3A_743 = arith.addi %mul3A_2, %mul3A_742 : i32
        %rem3A_744 = arith.constant 2 : i32
        %rem3A_745 = arith.remsi %add3A_562, %rem3A_744 : i32
        %dma_start3A_746 = arith.constant 0 : i32
        %dma_start3A_747 = arith.constant 0 : i32
        %dma_start3A_748 = arith.constant 0 : i32
        %dma_start3A_749 = tpu.memref_slice %arg6[%rem3A_745, %dma_start3A_746, %dma_start3A_747, %dma_start3A_748] : memref<2x32x2x64xi32, #tpu.memory_space<vmem>> -> memref<1x32x2x64xi32, #tpu.memory_space<vmem>>
        %dma_start3A_750 = tpu.memref_squeeze %dma_start3A_749 : memref<1x32x2x64xi32, #tpu.memory_space<vmem>> -> memref<32x2x64xi32, #tpu.memory_space<vmem>>
        %dma_start3A_751 = arith.constant 0 : i32
        %dma_start3A_752 = arith.constant 0 : i32
        %dma_start3A_753 = tpu.memref_slice %arg3[%add3A_743, %dma_start3A_751, %dma_start3A_752] : memref<5120x2x64xi32, #tpu.memory_space<hbm>> -> memref<32x2x64xi32, #tpu.memory_space<hbm>>
        %dma_start3A_754 = arith.constant 0 : i32
        %dma_start3A_755 = arith.constant 0 : i32
        %dma_start3A_756 = arith.constant 0 : i32
        %dma_start3A_757 = tpu.memref_slice %arg6[%rem3A_745, %dma_start3A_754, %dma_start3A_755, %dma_start3A_756] : memref<2x32x2x64xi32, #tpu.memory_space<vmem>> -> memref<1x32x2x64xi32, #tpu.memory_space<vmem>>
        %dma_start3A_758 = tpu.memref_squeeze %dma_start3A_757 : memref<1x32x2x64xi32, #tpu.memory_space<vmem>> -> memref<32x2x64xi32, #tpu.memory_space<vmem>>
        %dma_start3A_759 = arith.constant 0 : i32
        %dma_start3A_760 = arith.constant 0 : i32
        %dma_start3A_761 = tpu.memref_slice %arg3[%add3A_743, %dma_start3A_759, %dma_start3A_760] : memref<5120x2x64xi32, #tpu.memory_space<hbm>> -> memref<32x2x64xi32, #tpu.memory_space<hbm>>
        tpu.enqueue_dma source(%dma_start3A_761 : memref<32x2x64xi32, #tpu.memory_space<hbm>>) target(%dma_start3A_758 : memref<32x2x64xi32, #tpu.memory_space<vmem>>) target_semaphore(%arg18 : memref<!tpu.dma_semaphore, #tpu.memory_space<semaphore_mem>>)
      } else {
      }
      %rem3A_579 = arith.constant 32 : i32
      %rem3A_580 = arith.remsi %add3A_536, %rem3A_579 : i32
      %eq3A_581 = arith.constant 30 : i32
      %eq3A_582 = arith.cmpi eq, %rem3A_580, %eq3A_581 : i32
      %lt3A_583 = arith.constant 5 : i32
      %lt3A_584 = arith.cmpi slt, %add3A_562, %lt3A_583 : i32
      %and3A_585 = arith.andi %eq3A_582, %lt3A_584 : i1
      %convert_element_type3A_586 = arith.extui %and3A_585 : i1 to i32
      %cond3A_587 = arith.constant 0 : i32
      %cond3A_588 = arith.cmpi ne, %convert_element_type3A_586, %cond3A_587 : i32
      scf.if %cond3A_588 {
        %dma_wait3A_741 = arith.constant 0 : i32
        %dma_wait3A_742 = arith.constant 0 : i32
        %dma_wait3A_743 = arith.constant 0 : i32
        %dma_wait3A_744 = arith.constant 0 : i32
        %dma_wait3A_745 = tpu.memref_slice %arg6[%dma_wait3A_741, %dma_wait3A_742, %dma_wait3A_743, %dma_wait3A_744] : memref<2x32x2x64xi32, #tpu.memory_space<vmem>> -> memref<1x32x2x64xi32, #tpu.memory_space<vmem>>
        %dma_wait3A_746 = tpu.memref_squeeze %dma_wait3A_745 : memref<1x32x2x64xi32, #tpu.memory_space<vmem>> -> memref<32x2x64xi32, #tpu.memory_space<vmem>>
        %dma_wait3A_747 = arith.constant 0 : i32
        %dma_wait3A_748 = arith.constant 0 : i32
        %dma_wait3A_749 = arith.constant 0 : i32
        %dma_wait3A_750 = tpu.memref_slice %arg3[%dma_wait3A_747, %dma_wait3A_748, %dma_wait3A_749] : memref<5120x2x64xi32, #tpu.memory_space<hbm>> -> memref<32x2x64xi32, #tpu.memory_space<hbm>>
        %dma_wait3A_751 = arith.constant 0 : i32
        %dma_wait3A_752 = arith.constant 0 : i32
        %dma_wait3A_753 = arith.constant 0 : i32
        %dma_wait3A_754 = tpu.memref_slice %arg6[%dma_wait3A_741, %dma_wait3A_751, %dma_wait3A_752, %dma_wait3A_753] : memref<2x32x2x64xi32, #tpu.memory_space<vmem>> -> memref<1x32x2x64xi32, #tpu.memory_space<vmem>>
        %dma_wait3A_755 = tpu.memref_squeeze %dma_wait3A_754 : memref<1x32x2x64xi32, #tpu.memory_space<vmem>> -> memref<32x2x64xi32, #tpu.memory_space<vmem>>
        %dma_wait3A_756 = arith.constant 0 : i32
        %dma_wait3A_757 = arith.constant 0 : i32
        %dma_wait3A_758 = arith.constant 0 : i32
        %dma_wait3A_759 = tpu.memref_slice %arg3[%dma_wait3A_756, %dma_wait3A_757, %dma_wait3A_758] : memref<5120x2x64xi32, #tpu.memory_space<hbm>> -> memref<32x2x64xi32, #tpu.memory_space<hbm>>
        tpu.wait_dma2 semaphore(%arg18 : memref<!tpu.dma_semaphore, #tpu.memory_space<semaphore_mem>>) src(%dma_wait3A_759 : memref<32x2x64xi32, #tpu.memory_space<hbm>>) dst(%dma_wait3A_755 : memref<32x2x64xi32, #tpu.memory_space<vmem>>)
      } else {
      }
      %add3A_589 = arith.constant 2 : i32
      %add3A_590 = arith.addi %add3A_536, %add3A_589 : i32
      %lt3A_591 = arith.constant 160 : i32
      %lt3A_592 = arith.cmpi slt, %add3A_590, %lt3A_591 : i32
      %convert_element_type3A_593 = arith.extui %lt3A_592 : i1 to i32
      %cond3A_594 = arith.constant 0 : i32
      %cond3A_595 = arith.cmpi ne, %convert_element_type3A_593, %cond3A_594 : i32
      scf.if %cond3A_595 {
        %add3A_741 = arith.constant 2 : i32
        %add3A_742 = arith.addi %add3A_536, %add3A_741 : i32
        %jit3A_743 = arith.constant 32 : i32
        %div3A_744 = arith.divsi %add3A_742, %jit3A_743 : i32
        %sign3A_745 = arith.constant 0 : i32
        %sign3A_746 = arith.cmpi sgt, %add3A_742, %sign3A_745 : i32
        %sign3A_747 = arith.extui %sign3A_746 : i1 to i32
        %sign3A_748 = arith.constant 0 : i32
        %sign3A_749 = arith.cmpi slt, %add3A_742, %sign3A_748 : i32
        %sign3A_750 = arith.extui %sign3A_749 : i1 to i32
        %sign3A_751 = arith.subi %sign3A_747, %sign3A_750 : i32
        %sign3A_752 = arith.constant 0 : i32
        %sign3A_753 = arith.cmpi sgt, %jit3A_743, %sign3A_752 : i32
        %sign3A_754 = arith.extui %sign3A_753 : i1 to i32
        %sign3A_755 = arith.constant 0 : i32
        %sign3A_756 = arith.cmpi slt, %jit3A_743, %sign3A_755 : i32
        %sign3A_757 = arith.extui %sign3A_756 : i1 to i32
        %sign3A_758 = arith.subi %sign3A_754, %sign3A_757 : i32
        %ne3A_759 = arith.cmpi ne, %sign3A_751, %sign3A_758 : i32
        %rem3A_760 = arith.remsi %add3A_742, %jit3A_743 : i32
        %ne3A_761 = arith.constant 0 : i32
        %ne3A_762 = arith.cmpi ne, %rem3A_760, %ne3A_761 : i32
        %and3A_763 = arith.andi %ne3A_759, %ne3A_762 : i1
        %sub3A_764 = arith.constant 1 : i32
        %sub3A_765 = arith.subi %div3A_744, %sub3A_764 : i32
        %select_n3A_766 = arith.select %and3A_763, %sub3A_765, %div3A_744 : i32
        %jit3A_767 = arith.constant 2 : i32
        %eq3A_768 = arith.constant 0 : i32
        %eq3A_769 = arith.cmpi eq, %jit3A_767, %eq3A_768 : i32
        %jit3A_770 = arith.constant 1 : i32
        %select_n3A_771 = arith.select %eq3A_769, %jit3A_770, %jit3A_767 : i32
        %rem3A_772 = arith.remsi %select_n3A_766, %select_n3A_771 : i32
        %ne3A_773 = arith.constant 0 : i32
        %ne3A_774 = arith.cmpi ne, %rem3A_772, %ne3A_773 : i32
        %lt3A_775 = arith.constant 0 : i32
        %lt3A_776 = arith.cmpi slt, %rem3A_772, %lt3A_775 : i32
        %lt3A_777 = arith.constant 0 : i32
        %lt3A_778 = arith.cmpi slt, %select_n3A_771, %lt3A_777 : i32
        %ne3A_779 = arith.xori %lt3A_776, %lt3A_778 : i1
        %and3A_780 = arith.andi %ne3A_779, %ne3A_774 : i1
        %add3A_781 = arith.addi %rem3A_772, %select_n3A_771 : i32
        %select_n3A_782 = arith.select %and3A_780, %add3A_781, %rem3A_772 : i32
        %rem3A_783 = arith.constant 32 : i32
        %rem3A_784 = arith.remsi %add3A_742, %rem3A_783 : i32
        %dma_start3A_785 = arith.constant 0 : i32
        %dma_start3A_786 = arith.constant 0 : i32
        %dma_start3A_787 = tpu.memref_slice %arg6[%select_n3A_782, %rem3A_784, %dma_start3A_785, %dma_start3A_786] : memref<2x32x2x64xi32, #tpu.memory_space<vmem>> -> memref<1x1x1x64xi32, #tpu.memory_space<vmem>>
        %dma_start3A_788 = tpu.memref_squeeze %dma_start3A_787 : memref<1x1x1x64xi32, #tpu.memory_space<vmem>> -> memref<64xi32, #tpu.memory_space<vmem>>
        %dma_start3A_789 = arith.constant 0 : i32
        %dma_start3A_790 = arith.constant 0 : i32
        %dma_start3A_791 = tpu.memref_slice %arg2[%dma_start3A_789, %dma_start3A_790] : memref<10000x128xf32, #tpu.memory_space<hbm>> -> memref<10000x128xf32, #tpu.memory_space<hbm>>
        tpu.enqueue_indirect_dma source(%dma_start3A_791 : memref<10000x128xf32, #tpu.memory_space<hbm>>) target(%arg8 : memref<64x128xf32, #tpu.memory_space<vmem>>) offsets(%dma_start3A_788 : memref<64xi32, #tpu.memory_space<vmem>>) semaphore(%arg13 : memref<!tpu.dma_semaphore, #tpu.memory_space<semaphore_mem>>)
      } else {
      }
      %dma_wait3A_596 = arith.constant 0 : i32
      %dma_wait3A_597 = arith.constant 0 : i32
      %dma_wait3A_598 = tpu.memref_slice %arg2[%dma_wait3A_596, %dma_wait3A_597] : memref<10000x128xf32, #tpu.memory_space<hbm>> -> memref<64x128xf32, #tpu.memory_space<hbm>>
      %dma_wait3A_599 = arith.constant 0 : i32
      %dma_wait3A_600 = arith.constant 0 : i32
      %dma_wait3A_601 = tpu.memref_slice %arg2[%dma_wait3A_599, %dma_wait3A_600] : memref<10000x128xf32, #tpu.memory_space<hbm>> -> memref<64x128xf32, #tpu.memory_space<hbm>>
      tpu.wait_dma2 semaphore(%arg14 : memref<!tpu.dma_semaphore, #tpu.memory_space<semaphore_mem>>) src(%dma_wait3A_601 : memref<64x128xf32, #tpu.memory_space<hbm>>) dst(%arg9 : memref<64x128xf32, #tpu.memory_space<vmem>>)
      %jit3A_602 = arith.constant 32 : i32
      %div3A_603 = arith.divsi %add3A_536, %jit3A_602 : i32
      %sign3A_604 = arith.constant 0 : i32
      %sign3A_605 = arith.cmpi sgt, %add3A_536, %sign3A_604 : i32
      %sign3A_606 = arith.extui %sign3A_605 : i1 to i32
      %sign3A_607 = arith.constant 0 : i32
      %sign3A_608 = arith.cmpi slt, %add3A_536, %sign3A_607 : i32
      %sign3A_609 = arith.extui %sign3A_608 : i1 to i32
      %sign3A_610 = arith.subi %sign3A_606, %sign3A_609 : i32
      %sign3A_611 = arith.constant 0 : i32
      %sign3A_612 = arith.cmpi sgt, %jit3A_602, %sign3A_611 : i32
      %sign3A_613 = arith.extui %sign3A_612 : i1 to i32
      %sign3A_614 = arith.constant 0 : i32
      %sign3A_615 = arith.cmpi slt, %jit3A_602, %sign3A_614 : i32
      %sign3A_616 = arith.extui %sign3A_615 : i1 to i32
      %sign3A_617 = arith.subi %sign3A_613, %sign3A_616 : i32
      %ne3A_618 = arith.cmpi ne, %sign3A_610, %sign3A_617 : i32
      %rem3A_619 = arith.remsi %add3A_536, %jit3A_602 : i32
      %ne3A_620 = arith.constant 0 : i32
      %ne3A_621 = arith.cmpi ne, %rem3A_619, %ne3A_620 : i32
      %and3A_622 = arith.andi %ne3A_618, %ne3A_621 : i1
      %sub3A_623 = arith.constant 1 : i32
      %sub3A_624 = arith.subi %div3A_603, %sub3A_623 : i32
      %select_n3A_625 = arith.select %and3A_622, %sub3A_624, %div3A_603 : i32
      %jit3A_626 = arith.constant 2 : i32
      %eq3A_627 = arith.constant 0 : i32
      %eq3A_628 = arith.cmpi eq, %jit3A_626, %eq3A_627 : i32
      %jit3A_629 = arith.constant 1 : i32
      %select_n3A_630 = arith.select %eq3A_628, %jit3A_629, %jit3A_626 : i32
      %rem3A_631 = arith.remsi %select_n3A_625, %select_n3A_630 : i32
      %ne3A_632 = arith.constant 0 : i32
      %ne3A_633 = arith.cmpi ne, %rem3A_631, %ne3A_632 : i32
      %lt3A_634 = arith.constant 0 : i32
      %lt3A_635 = arith.cmpi slt, %rem3A_631, %lt3A_634 : i32
      %lt3A_636 = arith.constant 0 : i32
      %lt3A_637 = arith.cmpi slt, %select_n3A_630, %lt3A_636 : i32
      %ne3A_638 = arith.xori %lt3A_635, %lt3A_637 : i1
      %and3A_639 = arith.andi %ne3A_638, %ne3A_633 : i1
      %add3A_640 = arith.addi %rem3A_631, %select_n3A_630 : i32
      %select_n3A_641 = arith.select %and3A_639, %add3A_640, %rem3A_631 : i32
      %rem3A_642 = arith.constant 32 : i32
      %rem3A_643 = arith.remsi %add3A_536, %rem3A_642 : i32
      %dma_start3A_644 = arith.constant 1 : i32
      %dma_start3A_645 = arith.constant 0 : i32
      %dma_start3A_646 = tpu.memref_slice %arg6[%select_n3A_641, %rem3A_643, %dma_start3A_644, %dma_start3A_645] : memref<2x32x2x64xi32, #tpu.memory_space<vmem>> -> memref<1x1x1x64xi32, #tpu.memory_space<vmem>>
      %dma_start3A_647 = tpu.memref_squeeze %dma_start3A_646 : memref<1x1x1x64xi32, #tpu.memory_space<vmem>> -> memref<64xi32, #tpu.memory_space<vmem>>
      %dma_start3A_648 = arith.constant 0 : i32
      %dma_start3A_649 = arith.constant 0 : i32
      %dma_start3A_650 = tpu.memref_slice %arg11[%dma_start3A_648, %dma_start3A_649] : memref<10240x128xf32, #tpu.memory_space<vmem_shared>> -> memref<10240x128xf32, #tpu.memory_space<vmem_shared>>
      tpu.enqueue_indirect_dma source(%arg9 : memref<64x128xf32, #tpu.memory_space<vmem>>) target(%dma_start3A_650 : memref<10240x128xf32, #tpu.memory_space<vmem_shared>>) offsets(%dma_start3A_647 : memref<64xi32, #tpu.memory_space<vmem>>) semaphore(%arg17 : memref<!tpu.dma_semaphore, #tpu.memory_space<semaphore_mem>>) {add = true}
      %jit3A_651 = arith.constant 32 : i32
      %div3A_652 = arith.divsi %add3A_536, %jit3A_651 : i32
      %sign3A_653 = arith.constant 0 : i32
      %sign3A_654 = arith.cmpi sgt, %add3A_536, %sign3A_653 : i32
      %sign3A_655 = arith.extui %sign3A_654 : i1 to i32
      %sign3A_656 = arith.constant 0 : i32
      %sign3A_657 = arith.cmpi slt, %add3A_536, %sign3A_656 : i32
      %sign3A_658 = arith.extui %sign3A_657 : i1 to i32
      %sign3A_659 = arith.subi %sign3A_655, %sign3A_658 : i32
      %sign3A_660 = arith.constant 0 : i32
      %sign3A_661 = arith.cmpi sgt, %jit3A_651, %sign3A_660 : i32
      %sign3A_662 = arith.extui %sign3A_661 : i1 to i32
      %sign3A_663 = arith.constant 0 : i32
      %sign3A_664 = arith.cmpi slt, %jit3A_651, %sign3A_663 : i32
      %sign3A_665 = arith.extui %sign3A_664 : i1 to i32
      %sign3A_666 = arith.subi %sign3A_662, %sign3A_665 : i32
      %ne3A_667 = arith.cmpi ne, %sign3A_659, %sign3A_666 : i32
      %rem3A_668 = arith.remsi %add3A_536, %jit3A_651 : i32
      %ne3A_669 = arith.constant 0 : i32
      %ne3A_670 = arith.cmpi ne, %rem3A_668, %ne3A_669 : i32
      %and3A_671 = arith.andi %ne3A_667, %ne3A_670 : i1
      %sub3A_672 = arith.constant 1 : i32
      %sub3A_673 = arith.subi %div3A_652, %sub3A_672 : i32
      %select_n3A_674 = arith.select %and3A_671, %sub3A_673, %div3A_652 : i32
      %jit3A_675 = arith.constant 2 : i32
      %eq3A_676 = arith.constant 0 : i32
      %eq3A_677 = arith.cmpi eq, %jit3A_675, %eq3A_676 : i32
      %jit3A_678 = arith.constant 1 : i32
      %select_n3A_679 = arith.select %eq3A_677, %jit3A_678, %jit3A_675 : i32
      %rem3A_680 = arith.remsi %select_n3A_674, %select_n3A_679 : i32
      %ne3A_681 = arith.constant 0 : i32
      %ne3A_682 = arith.cmpi ne, %rem3A_680, %ne3A_681 : i32
      %lt3A_683 = arith.constant 0 : i32
      %lt3A_684 = arith.cmpi slt, %rem3A_680, %lt3A_683 : i32
      %lt3A_685 = arith.constant 0 : i32
      %lt3A_686 = arith.cmpi slt, %select_n3A_679, %lt3A_685 : i32
      %ne3A_687 = arith.xori %lt3A_684, %lt3A_686 : i1
      %and3A_688 = arith.andi %ne3A_687, %ne3A_682 : i1
      %add3A_689 = arith.addi %rem3A_680, %select_n3A_679 : i32
      %select_n3A_690 = arith.select %and3A_688, %add3A_689, %rem3A_680 : i32
      %rem3A_691 = arith.constant 32 : i32
      %rem3A_692 = arith.remsi %add3A_536, %rem3A_691 : i32
      %get3A_693 = arith.constant 1 : i32
      %get3A_694 = arith.index_cast %select_n3A_690 : i32 to index
      %get3A_695 = arith.index_cast %rem3A_692 : i32 to index
      %get3A_696 = arith.index_cast %get3A_693 : i32 to index
      %get3A_697 = arith.constant 0 : index
      %get3A_698 = tpu.vector_load %arg6[%get3A_694, %get3A_695, %get3A_696, %get3A_697] {strides = array<i32>} : memref<2x32x2x64xi32, #tpu.memory_space<vmem>>, vector<16xi32>,
      %shift_right_logical3A_699 = arith.constant 7 : i32
      %shift_right_logical3A_700 = vector.broadcast %shift_right_logical3A_699 : i32 to vector<16xi32>
      %shift_right_logical3A_701 = arith.shrui %get3A_698, %shift_right_logical3A_700 : vector<16xi32>
      %and3A_702 = arith.constant 127 : i32
      %and3A_703 = vector.broadcast %and3A_702 : i32 to vector<16xi32>
      %and3A_704 = arith.andi %get3A_698, %and3A_703 : vector<16xi32>
      tpu.vector_store_idx %arg10[%shift_right_logical3A_701, %and3A_704], %broadcast_in_dim3A_22 {add = true} : memref<80x128xf32, #tpu.memory_space<vmem>>[vector<16xi32>, vector<16xi32>], vector<16xf32>,
      %get3A_705 = arith.constant 1 : i32
      %get3A_706 = arith.index_cast %select_n3A_690 : i32 to index
      %get3A_707 = arith.index_cast %rem3A_692 : i32 to index
      %get3A_708 = arith.index_cast %get3A_705 : i32 to index
      %get3A_709 = arith.constant 16 : index
      %get3A_710 = tpu.vector_load %arg6[%get3A_706, %get3A_707, %get3A_708, %get3A_709] {strides = array<i32>} : memref<2x32x2x64xi32, #tpu.memory_space<vmem>>, vector<16xi32>,
      %shift_right_logical3A_711 = arith.constant 7 : i32
      %shift_right_logical3A_712 = vector.broadcast %shift_right_logical3A_711 : i32 to vector<16xi32>
      %shift_right_logical3A_713 = arith.shrui %get3A_710, %shift_right_logical3A_712 : vector<16xi32>
      %and3A_714 = arith.constant 127 : i32
      %and3A_715 = vector.broadcast %and3A_714 : i32 to vector<16xi32>
      %and3A_716 = arith.andi %get3A_710, %and3A_715 : vector<16xi32>
      tpu.vector_store_idx %arg10[%shift_right_logical3A_713, %and3A_716], %broadcast_in_dim3A_22 {add = true} : memref<80x128xf32, #tpu.memory_space<vmem>>[vector<16xi32>, vector<16xi32>], vector<16xf32>,
      %get3A_717 = arith.constant 1 : i32
      %get3A_718 = arith.index_cast %select_n3A_690 : i32 to index
      %get3A_719 = arith.index_cast %rem3A_692 : i32 to index
      %get3A_720 = arith.index_cast %get3A_717 : i32 to index
      %get3A_721 = arith.constant 32 : index
      %get3A_722 = tpu.vector_load %arg6[%get3A_718, %get3A_719, %get3A_720, %get3A_721] {strides = array<i32>} : memref<2x32x2x64xi32, #tpu.memory_space<vmem>>, vector<16xi32>,
      %shift_right_logical3A_723 = arith.constant 7 : i32
      %shift_right_logical3A_724 = vector.broadcast %shift_right_logical3A_723 : i32 to vector<16xi32>
      %shift_right_logical3A_725 = arith.shrui %get3A_722, %shift_right_logical3A_724 : vector<16xi32>
      %and3A_726 = arith.constant 127 : i32
      %and3A_727 = vector.broadcast %and3A_726 : i32 to vector<16xi32>
      %and3A_728 = arith.andi %get3A_722, %and3A_727 : vector<16xi32>
      tpu.vector_store_idx %arg10[%shift_right_logical3A_725, %and3A_728], %broadcast_in_dim3A_22 {add = true} : memref<80x128xf32, #tpu.memory_space<vmem>>[vector<16xi32>, vector<16xi32>], vector<16xf32>,
      %get3A_729 = arith.constant 1 : i32
      %get3A_730 = arith.index_cast %select_n3A_690 : i32 to index
      %get3A_731 = arith.index_cast %rem3A_692 : i32 to index
      %get3A_732 = arith.index_cast %get3A_729 : i32 to index
      %get3A_733 = arith.constant 48 : index
      %get3A_734 = tpu.vector_load %arg6[%get3A_730, %get3A_731, %get3A_732, %get3A_733] {strides = array<i32>} : memref<2x32x2x64xi32, #tpu.memory_space<vmem>>, vector<16xi32>,
      %shift_right_logical3A_735 = arith.constant 7 : i32
      %shift_right_logical3A_736 = vector.broadcast %shift_right_logical3A_735 : i32 to vector<16xi32>
      %shift_right_logical3A_737 = arith.shrui %get3A_734, %shift_right_logical3A_736 : vector<16xi32>
      %and3A_738 = arith.constant 127 : i32
      %and3A_739 = vector.broadcast %and3A_738 : i32 to vector<16xi32>
      %and3A_740 = arith.andi %get3A_734, %and3A_739 : vector<16xi32>
      tpu.vector_store_idx %arg10[%shift_right_logical3A_737, %and3A_740], %broadcast_in_dim3A_22 {add = true} : memref<80x128xf32, #tpu.memory_space<vmem>>[vector<16xi32>, vector<16xi32>], vector<16xf32>,
    }
    %scan3A_48 = arith.constant 53 : i32
    %dma_wait3A = arith.constant 0 : i32
    %dma_wait3A_49 = arith.constant 0 : i32
    %dma_wait3A_50 = tpu.memref_slice %arg2[%dma_wait3A, %dma_wait3A_49] : memref<10000x128xf32, #tpu.memory_space<hbm>> -> memref<64x128xf32, #tpu.memory_space<hbm>>
    %dma_wait3A_51 = arith.constant 0 : i32
    %dma_wait3A_52 = arith.constant 0 : i32
    %dma_wait3A_53 = tpu.memref_slice %arg2[%dma_wait3A_51, %dma_wait3A_52] : memref<10000x128xf32, #tpu.memory_space<hbm>> -> memref<64x128xf32, #tpu.memory_space<hbm>>
    tpu.wait_dma2 semaphore(%arg12 : memref<!tpu.dma_semaphore, #tpu.memory_space<semaphore_mem>>) src(%dma_wait3A_53 : memref<64x128xf32, #tpu.memory_space<hbm>>) dst(%arg7 : memref<64x128xf32, #tpu.memory_space<vmem>>)
    %rem3A_54 = arith.constant 159 : i32
    %rem3A_55 = arith.constant 32 : i32
    %rem3A_56 = arith.remsi %rem3A_54, %rem3A_55 : i32
    %dma_start3A_57 = arith.constant 0 : i32
    %dma_start3A_58 = arith.constant 1 : i32
    %dma_start3A_59 = arith.constant 0 : i32
    %dma_start3A_60 = tpu.memref_slice %arg6[%dma_start3A_57, %rem3A_56, %dma_start3A_58, %dma_start3A_59] : memref<2x32x2x64xi32, #tpu.memory_space<vmem>> -> memref<1x1x1x64xi32, #tpu.memory_space<vmem>>
    %dma_start3A_61 = tpu.memref_squeeze %dma_start3A_60 : memref<1x1x1x64xi32, #tpu.memory_space<vmem>> -> memref<64xi32, #tpu.memory_space<vmem>>
    %dma_start3A_62 = arith.constant 0 : i32
    %dma_start3A_63 = arith.constant 0 : i32
    %dma_start3A_64 = tpu.memref_slice %arg11[%dma_start3A_62, %dma_start3A_63] : memref<10240x128xf32, #tpu.memory_space<vmem_shared>> -> memref<10240x128xf32, #tpu.memory_space<vmem_shared>>
    tpu.enqueue_indirect_dma source(%arg7 : memref<64x128xf32, #tpu.memory_space<vmem>>) target(%dma_start3A_64 : memref<10240x128xf32, #tpu.memory_space<vmem_shared>>) offsets(%dma_start3A_61 : memref<64xi32, #tpu.memory_space<vmem>>) semaphore(%arg15 : memref<!tpu.dma_semaphore, #tpu.memory_space<semaphore_mem>>) {add = true}
    %rem3A_65 = arith.constant 159 : i32
    %rem3A_66 = arith.constant 32 : i32
    %rem3A_67 = arith.remsi %rem3A_65, %rem3A_66 : i32
    %get3A = arith.constant 0 : i32
    %get3A_68 = arith.constant 1 : i32
    %get3A_69 = arith.index_cast %get3A : i32 to index
    %get3A_70 = arith.index_cast %rem3A_67 : i32 to index
    %get3A_71 = arith.index_cast %get3A_68 : i32 to index
    %get3A_72 = arith.constant 0 : index
    %get3A_73 = tpu.vector_load %arg6[%get3A_69, %get3A_70, %get3A_71, %get3A_72] {strides = array<i32>} : memref<2x32x2x64xi32, #tpu.memory_space<vmem>>, vector<16xi32>,
    %shift_right_logical3A = arith.constant 7 : i32
    %shift_right_logical3A_74 = vector.broadcast %shift_right_logical3A : i32 to vector<16xi32>
    %shift_right_logical3A_75 = arith.shrui %get3A_73, %shift_right_logical3A_74 : vector<16xi32>
    %and3A = arith.constant 127 : i32
    %and3A_76 = vector.broadcast %and3A : i32 to vector<16xi32>
    %and3A_77 = arith.andi %get3A_73, %and3A_76 : vector<16xi32>
    tpu.vector_store_idx %arg10[%shift_right_logical3A_75, %and3A_77], %broadcast_in_dim3A_22 {add = true} : memref<80x128xf32, #tpu.memory_space<vmem>>[vector<16xi32>, vector<16xi32>], vector<16xf32>,
    %get3A_78 = arith.constant 0 : i32
    %get3A_79 = arith.constant 1 : i32
    %get3A_80 = arith.index_cast %get3A_78 : i32 to index
    %get3A_81 = arith.index_cast %rem3A_67 : i32 to index
    %get3A_82 = arith.index_cast %get3A_79 : i32 to index
    %get3A_83 = arith.constant 16 : index
    %get3A_84 = tpu.vector_load %arg6[%get3A_80, %get3A_81, %get3A_82, %get3A_83] {strides = array<i32>} : memref<2x32x2x64xi32, #tpu.memory_space<vmem>>, vector<16xi32>,
    %shift_right_logical3A_85 = arith.constant 7 : i32
    %shift_right_logical3A_86 = vector.broadcast %shift_right_logical3A_85 : i32 to vector<16xi32>
    %shift_right_logical3A_87 = arith.shrui %get3A_84, %shift_right_logical3A_86 : vector<16xi32>
    %and3A_88 = arith.constant 127 : i32
    %and3A_89 = vector.broadcast %and3A_88 : i32 to vector<16xi32>
    %and3A_90 = arith.andi %get3A_84, %and3A_89 : vector<16xi32>
    tpu.vector_store_idx %arg10[%shift_right_logical3A_87, %and3A_90], %broadcast_in_dim3A_22 {add = true} : memref<80x128xf32, #tpu.memory_space<vmem>>[vector<16xi32>, vector<16xi32>], vector<16xf32>,
    %get3A_91 = arith.constant 0 : i32
    %get3A_92 = arith.constant 1 : i32
    %get3A_93 = arith.index_cast %get3A_91 : i32 to index
    %get3A_94 = arith.index_cast %rem3A_67 : i32 to index
    %get3A_95 = arith.index_cast %get3A_92 : i32 to index
    %get3A_96 = arith.constant 32 : index
    %get3A_97 = tpu.vector_load %arg6[%get3A_93, %get3A_94, %get3A_95, %get3A_96] {strides = array<i32>} : memref<2x32x2x64xi32, #tpu.memory_space<vmem>>, vector<16xi32>,
    %shift_right_logical3A_98 = arith.constant 7 : i32
    %shift_right_logical3A_99 = vector.broadcast %shift_right_logical3A_98 : i32 to vector<16xi32>
    %shift_right_logical3A_100 = arith.shrui %get3A_97, %shift_right_logical3A_99 : vector<16xi32>
    %and3A_101 = arith.constant 127 : i32
    %and3A_102 = vector.broadcast %and3A_101 : i32 to vector<16xi32>
    %and3A_103 = arith.andi %get3A_97, %and3A_102 : vector<16xi32>
    tpu.vector_store_idx %arg10[%shift_right_logical3A_100, %and3A_103], %broadcast_in_dim3A_22 {add = true} : memref<80x128xf32, #tpu.memory_space<vmem>>[vector<16xi32>, vector<16xi32>], vector<16xf32>,
    %get3A_104 = arith.constant 0 : i32
    %get3A_105 = arith.constant 1 : i32
    %get3A_106 = arith.index_cast %get3A_104 : i32 to index
    %get3A_107 = arith.index_cast %rem3A_67 : i32 to index
    %get3A_108 = arith.index_cast %get3A_105 : i32 to index
    %get3A_109 = arith.constant 48 : index
    %get3A_110 = tpu.vector_load %arg6[%get3A_106, %get3A_107, %get3A_108, %get3A_109] {strides = array<i32>} : memref<2x32x2x64xi32, #tpu.memory_space<vmem>>, vector<16xi32>,
    %shift_right_logical3A_111 = arith.constant 7 : i32
    %shift_right_logical3A_112 = vector.broadcast %shift_right_logical3A_111 : i32 to vector<16xi32>
    %shift_right_logical3A_113 = arith.shrui %get3A_110, %shift_right_logical3A_112 : vector<16xi32>
    %and3A_114 = arith.constant 127 : i32
    %and3A_115 = vector.broadcast %and3A_114 : i32 to vector<16xi32>
    %and3A_116 = arith.andi %get3A_110, %and3A_115 : vector<16xi32>
    tpu.vector_store_idx %arg10[%shift_right_logical3A_113, %and3A_116], %broadcast_in_dim3A_22 {add = true} : memref<80x128xf32, #tpu.memory_space<vmem>>[vector<16xi32>, vector<16xi32>], vector<16xf32>,
    %dma_wait3A_117 = arith.constant 0 : i32
    %dma_wait3A_118 = arith.constant 0 : i32
    %dma_wait3A_119 = tpu.memref_slice %arg11[%dma_wait3A_117, %dma_wait3A_118] : memref<10240x128xf32, #tpu.memory_space<vmem_shared>> -> memref<64x128xf32, #tpu.memory_space<vmem_shared>>
    %dma_wait3A_120 = arith.constant 0 : i32
    %dma_wait3A_121 = arith.constant 0 : i32
    %dma_wait3A_122 = tpu.memref_slice %arg11[%dma_wait3A_120, %dma_wait3A_121] : memref<10240x128xf32, #tpu.memory_space<vmem_shared>> -> memref<64x128xf32, #tpu.memory_space<vmem_shared>>
    tpu.wait_dma2 semaphore(%arg17 : memref<!tpu.dma_semaphore, #tpu.memory_space<semaphore_mem>>) src(%arg9 : memref<64x128xf32, #tpu.memory_space<vmem>>) dst(%dma_wait3A_122 : memref<64x128xf32, #tpu.memory_space<vmem_shared>>)
    %dma_wait3A_123 = arith.constant 0 : i32
    %dma_wait3A_124 = arith.constant 0 : i32
    %dma_wait3A_125 = tpu.memref_slice %arg11[%dma_wait3A_123, %dma_wait3A_124] : memref<10240x128xf32, #tpu.memory_space<vmem_shared>> -> memref<64x128xf32, #tpu.memory_space<vmem_shared>>
    %dma_wait3A_126 = arith.constant 0 : i32
    %dma_wait3A_127 = arith.constant 0 : i32
    %dma_wait3A_128 = tpu.memref_slice %arg11[%dma_wait3A_126, %dma_wait3A_127] : memref<10240x128xf32, #tpu.memory_space<vmem_shared>> -> memref<64x128xf32, #tpu.memory_space<vmem_shared>>
    tpu.wait_dma2 semaphore(%arg15 : memref<!tpu.dma_semaphore, #tpu.memory_space<semaphore_mem>>) src(%arg7 : memref<64x128xf32, #tpu.memory_space<vmem>>) dst(%dma_wait3A_128 : memref<64x128xf32, #tpu.memory_space<vmem_shared>>)
    %barrier3A_129 = arith.constant 0 : index
    tpu.barrier barrier_id(%barrier3A_129)
    "tpu.region"() ({
      %run_scoped3A_130 = tpu.sem_alloc : memref<!tpu.dma_semaphore, #tpu.memory_space<semaphore_mem>>
      %dma_start3A_131 = arith.constant 0 : i32
      %dma_start3A_132 = tpu.memref_slice %arg4[%arg0, %mul3A_15, %dma_start3A_131] : memref<2x10240x128xf32, #tpu.memory_space<hbm>> -> memref<1x640x128xf32, #tpu.memory_space<hbm>>
      %dma_start3A_133 = tpu.memref_squeeze %dma_start3A_132 : memref<1x640x128xf32, #tpu.memory_space<hbm>> -> memref<640x128xf32, #tpu.memory_space<hbm>>
      %dma_start3A_134 = arith.constant 0 : i32
      %dma_start3A_135 = tpu.memref_slice %arg11[%mul3A_15, %dma_start3A_134] : memref<10240x128xf32, #tpu.memory_space<vmem_shared>> -> memref<640x128xf32, #tpu.memory_space<vmem_shared>>
      tpu.enqueue_dma source(%dma_start3A_135 : memref<640x128xf32, #tpu.memory_space<vmem_shared>>) target(%dma_start3A_133 : memref<640x128xf32, #tpu.memory_space<hbm>>) target_semaphore(%run_scoped3A_130 : memref<!tpu.dma_semaphore, #tpu.memory_space<semaphore_mem>>)
      %dma_wait3A_136 = arith.constant 0 : i32
      %dma_wait3A_137 = tpu.memref_slice %arg4[%arg0, %mul3A_15, %dma_wait3A_136] : memref<2x10240x128xf32, #tpu.memory_space<hbm>> -> memref<1x640x128xf32, #tpu.memory_space<hbm>>
      %dma_wait3A_138 = tpu.memref_squeeze %dma_wait3A_137 : memref<1x640x128xf32, #tpu.memory_space<hbm>> -> memref<640x128xf32, #tpu.memory_space<hbm>>
      %dma_wait3A_139 = arith.constant 0 : i32
      %dma_wait3A_140 = tpu.memref_slice %arg11[%mul3A_15, %dma_wait3A_139] : memref<10240x128xf32, #tpu.memory_space<vmem_shared>> -> memref<640x128xf32, #tpu.memory_space<vmem_shared>>
      tpu.wait_dma2 semaphore(%run_scoped3A_130 : memref<!tpu.dma_semaphore, #tpu.memory_space<semaphore_mem>>) src(%dma_wait3A_140 : memref<640x128xf32, #tpu.memory_space<vmem_shared>>) dst(%dma_wait3A_138 : memref<640x128xf32, #tpu.memory_space<hbm>>)
      tpu.yield
    }) : () -> ()
    "tpu.region"() ({
      %run_scoped3A_130 = tpu.sem_alloc : memref<!tpu.dma_semaphore, #tpu.memory_space<semaphore_mem>>
      %dma_start3A_131 = arith.constant 0 : i32
      %dma_start3A_132 = arith.constant 0 : i32
      %dma_start3A_133 = tpu.memref_slice %arg5[%add3A, %dma_start3A_131, %dma_start3A_132] : memref<32x80x128xf32, #tpu.memory_space<hbm>> -> memref<1x80x128xf32, #tpu.memory_space<hbm>>
      %dma_start3A_134 = tpu.memref_squeeze %dma_start3A_133 : memref<1x80x128xf32, #tpu.memory_space<hbm>> -> memref<80x128xf32, #tpu.memory_space<hbm>>
      %dma_start3A_135 = arith.constant 0 : i32
      %dma_start3A_136 = arith.constant 0 : i32
      %dma_start3A_137 = tpu.memref_slice %arg5[%add3A, %dma_start3A_135, %dma_start3A_136] : memref<32x80x128xf32, #tpu.memory_space<hbm>> -> memref<1x80x128xf32, #tpu.memory_space<hbm>>
      %dma_start3A_138 = tpu.memref_squeeze %dma_start3A_137 : memref<1x80x128xf32, #tpu.memory_space<hbm>> -> memref<80x128xf32, #tpu.memory_space<hbm>>
      tpu.enqueue_dma source(%arg10 : memref<80x128xf32, #tpu.memory_space<vmem>>) target(%dma_start3A_138 : memref<80x128xf32, #tpu.memory_space<hbm>>) target_semaphore(%run_scoped3A_130 : memref<!tpu.dma_semaphore, #tpu.memory_space<semaphore_mem>>)
      %dma_wait3A_139 = arith.constant 0 : i32
      %dma_wait3A_140 = arith.constant 0 : i32
      %dma_wait3A_141 = tpu.memref_slice %arg5[%add3A, %dma_wait3A_139, %dma_wait3A_140] : memref<32x80x128xf32, #tpu.memory_space<hbm>> -> memref<1x80x128xf32, #tpu.memory_space<hbm>>
      %dma_wait3A_142 = tpu.memref_squeeze %dma_wait3A_141 : memref<1x80x128xf32, #tpu.memory_space<hbm>> -> memref<80x128xf32, #tpu.memory_space<hbm>>
      %dma_wait3A_143 = arith.constant 0 : i32
      %dma_wait3A_144 = arith.constant 0 : i32
      %dma_wait3A_145 = tpu.memref_slice %arg5[%add3A, %dma_wait3A_143, %dma_wait3A_144] : memref<32x80x128xf32, #tpu.memory_space<hbm>> -> memref<1x80x128xf32, #tpu.memory_space<hbm>>
      %dma_wait3A_146 = tpu.memref_squeeze %dma_wait3A_145 : memref<1x80x128xf32, #tpu.memory_space<hbm>> -> memref<80x128xf32, #tpu.memory_space<hbm>>
      tpu.wait_dma2 semaphore(%run_scoped3A_130 : memref<!tpu.dma_semaphore, #tpu.memory_space<semaphore_mem>>) src(%arg10 : memref<80x128xf32, #tpu.memory_space<vmem>>) dst(%dma_wait3A_146 : memref<80x128xf32, #tpu.memory_space<hbm>>)
      tpu.yield
    }) : () -> ()
    return
  }
}

module attributes {stable_mosaic.version = 14 : i64} {
  func.func @_dense_body(%arg0: i32, %arg1: memref<1x2048x128xf32, #tpu.memory_space<vmem>>, %arg2: memref<1x2048x128xf32, #tpu.memory_space<vmem>>, %arg3: memref<2048x1xf32, #tpu.memory_space<vmem>>, %arg4: memref<2048x128xf32, #tpu.memory_space<vmem>>, %arg5: memref<128x128xf32, #tpu.memory_space<vmem>>, %arg6: memref<1x128xf32, #tpu.memory_space<vmem>>, %arg7: memref<128x128xf32, #tpu.memory_space<vmem>>, %arg8: memref<2048x128xf32, #tpu.memory_space<vmem>>) attributes {dimension_semantics = [#tpu.dimension_semantics<arbitrary>], iteration_bounds = array<i64: 5>, scalar_prefetch = 0 : i64, scratch_operands = 0 : i64, tpu.core_type = #tpu.core_type<tc>, window_params = [{transform_indices = @transform_0, window_bounds = array<i64: 1, 2048, 128>}, {transform_indices = @transform_1, window_bounds = array<i64: 1, 2048, 128>}, {transform_indices = @transform_2, window_bounds = array<i64: 2048, 1>}, {transform_indices = @transform_3, window_bounds = array<i64: 2048, 128>}, {pipeline_mode = #tpu.pipeline_mode<synchronous>, transform_indices = @transform_4, window_bounds = array<i64: 128, 128>}, {pipeline_mode = #tpu.pipeline_mode<synchronous>, transform_indices = @transform_5, window_bounds = array<i64: 1, 128>}, {pipeline_mode = #tpu.pipeline_mode<synchronous>, transform_indices = @transform_6, window_bounds = array<i64: 128, 128>}, {transform_indices = @transform_7, window_bounds = array<i64: 2048, 128>}]} {
    %get3A = arith.constant 0 : index
    %get3A_0 = arith.constant 0 : index
    %get3A_1 = vector.load %arg3[%get3A, %get3A_0] : memref<2048x1xf32, #tpu.memory_space<vmem>>, vector<2048x1xf32>
    %max3A = arith.constant 1.000000e+00 : f32
    %max3A_2 = vector.broadcast %max3A : f32 to vector<2048x1xf32>
    %max3A_3 = arith.maximumf %get3A_1, %max3A_2 : vector<2048x1xf32>
    %div3A = arith.constant 1.000000e+00 : f32
    %div3A_4 = vector.broadcast %div3A : f32 to vector<2048x1xf32>
    %div3A_5 = arith.divf %div3A_4, %max3A_3 : vector<2048x1xf32>
    %get3A_6 = arith.constant 0 : index
    %get3A_7 = arith.constant 0 : index
    %get3A_8 = arith.constant 0 : index
    %get3A_9 = vector.load %arg1[%get3A_6, %get3A_7, %get3A_8] : memref<1x2048x128xf32, #tpu.memory_space<vmem>>, vector<1x2048x128xf32>
    %get3A_10 = vector.shape_cast %get3A_9 : vector<1x2048x128xf32> to vector<2048x128xf32>
    %get3A_11 = arith.constant 0 : index
    %get3A_12 = arith.constant 0 : index
    %get3A_13 = arith.constant 0 : index
    %get3A_14 = vector.load %arg2[%get3A_11, %get3A_12, %get3A_13] : memref<1x2048x128xf32, #tpu.memory_space<vmem>>, vector<1x2048x128xf32>
    %get3A_15 = vector.shape_cast %get3A_14 : vector<1x2048x128xf32> to vector<2048x128xf32>
    %add3A = arith.addf %get3A_10, %get3A_15 : vector<2048x128xf32>
    %mul3A = vector.broadcast %div3A_5 : vector<2048x1xf32> to vector<2048x128xf32>
    %mul3A_16 = arith.mulf %add3A, %mul3A : vector<2048x128xf32>
    %get3A_17 = arith.constant 0 : index
    %get3A_18 = arith.constant 0 : index
    %get3A_19 = vector.load %arg5[%get3A_17, %get3A_18] : memref<128x128xf32, #tpu.memory_space<vmem>>, vector<128x128xf32>
    %dot_general3A = arith.constant dense<0.000000e+00> : vector<2048x128xf32>
    %dot_general3A_20 = tpu.matmul %mul3A_16, %get3A_19, %dot_general3A {dimension_numbers = #tpu.dot_dimension_numbers<[1], [0], [0], [1], [0, 0, 1, 1], [], []>, transpose_lhs_hint = false} : vector<2048x128xf32>, vector<128x128xf32>, vector<2048x128xf32> -> vector<2048x128xf32>
    %get3A_21 = arith.constant 0 : index
    %get3A_22 = arith.constant 0 : index
    %get3A_23 = vector.load %arg4[%get3A_21, %get3A_22] : memref<2048x128xf32, #tpu.memory_space<vmem>>, vector<2048x128xf32>
    %get3A_24 = arith.constant 0 : index
    %get3A_25 = arith.constant 0 : index
    %get3A_26 = vector.load %arg7[%get3A_24, %get3A_25] : memref<128x128xf32, #tpu.memory_space<vmem>>, vector<128x128xf32>
    %dot_general3A_27 = arith.constant dense<0.000000e+00> : vector<2048x128xf32>
    %dot_general3A_28 = tpu.matmul %get3A_23, %get3A_26, %dot_general3A_27 {dimension_numbers = #tpu.dot_dimension_numbers<[1], [0], [0], [1], [0, 0, 1, 1], [], []>, transpose_lhs_hint = false} : vector<2048x128xf32>, vector<128x128xf32>, vector<2048x128xf32> -> vector<2048x128xf32>
    %add3A_29 = arith.addf %dot_general3A_20, %dot_general3A_28 : vector<2048x128xf32>
    %get3A_30 = arith.constant 0 : index
    %get3A_31 = arith.constant 0 : index
    %get3A_32 = vector.load %arg6[%get3A_30, %get3A_31] : memref<1x128xf32, #tpu.memory_space<vmem>>, vector<1x128xf32>
    %add3A_33 = vector.broadcast %get3A_32 : vector<1x128xf32> to vector<2048x128xf32>
    %add3A_34 = arith.addf %add3A_29, %add3A_33 : vector<2048x128xf32>
    %max3A_35 = arith.constant 0.000000e+00 : f32
    %max3A_36 = vector.broadcast %max3A_35 : f32 to vector<2048x128xf32>
    %max3A_37 = arith.maximumf %add3A_34, %max3A_36 : vector<2048x128xf32>
    %swap3A = arith.constant 0 : index
    %swap3A_38 = arith.constant 0 : index
    %swap3A_39 = vector.load %arg8[%swap3A, %swap3A_38] : memref<2048x128xf32, #tpu.memory_space<vmem>>, vector<2048x128xf32>
    tpu.vector_store %arg8[%swap3A, %swap3A_38], %max3A_37 {strides = array<i32>} : memref<2048x128xf32, #tpu.memory_space<vmem>>, vector<2048x128xf32>,
    return
  }
  func.func @transform_0(%arg0: i32) -> (i32, i32, i32) {
    %c0_i32 = arith.constant 0 : i32
    %c0_i32_0 = arith.constant 0 : i32
    %c0_i32_1 = arith.constant 0 : i32
    return %c0_i32, %arg0, %c0_i32_0 : i32, i32, i32
  }
  func.func @transform_1(%arg0: i32) -> (i32, i32, i32) {
    %c1_i32 = arith.constant 1 : i32
    %c0_i32 = arith.constant 0 : i32
    %c0_i32_0 = arith.constant 0 : i32
    return %c1_i32, %arg0, %c0_i32 : i32, i32, i32
  }
  func.func @transform_2(%arg0: i32) -> (i32, i32) {
    %c0_i32 = arith.constant 0 : i32
    %c0_i32_0 = arith.constant 0 : i32
    return %arg0, %c0_i32 : i32, i32
  }
  func.func @transform_3(%arg0: i32) -> (i32, i32) {
    %c0_i32 = arith.constant 0 : i32
    %c0_i32_0 = arith.constant 0 : i32
    return %arg0, %c0_i32 : i32, i32
  }
  func.func @transform_4(%arg0: i32) -> (i32, i32) {
    %c0_i32 = arith.constant 0 : i32
    %c0_i32_0 = arith.constant 0 : i32
    %c0_i32_1 = arith.constant 0 : i32
    return %c0_i32, %c0_i32_0 : i32, i32
  }
  func.func @transform_5(%arg0: i32) -> (i32, i32) {
    %c0_i32 = arith.constant 0 : i32
    %c0_i32_0 = arith.constant 0 : i32
    %c0_i32_1 = arith.constant 0 : i32
    return %c0_i32, %c0_i32_0 : i32, i32
  }
  func.func @transform_6(%arg0: i32) -> (i32, i32) {
    %c0_i32 = arith.constant 0 : i32
    %c0_i32_0 = arith.constant 0 : i32
    %c0_i32_1 = arith.constant 0 : i32
    return %c0_i32, %c0_i32_0 : i32, i32
  }
  func.func @transform_7(%arg0: i32) -> (i32, i32) {
    %c0_i32 = arith.constant 0 : i32
    %c0_i32_0 = arith.constant 0 : i32
    return %arg0, %c0_i32 : i32, i32
  }
}

module attributes {stable_mosaic.version = 14 : i64} {
  func.func @_dense_body(%arg0: i32, %arg1: memref<1x2048x128xf32, #tpu.memory_space<vmem>>, %arg2: memref<1x2048x128xf32, #tpu.memory_space<vmem>>, %arg3: memref<2048x1xf32, #tpu.memory_space<vmem>>, %arg4: memref<2048x128xf32, #tpu.memory_space<vmem>>, %arg5: memref<128x128xf32, #tpu.memory_space<vmem>>, %arg6: memref<1x128xf32, #tpu.memory_space<vmem>>, %arg7: memref<128x128xf32, #tpu.memory_space<vmem>>, %arg8: memref<2048x128xf32, #tpu.memory_space<vmem>>) attributes {dimension_semantics = [#tpu.dimension_semantics<arbitrary>], iteration_bounds = array<i64: 5>, scalar_prefetch = 0 : i64, scratch_operands = 0 : i64, tpu.core_type = #tpu.core_type<tc>, window_params = [{transform_indices = @transform_0, window_bounds = array<i64: 1, 2048, 128>}, {transform_indices = @transform_1, window_bounds = array<i64: 1, 2048, 128>}, {transform_indices = @transform_2, window_bounds = array<i64: 2048, 1>}, {transform_indices = @transform_3, window_bounds = array<i64: 2048, 128>}, {pipeline_mode = #tpu.pipeline_mode<synchronous>, transform_indices = @transform_4, window_bounds = array<i64: 128, 128>}, {pipeline_mode = #tpu.pipeline_mode<synchronous>, transform_indices = @transform_5, window_bounds = array<i64: 1, 128>}, {pipeline_mode = #tpu.pipeline_mode<synchronous>, transform_indices = @transform_6, window_bounds = array<i64: 128, 128>}, {transform_indices = @transform_7, window_bounds = array<i64: 2048, 128>}]} {
    %get3A = arith.constant 0 : index
    %get3A_0 = arith.constant 0 : index
    %get3A_1 = vector.load %arg3[%get3A, %get3A_0] : memref<2048x1xf32, #tpu.memory_space<vmem>>, vector<2048x1xf32>
    %max3A = arith.constant 1.000000e+00 : f32
    %max3A_2 = vector.broadcast %max3A : f32 to vector<2048x1xf32>
    %max3A_3 = arith.maximumf %get3A_1, %max3A_2 : vector<2048x1xf32>
    %div3A = arith.constant 1.000000e+00 : f32
    %div3A_4 = vector.broadcast %div3A : f32 to vector<2048x1xf32>
    %div3A_5 = arith.divf %div3A_4, %max3A_3 : vector<2048x1xf32>
    %get3A_6 = arith.constant 0 : index
    %get3A_7 = arith.constant 0 : index
    %get3A_8 = arith.constant 0 : index
    %get3A_9 = vector.load %arg1[%get3A_6, %get3A_7, %get3A_8] : memref<1x2048x128xf32, #tpu.memory_space<vmem>>, vector<1x2048x128xf32>
    %get3A_10 = vector.shape_cast %get3A_9 : vector<1x2048x128xf32> to vector<2048x128xf32>
    %get3A_11 = arith.constant 0 : index
    %get3A_12 = arith.constant 0 : index
    %get3A_13 = arith.constant 0 : index
    %get3A_14 = vector.load %arg2[%get3A_11, %get3A_12, %get3A_13] : memref<1x2048x128xf32, #tpu.memory_space<vmem>>, vector<1x2048x128xf32>
    %get3A_15 = vector.shape_cast %get3A_14 : vector<1x2048x128xf32> to vector<2048x128xf32>
    %add3A = arith.addf %get3A_10, %get3A_15 : vector<2048x128xf32>
    %mul3A = vector.broadcast %div3A_5 : vector<2048x1xf32> to vector<2048x128xf32>
    %mul3A_16 = arith.mulf %add3A, %mul3A : vector<2048x128xf32>
    %get3A_17 = arith.constant 0 : index
    %get3A_18 = arith.constant 0 : index
    %get3A_19 = vector.load %arg5[%get3A_17, %get3A_18] : memref<128x128xf32, #tpu.memory_space<vmem>>, vector<128x128xf32>
    %dot_general3A = arith.constant dense<0.000000e+00> : vector<2048x128xf32>
    %dot_general3A_20 = tpu.matmul %mul3A_16, %get3A_19, %dot_general3A {dimension_numbers = #tpu.dot_dimension_numbers<[1], [0], [0], [1], [0, 0, 1, 1], [], []>, transpose_lhs_hint = false} : vector<2048x128xf32>, vector<128x128xf32>, vector<2048x128xf32> -> vector<2048x128xf32>
    %get3A_21 = arith.constant 0 : index
    %get3A_22 = arith.constant 0 : index
    %get3A_23 = vector.load %arg4[%get3A_21, %get3A_22] : memref<2048x128xf32, #tpu.memory_space<vmem>>, vector<2048x128xf32>
    %get3A_24 = arith.constant 0 : index
    %get3A_25 = arith.constant 0 : index
    %get3A_26 = vector.load %arg7[%get3A_24, %get3A_25] : memref<128x128xf32, #tpu.memory_space<vmem>>, vector<128x128xf32>
    %dot_general3A_27 = arith.constant dense<0.000000e+00> : vector<2048x128xf32>
    %dot_general3A_28 = tpu.matmul %get3A_23, %get3A_26, %dot_general3A_27 {dimension_numbers = #tpu.dot_dimension_numbers<[1], [0], [0], [1], [0, 0, 1, 1], [], []>, transpose_lhs_hint = false} : vector<2048x128xf32>, vector<128x128xf32>, vector<2048x128xf32> -> vector<2048x128xf32>
    %add3A_29 = arith.addf %dot_general3A_20, %dot_general3A_28 : vector<2048x128xf32>
    %get3A_30 = arith.constant 0 : index
    %get3A_31 = arith.constant 0 : index
    %get3A_32 = vector.load %arg6[%get3A_30, %get3A_31] : memref<1x128xf32, #tpu.memory_space<vmem>>, vector<1x128xf32>
    %add3A_33 = vector.broadcast %get3A_32 : vector<1x128xf32> to vector<2048x128xf32>
    %add3A_34 = arith.addf %add3A_29, %add3A_33 : vector<2048x128xf32>
    %max3A_35 = arith.constant 0.000000e+00 : f32
    %max3A_36 = vector.broadcast %max3A_35 : f32 to vector<2048x128xf32>
    %max3A_37 = arith.maximumf %add3A_34, %max3A_36 : vector<2048x128xf32>
    %swap3A = arith.constant 0 : index
    %swap3A_38 = arith.constant 0 : index
    %swap3A_39 = vector.load %arg8[%swap3A, %swap3A_38] : memref<2048x128xf32, #tpu.memory_space<vmem>>, vector<2048x128xf32>
    tpu.vector_store %arg8[%swap3A, %swap3A_38], %max3A_37 {strides = array<i32>} : memref<2048x128xf32, #tpu.memory_space<vmem>>, vector<2048x128xf32>,
    return
  }
  func.func @transform_0(%arg0: i32) -> (i32, i32, i32) {
    %c0_i32 = arith.constant 0 : i32
    %c0_i32_0 = arith.constant 0 : i32
    %c0_i32_1 = arith.constant 0 : i32
    return %c0_i32, %arg0, %c0_i32_0 : i32, i32, i32
  }
  func.func @transform_1(%arg0: i32) -> (i32, i32, i32) {
    %c1_i32 = arith.constant 1 : i32
    %c0_i32 = arith.constant 0 : i32
    %c0_i32_0 = arith.constant 0 : i32
    return %c1_i32, %arg0, %c0_i32 : i32, i32, i32
  }
  func.func @transform_2(%arg0: i32) -> (i32, i32) {
    %c0_i32 = arith.constant 0 : i32
    %c0_i32_0 = arith.constant 0 : i32
    return %arg0, %c0_i32 : i32, i32
  }
  func.func @transform_3(%arg0: i32) -> (i32, i32) {
    %c0_i32 = arith.constant 0 : i32
    %c0_i32_0 = arith.constant 0 : i32
    return %arg0, %c0_i32 : i32, i32
  }
  func.func @transform_4(%arg0: i32) -> (i32, i32) {
    %c0_i32 = arith.constant 0 : i32
    %c0_i32_0 = arith.constant 0 : i32
    %c0_i32_1 = arith.constant 0 : i32
    return %c0_i32, %c0_i32_0 : i32, i32
  }
  func.func @transform_5(%arg0: i32) -> (i32, i32) {
    %c0_i32 = arith.constant 0 : i32
    %c0_i32_0 = arith.constant 0 : i32
    %c0_i32_1 = arith.constant 0 : i32
    return %c0_i32, %c0_i32_0 : i32, i32
  }
  func.func @transform_6(%arg0: i32) -> (i32, i32) {
    %c0_i32 = arith.constant 0 : i32
    %c0_i32_0 = arith.constant 0 : i32
    %c0_i32_1 = arith.constant 0 : i32
    return %c0_i32, %c0_i32_0 : i32, i32
  }
  func.func @transform_7(%arg0: i32) -> (i32, i32) {
    %c0_i32 = arith.constant 0 : i32
    %c0_i32_0 = arith.constant 0 : i32
    return %arg0, %c0_i32 : i32, i32
  }
}

</mosaic_0001>

<sc_bundles>
// kernel: kernel.6.cloned.1.call-start
scs
__scs_entry_jumppad:
0x0: {  	(pc) =	sbr.rel $0x88, $3  }
0x1: {  	(tag) =	ssettag $0x0;
	lr =	simm.s32 $0x1  }
0x2: {  	[smem:$0x3F99] =	sst lr;
	_ =	strace $0xD0000000  }
0x3: {  	_ = 	snop  }
0x4: {  	_ = 	snop  }
0x5: {  	_ = 	snop  }
0x6: {  	_ = 	snop  }
0x7: {  	_ = 	snop  }
__scs_overlays_trampoline_lowered:
0x8: {  	[smem:$0x3FA8] =	sst s0  }
0x9: {  	[smem:$0x3FA9] =	sst s1  }
0xa: {  	[smem:$0x3FAA] =	sst s2  }
0xb: {  	[smem:$0x3FAB] =	sst s3  }
0xc: {  	[smem:$0x3FAC] =	sst s4  }
0xd: {  	[smem:$0x3FAD] =	sst s5  }
0xe: {  	[smem:$0x3FAE] =	sst s6  }
0xf: {  	[smem:$0x3FAF] =	sst s7  }
0x10: {  	[smem:$0x3FB0] =	sst s8  }
0x11: {  	[smem:$0x3FB1] =	sst s9;
	s0 =	simm.s32 @!p0 $0x0  }
0x12: {  	s1 =	sld [smem:$0x3F97];
	s0 =	simm.s32 @p0 $0x1  }
0x13: {  	[smem:$0x3FB2] =	sst s0;
	s0 =	simm.s32 @!p1 $0x0  }
0x14: {  	s2 =	sld [smem:$0x3F96];
	s0 =	simm.s32 @p1 $0x1  }
0x15: {  	[smem:$0x3FB3] =	sst s0;
	s0 =	simm.s32 @!p2 $0x0  }
0x16: {  	s3 =	sld [smem:$0x3FDB];
	s0 =	simm.s32 @p2 $0x1  }
0x17: {  	s4 =	simm.s32 $0x1BF5;
	[smem:$0x3FB5] =	sst s0  }
0x18: {  	s0 =	sld [smem:$0x3F98];
	_ =	swait.ge [sflag:s4], $0x0  }
0x19: {  	s7 =	sld [smem:$0x3F99]  }
0x1a: {  	s8 =	sadd.s32 $0xFFFFE003, lr  }
0x1b: {  	s9 =	sadd.s32 $0xFFFFFEF7, lr;
	s5 =	simm.s32 $0xFFFFFFFF;
	p2 =	slt.u32 s8, $0xFFFFF086  }
0x1c: {  	p1 =	slt.u32 s9, $0xF7A;
	s5 =	simm.s32 @!p2 $0x0  }
0x1d: {  	s5 =	simm.s32 @p1 $0x1;
	p0 =	seq.s32 s7, s2  }
0x1e: {  	s7 =	smul.u32 @!p0 $0xF7A, s2;
	p2 =	seq.s32 @!p0 s5, $0x0  }
0x1f: {  	s9 =	smul.u32 $0xF7A, s1;
	s8 =	simm.s32 @!p0 $0x1BF5;
	p2 =	por !p2, p0  }
0x20: {  	[sflag:s8] =	ssyncset.s32 @!p0 $0xFFFFF086;
	s6 =	sadd.s32 @!p0 s3, s7;
	s7 =	simm.s32 @!p0 $0x108  }
0x21: {  	s3 =	sadd.s32 s3, s9;
	s6 =	sadd.s32 @!p0 $0x88, s6;
	s7 =	simm.s32 @p2 $0x1082  }
0x22: {  	[simem:s7], [sflag:s8] =	dma.local @!p0 [hbm:s6], $0xF7A  }
0x23: {  	s9 =	sor.u32 $0xD0000000, s2;
	s6 =	simm.s32 $0x108;
	_ =	swait.ge @!p0 [sflag:s8], $0x0  }
0x24: {  	s3 =	sadd.s32 $0x88, s3;
	s6 =	simm.s32 @!p1 $0x1082;
	[sflag:s4] =	ssyncset.s32 $0xFFFFF086  }
0x25: {  	[simem:s6], [sflag:s4] =	dma.local [hbm:s3], $0xF7A  }
0x26: {  	[smem:$0x3F99] =	sst s1;
	(tag) =	ssettag s2;
	_ =	strace s9  }
0x27: {  	s1 =	sld [smem:$0x3FA9]  }
0x28: {  	s2 =	sld [smem:$0x3FAA]  }
0x29: {  	s4 =	sld [smem:$0x3FAC]  }
0x2a: {  	p0 =	seq.s32 s5, $0x0;
	s5 =	sld [smem:$0x3FAD]  }
0x2b: {  	s6 =	sld [smem:$0x3FAE]  }
0x2c: {  	s7 =	sld [smem:$0x3FAF]  }
0x2d: {  	s3 =	simm.s32 $0x108;
	s8 =	sld [smem:$0x3FB0]  }
0x2e: {  	s3 =	simm.s32 @!p0 $0x1082;
	s9 =	sld [smem:$0x3FB1]  }
0x2f: {  	lr =	sadd.s32 s0, s3;
	s0 =	sld [smem:$0x3FA8]  }
0x30: {  	s3 =	sld [smem:$0x3FAB]  }
0x31: {  	[smem:$0x3FB4] =	sst s10  }
0x32: {  	s10 =	sld [smem:$0x3FB2];
	_ =	sdelay $0x3  }
0x33: {  	p0 =	seq.s32 s10, $0x1;
	s10 =	sld [smem:$0x3FB4];
	_ =	sdelay $0x3  }
0x34: {  	[smem:$0x3FB4] =	sst s10  }
0x35: {  	s10 =	sld [smem:$0x3FB3];
	_ =	sdelay $0x3  }
0x36: {  	p1 =	seq.s32 s10, $0x1;
	s10 =	sld [smem:$0x3FB4];
	_ =	sdelay $0x3  }
0x37: {  	[smem:$0x3FB4] =	sst s10  }
0x38: {  	s10 =	sld [smem:$0x3FB5]  }
0x39: {  	_ = 	snop;
	(pc) =	sbr.ind lr, $3  }
0x3a: {  	_ = 	snop  }
0x3b: {  	_ = 	snop  }
0x3c: {  	p2 =	seq.s32 s10, $0x1;
	s10 =	sld [smem:$0x3FB4]  }
0x3d: {  	_ =	shalt  }
0x3e: {  	_ =	shalt  }
0x3f: {  	_ =	shalt  }
0x40: {  	_ =	shalt  }
0x41: {  	_ =	shalt  }
0x42: {  	_ =	shalt  }
0x43: {  	_ =	shalt  }
0x44: {  	_ =	shalt  }
0x45: {  	_ =	shalt  }
0x46: {  	_ =	shalt  }
0x47: {  	_ =	shalt  }
0x48: {  	_ =	shalt  }
0x49: {  	_ =	shalt  }
0x4a: {  	_ =	shalt  }
0x4b: {  	_ =	shalt  }
0x4c: {  	_ =	shalt  }
0x4d: {  	_ =	shalt  }
0x4e: {  	_ =	shalt  }
0x4f: {  	_ =	shalt  }
0x50: {  	_ =	shalt  }
0x51: {  	_ =	shalt  }
0x52: {  	_ =	shalt  }
0x53: {  	_ =	shalt  }
0x54: {  	_ =	shalt  }
0x55: {  	_ =	shalt  }
0x56: {  	_ =	shalt  }
0x57: {  	_ =	shalt  }
0x58: {  	_ =	shalt  }
0x59: {  	_ =	shalt  }
0x5a: {  	_ =	shalt  }
0x5b: {  	_ =	shalt  }
0x5c: {  	_ =	shalt  }
0x5d: {  	_ =	shalt  }
0x5e: {  	_ =	shalt  }
0x5f: {  	_ =	shalt  }
0x60: {  	_ =	shalt  }
0x61: {  	_ =	shalt  }
0x62: {  	_ =	shalt  }
0x63: {  	_ =	shalt  }
0x64: {  	_ =	shalt  }
0x65: {  	_ =	shalt  }
0x66: {  	_ =	shalt  }
0x67: {  	_ =	shalt  }
0x68: {  	_ =	shalt  }
0x69: {  	_ =	shalt  }
0x6a: {  	_ =	shalt  }
0x6b: {  	_ =	shalt  }
0x6c: {  	_ =	shalt  }
0x6d: {  	_ =	shalt  }
0x6e: {  	_ =	shalt  }
0x6f: {  	_ =	shalt  }
0x70: {  	_ =	shalt  }
0x71: {  	_ =	shalt  }
0x72: {  	_ =	shalt  }
0x73: {  	_ =	shalt  }
0x74: {  	_ =	shalt  }
0x75: {  	_ =	shalt  }
0x76: {  	_ =	shalt  }
0x77: {  	_ =	shalt  }
0x78: {  	_ =	shalt  }
0x79: {  	_ =	shalt  }
0x7a: {  	_ =	shalt  }
0x7b: {  	_ =	shalt  }
0x7c: {  	_ =	shalt  }
0x7d: {  	_ =	shalt  }
0x7e: {  	_ =	shalt  }
0x7f: {  	_ =	shalt  }
0x80: {  	_ =	shalt  }
0x81: {  	_ =	shalt  }
0x82: {  	_ =	shalt  }
0x83: {  	_ =	shalt  }
0x84: {  	_ =	shalt  }
0x85: {  	_ =	shalt  }
0x86: {  	_ =	shalt  }
0x87: {  	_ =	shalt  }
.Lfunc_end0:
.L_simem_size_0:
called_computation_lowered:
.L_overlay_start_0:
0x88: {  	s2 =	sld [smem:$0x3FD9]  }
0x89: {  	s3 =	sld [smem:$0x3FFE];
	_ =	sdelay $0x1  }
0x8a: {  	s1 =	srdreg.scid  }
0x8b: {  	s0 =	sand.u32 $0x1, s1  }
0x8c: {  	s17 =	sshll.u32 s0, $0xA;
	s2 =	sadd.s32 s3, s2  }
0x8d: {  	s2 =	sadd.s32 s2, s17  }
0x8e: {  	[smem:$0x3FC0] =	sst s2  }
0x8f: {  	_ = 	snop  }
0x90: {  	s2 =	sld [smem:$0x3FC9]  }
0x91: {  	s18 =	sld [smem:$0x3FD0];
	(tm) =	ssettm $0x1  }
0x92: {  	s4 =	sld [smem:$0x3FFB];
	_ =	sdelay $0x3  }
0x93: {  	_ =	strace s4  }
0x94: {  	s4 =	sld [smem:$0x3FFC];
	_ =	sdelay $0x3  }
0x95: {  	_ =	strace s4  }
0x96: {  	s4 =	sld [smem:$0x3FFD];
	_ =	sdelay $0x3  }
0x97: {  	_ =	strace s4  }
0x98: {  	_ =	strace $0x8FFFFFFF  }
0x99: {  	s19 =	sld [smem:$0x3FDB];
	_ =	sdelay $0x1  }
0x9a: {  	s5 =	simm.s32 $_scs_section_size  }
0x9b: {  	s6 =	simm.s32 $_size__tile_overlayer_lowered;
	s7 =	simm.s32 $_tile_overlayer_lowered  }
0x9c: {  	s22 =	simm.s32 $0x1BFF;
	s21 =	sshll.u32 s7, $0x1;
	s4 =	sadd.s32 s5, s19  }
0x9d: {  	s8 =	simm.s32 $0x0;
	s20 =	sshll.u32 s6, $0x1;
	s6 =	sadd.s32 s21, s4  }
0x9e: {  	[timem:s8], [sflag:s22] =	dma.local [hbm:s6], s20  }
0x9f: {  	_ =	swait.ge [sflag:s22], s20  }
0xa0: {  	s5 =	ssub.s32 $0x0, s20;
	[sflag:s22] =	ssyncset.done $0x0  }
0xa1: {  	[sflag:s22] =	ssyncadd.s32 s5;
	_ =	sdelay $0x1  }
0xa2: {  	s23 =	simm.s32 $0x1B8B  }
0xa3: {  	_ =	swait.ge [sflag:s23], $0x1  }
0xa4: {  	[sflag:s23] =	ssyncset.done $0x0  }
0xa5: {  	s25 =	simm.s32 $0x1B8E;
	s24 =	sld [smem:$0x3FFE];
	[sflag:s23] =	ssyncadd.s32 $0xFFFFFFFF  }
0xa6: {  	s26 =	simm.s32 $execute0_lowered;
	[smem:$0x3FD2] =	sst s25  }
0xa7: {  	s6 =	sshll.u32 s26, $0x1;
	_ =	strace $0x80000046;
	[dreg:$0x1] =	wrdreg $0xFFFFFFFF  }
0xa8: {  	s28 =	simm.s32 $_size_execute0_lowered;
	s4 =	sadd.s32 s4, s6;
	[dreg:$0x0] =	wrdreg $0x0  }
0xa9: {  	s6 =	sshll.u32 s28, $0x1;
	[dreg:$0x2] =	wrdreg s4  }
0xaa: {  	[dreg:$0x3] =	wrdreg s6  }
0xab: {  	[dreg:$0x4] =	wrdreg $0xC0  }
0xac: {  	_ =	task [dreg:s8], $0x5FFFF  }
0xad: {  	[dreg:$0x1] =	wrdreg $0xFFFFFFFF  }
0xae: {  	[dreg:$0x0] =	wrdreg $0x60  }
0xaf: {  	[dreg:$0x2] =	wrdreg s2  }
0xb0: {  	[dreg:$0x3] =	wrdreg s24  }
0xb1: {  	[dreg:$0x4] =	wrdreg s18  }
0xb2: {  	[dreg:$0x5] =	wrdreg $0xA8000  }
0xb3: {  	[dreg:$0x6] =	wrdreg $0x9  }
0xb4: {  	_ =	task.clear_ibuf [dreg:s8], $0x7FFFF;
	_ =	strace $0x90000046  }
0xb5: {  	s29 =	simm.s32 $0x9;
	_ =	strace $0x80000048  }
0xb6: {  	_ =	swait.ge [sflag:s29], $0x1  }
0xb7: {  	[sflag:s29] =	ssyncadd.s32 $0xFFFFFFFF  }
0xb8: {  	_ =	strace $0x90000048  }
0xb9: {  	_ =	sfence  }
0xba: {  	s30 =	sld [smem:$0x0];
	_ =	sdelay $0x2  }
0xbb: {  	s31 =	sshll.u32 s1, $0xD;
	s1 =	sshrl.u32 s1, $0x2  }
0xbc: {  	s3 =	sand.u32 $0x4000, s31;
	s1 =	sadd.s32 s1, s30  }
0xbd: {  	s0 =	sor.u32 s3, s0;
	s1 =	sshll.u32 s1, $0x11  }
0xbe: {  	s0 =	sor.u32 s1, s0  }
0xbf: {  	s0 =	sadd.s32 $0x8F2B, s0  }
0xc0: {  	[sflag:s0] =	ssyncadd.remote.s32 $0x1  }
0xc1: {  	_ =	sfence.sel $0xFFFF  }
0xc2: {  	[dreg:$0x0] =	wrdreg $0xFFFFFFFF;
	(pc) =	sbr.abs _section_cstart, $3  }
0xc3: {  	[dreg:$0x1] =	wrdreg $0xFFFFFFFF  }
0xc4: {  	_ =	task.clear_ibuf [dreg:s8], $0x2FFFF;
	_ =	strace $0x9FFFFFFF  }
0xc5: {  	(tm) =	ssettm $0x7FFFFFFF  }
tec
execute0_lowered:
.L_overlay_start_1:
0x0: {  	(tag) =	ssettag $0x1  }
0x1: {  	s0 =	rddreg [dreg:$0x0]  }
0x2: {  	s1 =	rddreg [dreg:$0x1]  }
0x3: {  	s2 =	rddreg [dreg:$0x2]  }
0x4: {  	s4 =	srdreg.scid;
	s3 =	rddreg [dreg:$0x3]  }
0x5: {  	s11 =	stileid.u32;
	s28 =	simm.s32 $0x6000;
	s29 =	simm.s32 $0x1  }
0x6: {  	s30 =	simm.s32 $0x8000;
	s6 =	sand.u32 $0x1, s4;
	s7 =	smul.u32 $0x14000, s11  }
0x7: {  	s4 =	simm.s32 $0x0;
	s9 =	sshll.u32 s11, $0x1;
	s14 =	smul.u32 $0x50000, s11  }
0x8: {  	s5 =	smul.u32 $0x140000, s6;
	[smem:$0x7FF] =	sst s4;
	s9 =	sor.u32 s6, s9  }
0x9: {  	s10 =	ssub.s32 $0x2, s6;
	_ =	strace $0x80000047;
	s16 =	smul.u32 $0xA00, s9  }
0xa: {  	s12 =	smul.u32 $0x500, s9;
	s8 =	sadd.s32 s7, s5;
	s5 =	sadd.s32 $0x1800, s1  }
0xb: {  	s15 =	sshrl.u32 s10, $0x1;
	s6 =	sshrl.u32 s14, $0x2;
	s17 =	sadd.s32 s5, s16  }
0xc: {  	s10 =	ssub.s32 s10, s15;
	s2 =	sadd.s32 s2, s12;
	[dreg:$0x5] =	wrdreg s17  }
0xd: {  	s6 =	sadd.s32 s6, s3;
	s19 =	smax.u32 s10, $0x1;
	[dreg:$0x7] =	wrdreg s2  }
0xe: {  	s31 =	simm.s32 $0x4;
	s20 =	sadd.s32 $0x2000, s6;
	[dreg:$0x8] =	wrdreg s19  }
0xf: {  	s18 =	sadd.s32 s7, s3;
	s21 =	sadd.s32 $0x4000, s6;
	[dreg:$0x9] =	wrdreg s20  }
0x10: {  	s7 =	simm.s32 $0x6;
	s22 =	sadd.s32 $0x6000, s6;
	[dreg:$0xa] =	wrdreg s21  }
0x11: {  	s8 =	sshrl.u32 s8, $0x3;
	s23 =	sadd.s32 $0x8000, s6;
	[dreg:$0xb] =	wrdreg s22  }
0x12: {  	s24 =	sadd.s32 $0xA000, s6;
	s25 =	sadd.s32 $0xC000, s6;
	[dreg:$0xc] =	wrdreg s23  }
0x13: {  	s26 =	sadd.s32 $0xE000, s6;
	s10 =	simm.s32 $0x0;
	[dreg:$0xd] =	wrdreg s24  }
0x14: {  	s1 =	sadd.s32 s8, s1;
	s8 =	smul.u32 $0x5000, s9;
	[dreg:$0xe] =	wrdreg s25  }
.Ltmp0:
0x15: {  	[dreg:$0xf] =	wrdreg s26;
	s19 =	sadd.s32 $0x10000, s6;
	(pc) =	sbr.rel .LBB2_1-.Ltmp0, $4  }
0x16: {  	s20 =	sadd.s32 $0x12000, s6;
	s21 =	simm.s32 $0x2000;
	s22 =	simm.s32 $0x8  }
0x17: {  	s23 =	simm.s32 $0x40;
	s25 =	sshrl.u32 s18, $0x3;
	s26 =	simm.s32 $0x4000  }
0x18: {  	s24 =	simm.s32 $0x5;
	s2 =	simm.s32 $0x3;
	s1 =	sadd.s32 $0x15800, s1  }
0x19: {  	v0 =	vimm.f32 $0.0e+00;
	v1 =	vimm.f32 $1.000000000e+00;
	s9 =	simm.s32 $0x7;
	[dreg:$0x6] =	wrdreg s1;
	s1 =	simm.s32 $0x2  }
.LBB2_19:
0x1a: {  	_ =	swait.ge [sflag:s29], $0x2000  }
0x1b: {  	[sflag:s29] =	ssyncset.done $0x0  }
0x1c: {  	s11 =	simm.s32 $0xFC0;
	[sflag:s29] =	ssyncadd.s32 $0xFFFFE000  }
0x1d: {  	[spmem:s3] =	stream.indirect.scatter.add.f32 [tilespmem:s21], [sflag:$0x4], $0x80, s11, s23, $0xb8;
	[tilespmem:$0x1E800] =	vst v63  }
0x1e: {  	v2 =	vld [tilespmem:$0xFC0];
	_ =	sdelay $0x7  }
0x1f: {  	[tilespmem:v2+s30+$0x0] =	vst.idx.add.f32.msk $0xffff, v1  }
0x20: {  	v2 =	vld [tilespmem:$0xFD0];
	_ =	sdelay $0x7  }
0x21: {  	[tilespmem:v2+s30+$0x0] =	vst.idx.add.f32.msk $0xffff, v1  }
0x22: {  	v2 =	vld [tilespmem:$0xFE0];
	_ =	sdelay $0x7  }
0x23: {  	[tilespmem:v2+s30+$0x0] =	vst.idx.add.f32.msk $0xffff, v1  }
0x24: {  	v2 =	vld [tilespmem:$0xFF0];
	_ =	sdelay $0x7  }
0x25: {  	[tilespmem:v2+s30+$0x0] =	vst.idx.add.f32.msk $0xffff, v1  }
0x26: {  	_ =	swait.ge [sflag:s7], $0x2000  }
0x27: {  	[sflag:s7] =	ssyncset.done $0x0  }
0x28: {  	[sflag:s7] =	ssyncadd.s32 $0xFFFFE000  }
0x29: {  	_ =	swait.ge [sflag:s31], $0x2000  }
0x2a: {  	[sflag:s31] =	ssyncset.done $0x0  }
0x2b: {  	s16 =	stileid.u32;
	[sflag:s31] =	ssyncadd.s32 $0xFFFFE000  }
0x2c: {  	s11 =	sshll.u32 s16, $0x6;
	[bflag:$0x0] =	sbarrier.arrive $0xFFFF  }
0x2d: {  	s11 =	sor.u32 $0x1C08, s11;
	s12 =	rddreg [dreg:$0x6]  }
0x2e: {  	[hbm:s12], [sflag:s11] =	dma.local [spmem:s25], $0x2800  }
0x2f: {  	_ =	swait.ge [sflag:s22], $0x2800  }
0x30: {  	[sflag:s22] =	ssyncset.done $0x0  }
0x31: {  	s17 =	rddreg [dreg:$0x7];
	[sflag:s22] =	ssyncadd.s32 $0xFFFFD800  }
0x32: {  	[hbm4b:s17+s4] =	stream.linear.scatter [tilespmem:s30], [sflag:$0x8], $0x2800, $0x38;
	[tilespmem:$0x1E800] =	vst v63  }
0x33: {  	_ =	swait.ge [sflag:s22], $0x2800  }
0x34: {  	s10 =	sadd.s32 $0x1, s10;
	s18 =	rddreg [dreg:$0x8]  }
0x35: {  	p0 =	sne.s32 s10, s18  }
.Ltmp1:
0x36: {  	_ = 	snop;
	(pc) =	sbr.rel @!p0 .LBB2_20-.Ltmp1, $3  }
0x37: {  	_ =	sdelay $0x1  }
0x38: {  	[sflag:s22] =	ssyncset.done $0x0  }
0x39: {  	[sflag:s22] =	ssyncadd.s32 $0xFFFFD800  }
.LBB2_1:
0x3a: {  	s11 =	simm.s32 $0x0;
	s12 =	simm.s32 $0x200  }
.LBB2_2:
0x3b: {  	p0 =	sne.s32 s12, $0x7E00;
	[tilespmem:s11+$0x2070] =	vst v0  }
0x3c: {  	[tilespmem:s11+$0x2000] =	vst v0  }
0x3d: {  	[tilespmem:s11+$0x2010] =	vst v0  }
.Ltmp2:
0x3e: {  	[tilespmem:s11+$0x2020] =	vst v0;
	(pc) =	sbr.rel @p0 .LBB2_2-.Ltmp2, $4  }
0x3f: {  	[tilespmem:s11+$0x2030] =	vst v0  }
0x40: {  	[tilespmem:s11+$0x2040] =	vst v0  }
0x41: {  	[tilespmem:s11+$0x2050] =	vst v0  }
0x42: {  	[tilespmem:s11+$0x2060] =	vst v0;
	s11 =	sshra.s32 s12, $0x2;
	s12 =	sadd.s32 $0x200, s12  }
0x43: {  	[tilespmem:s11+$0x2070] =	vst v0  }
0x44: {  	[tilespmem:s11+$0x2000] =	vst v0  }
0x45: {  	[tilespmem:s11+$0x2010] =	vst v0  }
0x46: {  	[tilespmem:s11+$0x2020] =	vst v0  }
0x47: {  	[tilespmem:s11+$0x2030] =	vst v0  }
0x48: {  	[tilespmem:s11+$0x2040] =	vst v0  }
0x49: {  	[tilespmem:s11+$0x2050] =	vst v0  }
0x4a: {  	[tilespmem:s11+$0x2060] =	vst v0;
	s11 =	simm.s32 $0x0;
	s12 =	simm.s32 $0x200  }
.LBB2_4:
0x4b: {  	p0 =	sne.s32 s12, $0x9E00;
	[tilespmem:s11+$0x8070] =	vst v0  }
0x4c: {  	[tilespmem:s11+$0x8000] =	vst v0  }
0x4d: {  	[tilespmem:s11+$0x8010] =	vst v0  }
.Ltmp3:
0x4e: {  	[tilespmem:s11+$0x8020] =	vst v0;
	(pc) =	sbr.rel @p0 .LBB2_4-.Ltmp3, $4  }
0x4f: {  	[tilespmem:s11+$0x8030] =	vst v0  }
0x50: {  	[tilespmem:s11+$0x8040] =	vst v0  }
0x51: {  	[tilespmem:s11+$0x8050] =	vst v0  }
0x52: {  	[tilespmem:s11+$0x8060] =	vst v0;
	s11 =	sshra.s32 s12, $0x2;
	s12 =	sadd.s32 $0x200, s12  }
0x53: {  	[tilespmem:s11+$0x8070] =	vst v0  }
0x54: {  	[tilespmem:s11+$0x8000] =	vst v0  }
0x55: {  	[tilespmem:s11+$0x8010] =	vst v0  }
0x56: {  	[tilespmem:s11+$0x8020] =	vst v0  }
0x57: {  	[tilespmem:s11+$0x8030] =	vst v0  }
0x58: {  	[tilespmem:s11+$0x8040] =	vst v0  }
0x59: {  	[tilespmem:s11+$0x8050] =	vst v0  }
0x5a: {  	[tilespmem:s11+$0x8060] =	vst v0  }
0x5b: {  	[spmem:s6] =	stream.linear.scatter [tilespmem:s21], [sflag:$0x8], $0x2000, $0x38;
	[tilespmem:$0x1E800] =	vst v63  }
0x5c: {  	_ =	swait.ge [sflag:s22], $0x2000  }
0x5d: {  	[sflag:s22] =	ssyncset.done $0x0  }
0x5e: {  	s18 =	rddreg [dreg:$0x9];
	[sflag:s22] =	ssyncadd.s32 $0xFFFFE000  }
0x5f: {  	[spmem:s18] =	stream.linear.scatter [tilespmem:s21], [sflag:$0x8], $0x2000, $0x38;
	[tilespmem:$0x1E800] =	vst v63  }
0x60: {  	_ =	swait.ge [sflag:s22], $0x2000  }
0x61: {  	[sflag:s22] =	ssyncset.done $0x0  }
0x62: {  	s12 =	rddreg [dreg:$0xa];
	[sflag:s22] =	ssyncadd.s32 $0xFFFFE000  }
0x63: {  	[spmem:s12] =	stream.linear.scatter [tilespmem:s21], [sflag:$0x8], $0x2000, $0x38;
	[tilespmem:$0x1E800] =	vst v63  }
0x64: {  	_ =	swait.ge [sflag:s22], $0x2000  }
0x65: {  	[sflag:s22] =	ssyncset.done $0x0  }
0x66: {  	s13 =	rddreg [dreg:$0xb];
	[sflag:s22] =	ssyncadd.s32 $0xFFFFE000  }
0x67: {  	[spmem:s13] =	stream.linear.scatter [tilespmem:s21], [sflag:$0x8], $0x2000, $0x38;
	[tilespmem:$0x1E800] =	vst v63  }
0x68: {  	_ =	swait.ge [sflag:s22], $0x2000  }
0x69: {  	[sflag:s22] =	ssyncset.done $0x0  }
0x6a: {  	s14 =	rddreg [dreg:$0xc];
	[sflag:s22] =	ssyncadd.s32 $0xFFFFE000  }
0x6b: {  	[spmem:s14] =	stream.linear.scatter [tilespmem:s21], [sflag:$0x8], $0x2000, $0x38;
	[tilespmem:$0x1E800] =	vst v63  }
0x6c: {  	_ =	swait.ge [sflag:s22], $0x2000  }
0x6d: {  	[sflag:s22] =	ssyncset.done $0x0  }
0x6e: {  	s15 =	rddreg [dreg:$0xd];
	[sflag:s22] =	ssyncadd.s32 $0xFFFFE000  }
0x6f: {  	[spmem:s15] =	stream.linear.scatter [tilespmem:s21], [sflag:$0x8], $0x2000, $0x38;
	[tilespmem:$0x1E800] =	vst v63  }
0x70: {  	_ =	swait.ge [sflag:s22], $0x2000  }
0x71: {  	[sflag:s22] =	ssyncset.done $0x0  }
0x72: {  	s16 =	rddreg [dreg:$0xe];
	[sflag:s22] =	ssyncadd.s32 $0xFFFFE000  }
0x73: {  	[spmem:s16] =	stream.linear.scatter [tilespmem:s21], [sflag:$0x8], $0x2000, $0x38;
	[tilespmem:$0x1E800] =	vst v63  }
0x74: {  	_ =	swait.ge [sflag:s22], $0x2000  }
0x75: {  	[sflag:s22] =	ssyncset.done $0x0  }
0x76: {  	s17 =	rddreg [dreg:$0xf];
	[sflag:s22] =	ssyncadd.s32 $0xFFFFE000  }
0x77: {  	[spmem:s17] =	stream.linear.scatter [tilespmem:s21], [sflag:$0x8], $0x2000, $0x38;
	[tilespmem:$0x1E800] =	vst v63  }
0x78: {  	_ =	swait.ge [sflag:s22], $0x2000  }
0x79: {  	[sflag:s22] =	ssyncset.done $0x0  }
0x7a: {  	[sflag:s22] =	ssyncadd.s32 $0xFFFFE000  }
0x7b: {  	[spmem:s19] =	stream.linear.scatter [tilespmem:s21], [sflag:$0x8], $0x2000, $0x38;
	[tilespmem:$0x1E800] =	vst v63  }
0x7c: {  	_ =	swait.ge [sflag:s22], $0x2000  }
0x7d: {  	[sflag:s22] =	ssyncset.done $0x0  }
0x7e: {  	[sflag:s22] =	ssyncadd.s32 $0xFFFFE000  }
0x7f: {  	[spmem:s20] =	stream.linear.scatter [tilespmem:s21], [sflag:$0x8], $0x2000, $0x38;
	[tilespmem:$0x1E800] =	vst v63  }
0x80: {  	_ =	swait.ge [sflag:s22], $0x2000  }
0x81: {  	[sflag:s22] =	ssyncset.done $0x0  }
0x82: {  	[sflag:s22] =	ssyncadd.s32 $0xFFFFE000  }
0x83: {  	[bflag:$0x0] =	sbarrier.arrive $0xFFFF  }
0x84: {  	s11 =	simm.s32 $0x0;
	s12 =	rddreg [dreg:$0x5]  }
0x85: {  	[tilespmem:s11], [sflag:$0x8] =	stream.linear.gather [hbm4b:s12+s11], $0x1000, $0x38;
	[tilespmem:$0x1E800] =	vst v63  }
0x86: {  	_ =	swait.ge [sflag:s22], $0x1000  }
0x87: {  	[sflag:s22] =	ssyncset.done $0x0  }
0x88: {  	s18 =	simm.s32 $0x80;
	[sflag:s22] =	ssyncadd.s32 $0xFFFFF000  }
0x89: {  	[tilespmem:s21], [sflag:$0x1] =	stream.indirect.gather [hbm4b:s0+s23], $0x80, s11, s23, $0xb8;
	[tilespmem:$0x1E800] =	vst v63  }
0x8a: {  	s13 =	simm.s32 $0x200;
	s14 =	simm.s32 $0x0;
	s12 =	simm.s32 $0x800  }
0x8b: {  	[tilespmem:s26], [sflag:$0x2] =	stream.indirect.gather [hbm4b:s0+s23], $0x80, s18, s23, $0xb8;
	[tilespmem:$0x1E800] =	vst v63  }
.LBB2_6:
0x8c: {  	s15 =	sand.u32 $0x1F, s11;
	p0 =	sgt.u32 s14, $0x2A  }
0x8d: {  	p2 =	sne.s32 @!p0 s15, $0x0  }
0x8e: {  	p2 =	por p0, p2  }
.Ltmp4:
0x8f: {  	p1 =	seq.s32 s11, $0x0;
	(pc) =	sbr.rel @p2 .LBB2_8-.Ltmp4, $4  }
0x90: {  	s17 =	simm.s32 @!p1 $0x6  }
0x91: {  	_ =	swait.ge @!p1 [sflag:s17], $0x2000  }
0x92: {  	[sflag:s17] =	ssyncset.done @!p1 $0x0  }
0x93: {  	s16 =	sshrl.u32 s11, $0x5;
	[sflag:s17] =	ssyncadd.s32 @!p1 $0xFFFFE000  }
0x94: {  	s17 =	sadd.s32 $0x1, s16  }
.Ltmp5:
0x95: {  	s17 =	sshll.u32 s17, $0xC;
	(pc) =	sbr.rel .LBB2_9-.Ltmp5, $4  }
0x96: {  	s18 =	sadd.s32 s8, s17  }
0x97: {  	s18 =	sshrl.u32 s18, $0x3  }
0x98: {  	s17 =	sand.u32 $0x1000, s17;
	s18 =	sadd.s32 s5, s18  }
0x99: {  	[tilespmem:s17], [sflag:$0x7] =	stream.linear.gather [hbm4b:s18+s4], $0x1000, $0x38;
	[tilespmem:$0x1E800] =	vst v63  }
.LBB2_8:
0x9a: {  	p1 =	sne.s32 @!p0 s15, $0x1E  }
0x9b: {  	p1 =	por p1, p0  }
0x9c: {  	s17 =	simm.s32 @!p1 $0x7  }
0x9d: {  	_ =	swait.ge @!p1 [sflag:s17], $0x1000  }
0x9e: {  	[sflag:s17] =	ssyncset.done @!p1 $0x0  }
0x9f: {  	[sflag:s17] =	ssyncadd.s32 @!p1 $0xFFFFF000  }
.LBB2_9:
0xa0: {  	s17 =	sadd.s32 $0xFFFFFC00, s12  }
0xa1: {  	s18 =	sadd.s32 $0xFFFFFF00, s13;
	s17 =	sand.u32 $0x3E00, s17  }
0xa2: {  	s18 =	sand.u32 $0x1000, s18;
	s17 =	sshrl.u32 s17, $0x2  }
0xa3: {  	s16 =	sshll.u32 s16, $0xC;
	s17 =	sor.u32 s17, s18  }
0xa4: {  	[tilespmem:s28], [sflag:$0x3] =	stream.indirect.gather [hbm4b:s0+s23], $0x80, s17, s23, $0xb8;
	[tilespmem:$0x1E800] =	vst v63  }
0xa5: {  	s15 =	sshll.u32 s15, $0x7;
	s16 =	sand.u32 $0x1000, s16;
	_ =	swait.ge [sflag:s29], $0x2000  }
0xa6: {  	s15 =	sor.u32 s15, s16;
	[sflag:s29] =	ssyncset.done $0x0  }
0xa7: {  	s16 =	sor.u32 $0x40, s15;
	[sflag:s29] =	ssyncadd.s32 $0xFFFFE000  }
0xa8: {  	[spmem:s3] =	stream.indirect.scatter.add.f32 [tilespmem:s21], [sflag:$0x4], $0x80, s16, s23, $0xb8;
	[tilespmem:$0x1E800] =	vst v63  }
0xa9: {  	v2 =	vld [tilespmem:s15+$0x40];
	_ =	sdelay $0x7  }
0xaa: {  	[tilespmem:v2+s30+$0x0] =	vst.idx.add.f32.msk $0xffff, v1  }
0xab: {  	v2 =	vld [tilespmem:s15+$0x50];
	_ =	sdelay $0x7  }
0xac: {  	[tilespmem:v2+s30+$0x0] =	vst.idx.add.f32.msk $0xffff, v1  }
0xad: {  	v2 =	vld [tilespmem:s15+$0x60];
	_ =	sdelay $0x7  }
0xae: {  	[tilespmem:v2+s30+$0x0] =	vst.idx.add.f32.msk $0xffff, v1  }
0xaf: {  	v2 =	vld [tilespmem:s15+$0x70];
	_ =	sdelay $0x2  }
0xb0: {  	s18 =	sadd.s32 $0x1, s11  }
0xb1: {  	s15 =	sand.u32 $0x1F, s18  }
0xb2: {  	p1 =	sne.s32 @!p0 s15, $0x0  }
0xb3: {  	p1 =	por p0, p1  }
.Ltmp6:
0xb4: {  	_ = 	snop;
	(pc) =	sbr.rel @p1 .LBB2_11-.Ltmp6, $4  }
0xb5: {  	[tilespmem:v2+s30+$0x0] =	vst.idx.add.f32.msk $0xffff, v1  }
0xb6: {  	_ =	swait.ge [sflag:s31], $0x2000  }
0xb7: {  	s16 =	sshrl.u32 s18, $0x5;
	[sflag:s31] =	ssyncset.done $0x0  }
0xb8: {  	s16 =	sshll.u32 s16, $0xC;
	[sflag:s31] =	ssyncadd.s32 $0xFFFFE000  }
.Ltmp7:
0xb9: {  	s17 =	sadd.s32 $0x1000, s16;
	(pc) =	sbr.rel .LBB2_12-.Ltmp7, $4  }
0xba: {  	s18 =	sadd.s32 s8, s17  }
0xbb: {  	s18 =	sshrl.u32 s18, $0x3  }
0xbc: {  	s17 =	sand.u32 $0x1000, s17;
	s18 =	sadd.s32 s5, s18  }
0xbd: {  	[tilespmem:s17], [sflag:$0x7] =	stream.linear.gather [hbm4b:s18+s4], $0x1000, $0x38;
	[tilespmem:$0x1E800] =	vst v63  }
.LBB2_11:
0xbe: {  	p1 =	sne.s32 @!p0 s15, $0x1E  }
0xbf: {  	p0 =	por p1, p0  }
0xc0: {  	s17 =	simm.s32 @!p0 $0x7  }
0xc1: {  	_ =	swait.ge @!p0 [sflag:s17], $0x1000  }
0xc2: {  	[sflag:s17] =	ssyncset.done @!p0 $0x0  }
0xc3: {  	[sflag:s17] =	ssyncadd.s32 @!p0 $0xFFFFF000  }
.LBB2_12:
0xc4: {  	s17 =	sadd.s32 $0xFFFFFE00, s12  }
0xc5: {  	s18 =	sadd.s32 $0xFFFFFF80, s13;
	s17 =	sand.u32 $0x3E00, s17  }
0xc6: {  	s18 =	sand.u32 $0x1000, s18;
	s17 =	sshrl.u32 s17, $0x2  }
0xc7: {  	s17 =	sor.u32 s17, s18  }
0xc8: {  	[tilespmem:s21], [sflag:$0x1] =	stream.indirect.gather [hbm4b:s0+s23], $0x80, s17, s23, $0xb8;
	[tilespmem:$0x1E800] =	vst v63  }
0xc9: {  	s16 =	sand.u32 $0x1000, s16;
	s15 =	sshll.u32 s15, $0x7;
	_ =	swait.ge [sflag:s1], $0x2000  }
0xca: {  	s15 =	sor.u32 s15, s16;
	[sflag:s1] =	ssyncset.done $0x0  }
0xcb: {  	s16 =	sor.u32 $0x40, s15;
	[sflag:s1] =	ssyncadd.s32 $0xFFFFE000  }
0xcc: {  	[spmem:s3] =	stream.indirect.scatter.add.f32 [tilespmem:s26], [sflag:$0x5], $0x80, s16, s23, $0xb8;
	[tilespmem:$0x1E800] =	vst v63  }
0xcd: {  	v2 =	vld [tilespmem:s15+$0x40];
	_ =	sdelay $0x7  }
0xce: {  	[tilespmem:v2+s30+$0x0] =	vst.idx.add.f32.msk $0xffff, v1  }
0xcf: {  	v2 =	vld [tilespmem:s15+$0x50];
	_ =	sdelay $0x7  }
0xd0: {  	[tilespmem:v2+s30+$0x0] =	vst.idx.add.f32.msk $0xffff, v1  }
0xd1: {  	v2 =	vld [tilespmem:s15+$0x60];
	_ =	sdelay $0x7  }
0xd2: {  	[tilespmem:v2+s30+$0x0] =	vst.idx.add.f32.msk $0xffff, v1  }
0xd3: {  	v2 =	vld [tilespmem:s15+$0x70];
	_ =	sdelay $0x2  }
0xd4: {  	s18 =	sadd.s32 $0x2, s11  }
0xd5: {  	p0 =	sgt.u32 s14, $0x29;
	s15 =	sand.u32 $0x1F, s18  }
0xd6: {  	p1 =	sne.s32 @!p0 s15, $0x0  }
0xd7: {  	p1 =	por p0, p1  }
.Ltmp8:
0xd8: {  	_ = 	snop;
	(pc) =	sbr.rel @p1 .LBB2_14-.Ltmp8, $4  }
0xd9: {  	[tilespmem:v2+s30+$0x0] =	vst.idx.add.f32.msk $0xffff, v1  }
0xda: {  	_ =	swait.ge [sflag:s24], $0x2000  }
0xdb: {  	s16 =	sshrl.u32 s18, $0x5;
	[sflag:s24] =	ssyncset.done $0x0  }
0xdc: {  	s16 =	sshll.u32 s16, $0xC;
	[sflag:s24] =	ssyncadd.s32 $0xFFFFE000  }
.Ltmp9:
0xdd: {  	s17 =	sadd.s32 $0x1000, s16;
	(pc) =	sbr.rel .LBB2_17-.Ltmp9, $4  }
0xde: {  	s18 =	sadd.s32 s8, s17  }
0xdf: {  	s18 =	sshrl.u32 s18, $0x3  }
0xe0: {  	s17 =	sand.u32 $0x1000, s17;
	s18 =	sadd.s32 s5, s18  }
0xe1: {  	[tilespmem:s17], [sflag:$0x7] =	stream.linear.gather [hbm4b:s18+s4], $0x1000, $0x38;
	[tilespmem:$0x1E800] =	vst v63  }
.LBB2_14:
0xe2: {  	p1 =	sne.s32 @!p0 s15, $0x1E  }
0xe3: {  	p0 =	por p0, p1  }
.Ltmp10:
0xe4: {  	_ = 	snop;
	(pc) =	sbr.rel @p0 .LBB2_16-.Ltmp10, $1  }
0xe5: {  	_ =	sdelay $0x3  }
0xe6: {  	_ =	swait.ge [sflag:s9], $0x1000  }
0xe7: {  	[sflag:s9] =	ssyncset.done $0x0  }
0xe8: {  	[sflag:s9] =	ssyncadd.s32 $0xFFFFF000  }
.LBB2_17:
0xe9: {  	s17 =	sand.u32 $0x3E00, s12  }
0xea: {  	s18 =	sand.u32 $0x1000, s13;
	s17 =	sshrl.u32 s17, $0x2  }
0xeb: {  	s17 =	sor.u32 s17, s18  }
0xec: {  	[tilespmem:s26], [sflag:$0x2] =	stream.indirect.gather [hbm4b:s0+s23], $0x80, s17, s23, $0xb8;
	[tilespmem:$0x1E800] =	vst v63  }
.LBB2_18:
0xed: {  	_ =	swait.ge [sflag:s2], $0x2000;
	s16 =	sand.u32 $0x1000, s16;
	s15 =	sshll.u32 s15, $0x7  }
0xee: {  	[sflag:s2] =	ssyncset.done $0x0;
	s15 =	sor.u32 s15, s16  }
0xef: {  	[sflag:s2] =	ssyncadd.s32 $0xFFFFE000;
	s16 =	sor.u32 $0x40, s15  }
0xf0: {  	[spmem:s3] =	stream.indirect.scatter.add.f32 [tilespmem:s28], [sflag:$0x6], $0x80, s16, s23, $0xb8;
	[tilespmem:$0x1E800] =	vst v63  }
0xf1: {  	v2 =	vld [tilespmem:s15+$0x40];
	_ =	sdelay $0x7  }
0xf2: {  	[tilespmem:v2+s30+$0x0] =	vst.idx.add.f32.msk $0xffff, v1  }
0xf3: {  	v2 =	vld [tilespmem:s15+$0x50];
	_ =	sdelay $0x7  }
0xf4: {  	[tilespmem:v2+s30+$0x0] =	vst.idx.add.f32.msk $0xffff, v1  }
0xf5: {  	v2 =	vld [tilespmem:s15+$0x60];
	_ =	sdelay $0x7  }
0xf6: {  	[tilespmem:v2+s30+$0x0] =	vst.idx.add.f32.msk $0xffff, v1  }
0xf7: {  	v2 =	vld [tilespmem:s15+$0x70];
	_ =	sdelay $0x1  }
0xf8: {  	s11 =	sadd.s32 $0x3, s11  }
0xf9: {  	p0 =	sne.s32 s11, $0x9F  }
.Ltmp11:
0xfa: {  	_ = 	snop;
	(pc) =	sbr.rel @p0 .LBB2_6-.Ltmp11, $4  }
.Ltmp12:
0xfb: {  	_ = 	snop;
	(pc) =	sbr.rel @!p0 .LBB2_19-.Ltmp12, $4  }
0xfc: {  	_ = 	snop  }
0xfd: {  	_ = 	snop  }
0xfe: {  	s14 =	sadd.s32 $0x1, s14;
	s12 =	sadd.s32 $0x600, s12;
	s13 =	sadd.s32 $0x180, s13;
	[tilespmem:v2+s30+$0x0] =	vst.idx.add.f32.msk $0xffff, v1  }
0xff: {  	_ = 	snop  }
.LBB2_16:
0x100: {  	p0 =	seq.s32 s11, $0x9C  }
.Ltmp13:
0x101: {  	_ = 	snop;
	(pc) =	sbr.rel @p0 .LBB2_18-.Ltmp13, $4  }
.Ltmp14:
0x102: {  	_ = 	snop;
	(pc) =	sbr.rel @!p0 .LBB2_17-.Ltmp14, $4  }
0x103: {  	_ = 	snop  }
0x104: {  	_ = 	snop  }
0x105: {  	_ = 	snop  }
0x106: {  	_ = 	snop  }
.LBB2_20:
0x107: {  	_ =	sfence.sel $0x180000  }
0x108: {  	[bflag:$0x0] =	sbarrier.arrive $0xFFFF  }
0x109: {  	_ =	strace $0x90000047  }
0x10a: {  	s0 =	stileid.u32;
	[bflag:$0x2] =	sbarrier.arrive $0xFFFF  }
0x10b: {  	p0 =	sne.s32 s0, $0x0;
	s0 =	rddreg [dreg:$0x4]  }
0x10c: {  	s0 =	sadd.s32 @!p0 $0x100000, s0  }
0x10d: {  	[sflag:s0] =	ssyncadd.tile.s32 @!p0 $0x1;
	_ =	shalt  }
.Lfunc_end2:
_tile_overlayer_lowered:
.L_overlay_start_2:
0x10e: {  	(tag) =	ssettag $0x2  }
0x10f: {  	s0 =	rddreg [dreg:$0x0];
	s2 =	stileid.u32  }
0x110: {  	s1 =	rddreg [dreg:$0x1];
	p0 =	sne.s32 s2, $0x0  }
0x111: {  	s3 =	rddreg [dreg:$0x2];
	[bflag:$0x3] =	sbarrier.arrive $0xFFFF;
	s2 =	simm.s32 @!p0 $0x1C08  }
0x112: {  	[timem:s3], [sflag:s2] =	dma.local @!p0 [hbm:s0], s1  }
0x113: {  	s0 =	simm.s32 @!p0 $0x8  }
0x114: {  	_ =	swait.ge @!p0 [sflag:s0], s1  }
0x115: {  	s1 =	ssub.s32 @!p0 $0x0, s1;
	[sflag:s0] =	ssyncset.done @!p0 $0x0  }
0x116: {  	[sflag:s0] =	ssyncadd.s32 @!p0 s1  }
0x117: {  	[bflag:$0x3] =	sbarrier.arrive $0xFFFF  }
0x118: {  	_ =	shalt  }

// kernel: kernel.9.cloned.1.call-start
scs
__scs_entry_jumppad:
0x0: {  	(pc) =	sbr.rel $0x88, $3  }
0x1: {  	(tag) =	ssettag $0x0;
	lr =	simm.s32 $0x1  }
0x2: {  	[smem:$0x3F99] =	sst lr;
	_ =	strace $0xD0000000  }
0x3: {  	_ = 	snop  }
0x4: {  	_ = 	snop  }
0x5: {  	_ = 	snop  }
0x6: {  	_ = 	snop  }
0x7: {  	_ = 	snop  }
__scs_overlays_trampoline_lowered:
0x8: {  	[smem:$0x3FA8] =	sst s0  }
0x9: {  	[smem:$0x3FA9] =	sst s1  }
0xa: {  	[smem:$0x3FAA] =	sst s2  }
0xb: {  	[smem:$0x3FAB] =	sst s3  }
0xc: {  	[smem:$0x3FAC] =	sst s4  }
0xd: {  	[smem:$0x3FAD] =	sst s5  }
0xe: {  	[smem:$0x3FAE] =	sst s6  }
0xf: {  	[smem:$0x3FAF] =	sst s7  }
0x10: {  	[smem:$0x3FB0] =	sst s8  }
0x11: {  	[smem:$0x3FB1] =	sst s9;
	s0 =	simm.s32 @!p0 $0x0  }
0x12: {  	s1 =	sld [smem:$0x3F97];
	s0 =	simm.s32 @p0 $0x1  }
0x13: {  	[smem:$0x3FB2] =	sst s0;
	s0 =	simm.s32 @!p1 $0x0  }
0x14: {  	s2 =	sld [smem:$0x3F96];
	s0 =	simm.s32 @p1 $0x1  }
0x15: {  	[smem:$0x3FB3] =	sst s0;
	s0 =	simm.s32 @!p2 $0x0  }
0x16: {  	s3 =	sld [smem:$0x3FDB];
	s0 =	simm.s32 @p2 $0x1  }
0x17: {  	s4 =	simm.s32 $0x1BF5;
	[smem:$0x3FB5] =	sst s0  }
0x18: {  	s0 =	sld [smem:$0x3F98];
	_ =	swait.ge [sflag:s4], $0x0  }
0x19: {  	s7 =	sld [smem:$0x3F99]  }
0x1a: {  	s8 =	sadd.s32 $0xFFFFE003, lr  }
0x1b: {  	s9 =	sadd.s32 $0xFFFFFEF7, lr;
	s5 =	simm.s32 $0xFFFFFFFF;
	p2 =	slt.u32 s8, $0xFFFFF086  }
0x1c: {  	p1 =	slt.u32 s9, $0xF7A;
	s5 =	simm.s32 @!p2 $0x0  }
0x1d: {  	s5 =	simm.s32 @p1 $0x1;
	p0 =	seq.s32 s7, s2  }
0x1e: {  	s7 =	smul.u32 @!p0 $0xF7A, s2;
	p2 =	seq.s32 @!p0 s5, $0x0  }
0x1f: {  	s9 =	smul.u32 $0xF7A, s1;
	s8 =	simm.s32 @!p0 $0x1BF5;
	p2 =	por !p2, p0  }
0x20: {  	[sflag:s8] =	ssyncset.s32 @!p0 $0xFFFFF086;
	s6 =	sadd.s32 @!p0 s3, s7;
	s7 =	simm.s32 @!p0 $0x108  }
0x21: {  	s3 =	sadd.s32 s3, s9;
	s6 =	sadd.s32 @!p0 $0x88, s6;
	s7 =	simm.s32 @p2 $0x1082  }
0x22: {  	[simem:s7], [sflag:s8] =	dma.local @!p0 [hbm:s6], $0xF7A  }
0x23: {  	s9 =	sor.u32 $0xD0000000, s2;
	s6 =	simm.s32 $0x108;
	_ =	swait.ge @!p0 [sflag:s8], $0x0  }
0x24: {  	s3 =	sadd.s32 $0x88, s3;
	s6 =	simm.s32 @!p1 $0x1082;
	[sflag:s4] =	ssyncset.s32 $0xFFFFF086  }
0x25: {  	[simem:s6], [sflag:s4] =	dma.local [hbm:s3], $0xF7A  }
0x26: {  	[smem:$0x3F99] =	sst s1;
	(tag) =	ssettag s2;
	_ =	strace s9  }
0x27: {  	s1 =	sld [smem:$0x3FA9]  }
0x28: {  	s2 =	sld [smem:$0x3FAA]  }
0x29: {  	s4 =	sld [smem:$0x3FAC]  }
0x2a: {  	p0 =	seq.s32 s5, $0x0;
	s5 =	sld [smem:$0x3FAD]  }
0x2b: {  	s6 =	sld [smem:$0x3FAE]  }
0x2c: {  	s7 =	sld [smem:$0x3FAF]  }
0x2d: {  	s3 =	simm.s32 $0x108;
	s8 =	sld [smem:$0x3FB0]  }
0x2e: {  	s3 =	simm.s32 @!p0 $0x1082;
	s9 =	sld [smem:$0x3FB1]  }
0x2f: {  	lr =	sadd.s32 s0, s3;
	s0 =	sld [smem:$0x3FA8]  }
0x30: {  	s3 =	sld [smem:$0x3FAB]  }
0x31: {  	[smem:$0x3FB4] =	sst s10  }
0x32: {  	s10 =	sld [smem:$0x3FB2];
	_ =	sdelay $0x3  }
0x33: {  	p0 =	seq.s32 s10, $0x1;
	s10 =	sld [smem:$0x3FB4];
	_ =	sdelay $0x3  }
0x34: {  	[smem:$0x3FB4] =	sst s10  }
0x35: {  	s10 =	sld [smem:$0x3FB3];
	_ =	sdelay $0x3  }
0x36: {  	p1 =	seq.s32 s10, $0x1;
	s10 =	sld [smem:$0x3FB4];
	_ =	sdelay $0x3  }
0x37: {  	[smem:$0x3FB4] =	sst s10  }
0x38: {  	s10 =	sld [smem:$0x3FB5]  }
0x39: {  	_ = 	snop;
	(pc) =	sbr.ind lr, $3  }
0x3a: {  	_ = 	snop  }
0x3b: {  	_ = 	snop  }
0x3c: {  	p2 =	seq.s32 s10, $0x1;
	s10 =	sld [smem:$0x3FB4]  }
0x3d: {  	_ =	shalt  }
0x3e: {  	_ =	shalt  }
0x3f: {  	_ =	shalt  }
0x40: {  	_ =	shalt  }
0x41: {  	_ =	shalt  }
0x42: {  	_ =	shalt  }
0x43: {  	_ =	shalt  }
0x44: {  	_ =	shalt  }
0x45: {  	_ =	shalt  }
0x46: {  	_ =	shalt  }
0x47: {  	_ =	shalt  }
0x48: {  	_ =	shalt  }
0x49: {  	_ =	shalt  }
0x4a: {  	_ =	shalt  }
0x4b: {  	_ =	shalt  }
0x4c: {  	_ =	shalt  }
0x4d: {  	_ =	shalt  }
0x4e: {  	_ =	shalt  }
0x4f: {  	_ =	shalt  }
0x50: {  	_ =	shalt  }
0x51: {  	_ =	shalt  }
0x52: {  	_ =	shalt  }
0x53: {  	_ =	shalt  }
0x54: {  	_ =	shalt  }
0x55: {  	_ =	shalt  }
0x56: {  	_ =	shalt  }
0x57: {  	_ =	shalt  }
0x58: {  	_ =	shalt  }
0x59: {  	_ =	shalt  }
0x5a: {  	_ =	shalt  }
0x5b: {  	_ =	shalt  }
0x5c: {  	_ =	shalt  }
0x5d: {  	_ =	shalt  }
0x5e: {  	_ =	shalt  }
0x5f: {  	_ =	shalt  }
0x60: {  	_ =	shalt  }
0x61: {  	_ =	shalt  }
0x62: {  	_ =	shalt  }
0x63: {  	_ =	shalt  }
0x64: {  	_ =	shalt  }
0x65: {  	_ =	shalt  }
0x66: {  	_ =	shalt  }
0x67: {  	_ =	shalt  }
0x68: {  	_ =	shalt  }
0x69: {  	_ =	shalt  }
0x6a: {  	_ =	shalt  }
0x6b: {  	_ =	shalt  }
0x6c: {  	_ =	shalt  }
0x6d: {  	_ =	shalt  }
0x6e: {  	_ =	shalt  }
0x6f: {  	_ =	shalt  }
0x70: {  	_ =	shalt  }
0x71: {  	_ =	shalt  }
0x72: {  	_ =	shalt  }
0x73: {  	_ =	shalt  }
0x74: {  	_ =	shalt  }
0x75: {  	_ =	shalt  }
0x76: {  	_ =	shalt  }
0x77: {  	_ =	shalt  }
0x78: {  	_ =	shalt  }
0x79: {  	_ =	shalt  }
0x7a: {  	_ =	shalt  }
0x7b: {  	_ =	shalt  }
0x7c: {  	_ =	shalt  }
0x7d: {  	_ =	shalt  }
0x7e: {  	_ =	shalt  }
0x7f: {  	_ =	shalt  }
0x80: {  	_ =	shalt  }
0x81: {  	_ =	shalt  }
0x82: {  	_ =	shalt  }
0x83: {  	_ =	shalt  }
0x84: {  	_ =	shalt  }
0x85: {  	_ =	shalt  }
0x86: {  	_ =	shalt  }
0x87: {  	_ =	shalt  }
.Lfunc_end0:
.L_simem_size_0:
called_computation.1_lowered:
.L_overlay_start_0:
0x88: {  	s2 =	sld [smem:$0x3FD9]  }
0x89: {  	s3 =	sld [smem:$0x3FFE];
	_ =	sdelay $0x1  }
0x8a: {  	s1 =	srdreg.scid  }
0x8b: {  	s0 =	sand.u32 $0x1, s1  }
0x8c: {  	s17 =	sshll.u32 s0, $0xA;
	s2 =	sadd.s32 s3, s2  }
0x8d: {  	s2 =	sadd.s32 s2, s17  }
0x8e: {  	[smem:$0x3FC0] =	sst s2  }
0x8f: {  	_ = 	snop  }
0x90: {  	s2 =	sld [smem:$0x3FD0];
	(tm) =	ssettm $0x1  }
0x91: {  	s18 =	sld [smem:$0x3FFB];
	_ =	sdelay $0x3  }
0x92: {  	_ =	strace s18  }
0x93: {  	s3 =	sld [smem:$0x3FFC];
	_ =	sdelay $0x3  }
0x94: {  	_ =	strace s3  }
0x95: {  	s3 =	sld [smem:$0x3FFD];
	_ =	sdelay $0x3  }
0x96: {  	_ =	strace s3  }
0x97: {  	_ =	strace $0x8FFFFFFF  }
0x98: {  	s19 =	sld [smem:$0x3FDB];
	_ =	sdelay $0x1  }
0x99: {  	s4 =	simm.s32 $_scs_section_size  }
0x9a: {  	s5 =	simm.s32 $_size__tile_overlayer_lowered;
	s6 =	simm.s32 $_tile_overlayer_lowered  }
0x9b: {  	s22 =	simm.s32 $0x1BFF;
	s21 =	sshll.u32 s6, $0x1;
	s3 =	sadd.s32 s4, s19  }
0x9c: {  	s7 =	simm.s32 $0x0;
	s20 =	sshll.u32 s5, $0x1;
	s5 =	sadd.s32 s21, s3  }
0x9d: {  	[timem:s7], [sflag:s22] =	dma.local [hbm:s5], s20  }
0x9e: {  	_ =	swait.ge [sflag:s22], s20  }
0x9f: {  	s4 =	ssub.s32 $0x0, s20;
	[sflag:s22] =	ssyncset.done $0x0  }
0xa0: {  	[sflag:s22] =	ssyncadd.s32 s4;
	_ =	sdelay $0x1  }
0xa1: {  	s23 =	simm.s32 $0x1B8B  }
0xa2: {  	_ =	swait.ge [sflag:s23], $0x1  }
0xa3: {  	[sflag:s23] =	ssyncset.done $0x0  }
0xa4: {  	s25 =	simm.s32 $0x1B8E;
	s24 =	sld [smem:$0x3FFE];
	[sflag:s23] =	ssyncadd.s32 $0xFFFFFFFF  }
0xa5: {  	s26 =	simm.s32 $execute0_lowered;
	[smem:$0x3FD2] =	sst s25  }
0xa6: {  	s5 =	sshll.u32 s26, $0x1;
	_ =	strace $0x80000049;
	[dreg:$0x1] =	wrdreg $0xFFFFFFFF  }
0xa7: {  	s28 =	simm.s32 $_size_execute0_lowered;
	s3 =	sadd.s32 s3, s5;
	[dreg:$0x0] =	wrdreg $0x0  }
0xa8: {  	s5 =	sshll.u32 s28, $0x1;
	[dreg:$0x2] =	wrdreg s3  }
0xa9: {  	[dreg:$0x3] =	wrdreg s5  }
0xaa: {  	[dreg:$0x4] =	wrdreg $0xC0  }
0xab: {  	_ =	task [dreg:s7], $0x5FFFF  }
0xac: {  	[dreg:$0x1] =	wrdreg $0xFFFFFFFF  }
0xad: {  	[dreg:$0x0] =	wrdreg $0x60  }
0xae: {  	[dreg:$0x2] =	wrdreg s2  }
0xaf: {  	[dreg:$0x3] =	wrdreg s24  }
0xb0: {  	[dreg:$0x4] =	wrdreg $0xA8000  }
0xb1: {  	[dreg:$0x5] =	wrdreg $0x9  }
0xb2: {  	_ =	task.clear_ibuf [dreg:s7], $0x6FFFF;
	_ =	strace $0x90000049  }
0xb3: {  	s29 =	simm.s32 $0x9;
	_ =	strace $0x8000004B  }
0xb4: {  	_ =	swait.ge [sflag:s29], $0x1  }
0xb5: {  	[sflag:s29] =	ssyncadd.s32 $0xFFFFFFFF  }
0xb6: {  	_ =	strace $0x9000004B  }
0xb7: {  	_ =	sfence  }
0xb8: {  	s30 =	sld [smem:$0x0];
	_ =	sdelay $0x2  }
0xb9: {  	s31 =	sshll.u32 s1, $0xD;
	s1 =	sshrl.u32 s1, $0x2  }
0xba: {  	s3 =	sand.u32 $0x4000, s31;
	s1 =	sadd.s32 s1, s30  }
0xbb: {  	s0 =	sor.u32 s3, s0;
	s1 =	sshll.u32 s1, $0x11  }
0xbc: {  	s0 =	sor.u32 s1, s0  }
0xbd: {  	s0 =	sadd.s32 $0x8F2B, s0  }
0xbe: {  	[sflag:s0] =	ssyncadd.remote.s32 $0x1  }
0xbf: {  	_ =	sfence.sel $0xFFFF  }
0xc0: {  	[dreg:$0x0] =	wrdreg $0xFFFFFFFF;
	(pc) =	sbr.abs _section_cstart, $3  }
0xc1: {  	[dreg:$0x1] =	wrdreg $0xFFFFFFFF  }
0xc2: {  	_ =	task.clear_ibuf [dreg:s7], $0x2FFFF;
	_ =	strace $0x9FFFFFFF  }
0xc3: {  	(tm) =	ssettm $0x7FFFFFFF  }
tec
execute0_lowered:
.L_overlay_start_1:
0x0: {  	(tag) =	ssettag $0x1  }
0x1: {  	s1 =	rddreg [dreg:$0x0]  }
0x2: {  	s0 =	rddreg [dreg:$0x1]  }
0x3: {  	s2 =	rddreg [dreg:$0x2]  }
0x4: {  	s3 =	srdreg.scid;
	s10 =	stileid.u32  }
0x5: {  	s4 =	simm.s32 $0x0;
	s28 =	simm.s32 $0x6000;
	s7 =	smul.u32 $0x14000, s10  }
0x6: {  	s3 =	sand.u32 $0x1, s3;
	s5 =	sshll.u32 s10, $0x1;
	s10 =	smul.u32 $0x50000, s10  }
0x7: {  	[smem:$0x7FF] =	sst s4;
	s6 =	smul.u32 $0x140000, s3;
	s8 =	sor.u32 s3, s5  }
0x8: {  	s29 =	simm.s32 $0x1;
	_ =	strace $0x8000004A;
	s9 =	smul.u32 $0x500, s8  }
0x9: {  	s5 =	sadd.s32 $0x1800, s0;
	s3 =	ssub.s32 $0x2, s3;
	s12 =	smul.u32 $0xA00, s8  }
0xa: {  	s15 =	sshrl.u32 s3, $0x1;
	s16 =	sshrl.u32 s10, $0x2;
	s6 =	sadd.s32 s7, s6  }
0xb: {  	s3 =	ssub.s32 s3, s15;
	s6 =	sshrl.u32 s6, $0x3;
	s17 =	sadd.s32 s5, s12  }
0xc: {  	s19 =	smax.u32 s3, $0x1;
	s11 =	sadd.s32 s6, s0;
	[dreg:$0x4] =	wrdreg s17  }
0xd: {  	s0 =	sadd.s32 s9, s0;
	[dreg:$0x7] =	wrdreg s19;
	s18 =	sadd.s32 $0x1F800, s11  }
0xe: {  	s6 =	sadd.s32 s16, s2;
	s0 =	sadd.s32 $0x15800, s0;
	[dreg:$0x5] =	wrdreg s18  }
0xf: {  	s30 =	simm.s32 $0x8000;
	s20 =	sadd.s32 $0x2000, s6;
	[dreg:$0x6] =	wrdreg s0  }
0x10: {  	s31 =	simm.s32 $0x4;
	s21 =	sadd.s32 $0x4000, s6;
	[dreg:$0x8] =	wrdreg s20  }
0x11: {  	s8 =	smul.u32 $0x5000, s8;
	s22 =	sadd.s32 $0x6000, s6;
	[dreg:$0x9] =	wrdreg s21  }
0x12: {  	s10 =	simm.s32 $0x0;
	s23 =	sadd.s32 $0x8000, s6;
	[dreg:$0xa] =	wrdreg s22  }
0x13: {  	s7 =	sadd.s32 s7, s2;
	s24 =	sadd.s32 $0xA000, s6;
	[dreg:$0xb] =	wrdreg s23  }
0x14: {  	s3 =	simm.s32 $0x3;
	s25 =	sadd.s32 $0xC000, s6;
	[dreg:$0xc] =	wrdreg s24  }
.Ltmp0:
0x15: {  	s26 =	sadd.s32 $0xE000, s6;
	[dreg:$0xd] =	wrdreg s25;
	(pc) =	sbr.rel .LBB2_1-.Ltmp0, $4  }
0x16: {  	s9 =	simm.s32 $0x7;
	s19 =	sadd.s32 $0x10000, s6;
	[dreg:$0xe] =	wrdreg s26  }
0x17: {  	s20 =	sadd.s32 $0x12000, s6;
	s21 =	simm.s32 $0x2000;
	s22 =	simm.s32 $0x8  }
0x18: {  	s23 =	simm.s32 $0x40;
	s25 =	sshrl.u32 s7, $0x3;
	s26 =	simm.s32 $0x4000  }
0x19: {  	v0 =	vimm.f32 $0.0e+00;
	v1 =	vimm.f32 $1.000000000e+00;
	s0 =	simm.s32 $0x2;
	s24 =	simm.s32 $0x5;
	s7 =	simm.s32 $0x6  }
.LBB2_19:
0x1a: {  	_ =	swait.ge [sflag:s29], $0x2000  }
0x1b: {  	[sflag:s29] =	ssyncset.done $0x0  }
0x1c: {  	s11 =	simm.s32 $0xFC0;
	[sflag:s29] =	ssyncadd.s32 $0xFFFFE000  }
0x1d: {  	[spmem:s2] =	stream.indirect.scatter.add.f32 [tilespmem:s21], [sflag:$0x4], $0x80, s11, s23, $0xb8;
	[tilespmem:$0x1E800] =	vst v63  }
0x1e: {  	v2 =	vld [tilespmem:$0xFC0];
	_ =	sdelay $0x7  }
0x1f: {  	[tilespmem:v2+s30+$0x0] =	vst.idx.add.f32.msk $0xffff, v1  }
0x20: {  	v2 =	vld [tilespmem:$0xFD0];
	_ =	sdelay $0x7  }
0x21: {  	[tilespmem:v2+s30+$0x0] =	vst.idx.add.f32.msk $0xffff, v1  }
0x22: {  	v2 =	vld [tilespmem:$0xFE0];
	_ =	sdelay $0x7  }
0x23: {  	[tilespmem:v2+s30+$0x0] =	vst.idx.add.f32.msk $0xffff, v1  }
0x24: {  	v2 =	vld [tilespmem:$0xFF0];
	_ =	sdelay $0x7  }
0x25: {  	[tilespmem:v2+s30+$0x0] =	vst.idx.add.f32.msk $0xffff, v1  }
0x26: {  	_ =	swait.ge [sflag:s7], $0x2000  }
0x27: {  	[sflag:s7] =	ssyncset.done $0x0  }
0x28: {  	[sflag:s7] =	ssyncadd.s32 $0xFFFFE000  }
0x29: {  	_ =	swait.ge [sflag:s31], $0x2000  }
0x2a: {  	[sflag:s31] =	ssyncset.done $0x0  }
0x2b: {  	s16 =	stileid.u32;
	[sflag:s31] =	ssyncadd.s32 $0xFFFFE000  }
0x2c: {  	s11 =	sshll.u32 s16, $0x6;
	[bflag:$0x0] =	sbarrier.arrive $0xFFFF  }
0x2d: {  	s11 =	sor.u32 $0x1C08, s11;
	s12 =	rddreg [dreg:$0x5]  }
0x2e: {  	[hbm:s12], [sflag:s11] =	dma.local [spmem:s25], $0x2800  }
0x2f: {  	_ =	swait.ge [sflag:s22], $0x2800  }
0x30: {  	[sflag:s22] =	ssyncset.done $0x0  }
0x31: {  	s17 =	rddreg [dreg:$0x6];
	[sflag:s22] =	ssyncadd.s32 $0xFFFFD800  }
0x32: {  	[hbm4b:s17+s4] =	stream.linear.scatter [tilespmem:s30], [sflag:$0x8], $0x2800, $0x38;
	[tilespmem:$0x1E800] =	vst v63  }
0x33: {  	_ =	swait.ge [sflag:s22], $0x2800  }
0x34: {  	s10 =	sadd.s32 $0x1, s10;
	s18 =	rddreg [dreg:$0x7]  }
0x35: {  	p0 =	sne.s32 s10, s18  }
.Ltmp1:
0x36: {  	_ = 	snop;
	(pc) =	sbr.rel @!p0 .LBB2_20-.Ltmp1, $3  }
0x37: {  	_ =	sdelay $0x1  }
0x38: {  	[sflag:s22] =	ssyncset.done $0x0  }
0x39: {  	[sflag:s22] =	ssyncadd.s32 $0xFFFFD800  }
.LBB2_1:
0x3a: {  	s11 =	simm.s32 $0x0;
	s12 =	simm.s32 $0x200  }
.LBB2_2:
0x3b: {  	p0 =	sne.s32 s12, $0x7E00;
	[tilespmem:s11+$0x2070] =	vst v0  }
0x3c: {  	[tilespmem:s11+$0x2000] =	vst v0  }
0x3d: {  	[tilespmem:s11+$0x2010] =	vst v0  }
.Ltmp2:
0x3e: {  	[tilespmem:s11+$0x2020] =	vst v0;
	(pc) =	sbr.rel @p0 .LBB2_2-.Ltmp2, $4  }
0x3f: {  	[tilespmem:s11+$0x2030] =	vst v0  }
0x40: {  	[tilespmem:s11+$0x2040] =	vst v0  }
0x41: {  	[tilespmem:s11+$0x2050] =	vst v0  }
0x42: {  	[tilespmem:s11+$0x2060] =	vst v0;
	s11 =	sshra.s32 s12, $0x2;
	s12 =	sadd.s32 $0x200, s12  }
0x43: {  	[tilespmem:s11+$0x2070] =	vst v0  }
0x44: {  	[tilespmem:s11+$0x2000] =	vst v0  }
0x45: {  	[tilespmem:s11+$0x2010] =	vst v0  }
0x46: {  	[tilespmem:s11+$0x2020] =	vst v0  }
0x47: {  	[tilespmem:s11+$0x2030] =	vst v0  }
0x48: {  	[tilespmem:s11+$0x2040] =	vst v0  }
0x49: {  	[tilespmem:s11+$0x2050] =	vst v0  }
0x4a: {  	[tilespmem:s11+$0x2060] =	vst v0;
	s11 =	simm.s32 $0x0;
	s12 =	simm.s32 $0x200  }
.LBB2_4:
0x4b: {  	p0 =	sne.s32 s12, $0x9E00;
	[tilespmem:s11+$0x8070] =	vst v0  }
0x4c: {  	[tilespmem:s11+$0x8000] =	vst v0  }
0x4d: {  	[tilespmem:s11+$0x8010] =	vst v0  }
.Ltmp3:
0x4e: {  	[tilespmem:s11+$0x8020] =	vst v0;
	(pc) =	sbr.rel @p0 .LBB2_4-.Ltmp3, $4  }
0x4f: {  	[tilespmem:s11+$0x8030] =	vst v0  }
0x50: {  	[tilespmem:s11+$0x8040] =	vst v0  }
0x51: {  	[tilespmem:s11+$0x8050] =	vst v0  }
0x52: {  	[tilespmem:s11+$0x8060] =	vst v0;
	s11 =	sshra.s32 s12, $0x2;
	s12 =	sadd.s32 $0x200, s12  }
0x53: {  	[tilespmem:s11+$0x8070] =	vst v0  }
0x54: {  	[tilespmem:s11+$0x8000] =	vst v0  }
0x55: {  	[tilespmem:s11+$0x8010] =	vst v0  }
0x56: {  	[tilespmem:s11+$0x8020] =	vst v0  }
0x57: {  	[tilespmem:s11+$0x8030] =	vst v0  }
0x58: {  	[tilespmem:s11+$0x8040] =	vst v0  }
0x59: {  	[tilespmem:s11+$0x8050] =	vst v0  }
0x5a: {  	[tilespmem:s11+$0x8060] =	vst v0  }
0x5b: {  	[spmem:s6] =	stream.linear.scatter [tilespmem:s21], [sflag:$0x8], $0x2000, $0x38;
	[tilespmem:$0x1E800] =	vst v63  }
0x5c: {  	_ =	swait.ge [sflag:s22], $0x2000  }
0x5d: {  	[sflag:s22] =	ssyncset.done $0x0  }
0x5e: {  	s18 =	rddreg [dreg:$0x8];
	[sflag:s22] =	ssyncadd.s32 $0xFFFFE000  }
0x5f: {  	[spmem:s18] =	stream.linear.scatter [tilespmem:s21], [sflag:$0x8], $0x2000, $0x38;
	[tilespmem:$0x1E800] =	vst v63  }
0x60: {  	_ =	swait.ge [sflag:s22], $0x2000  }
0x61: {  	[sflag:s22] =	ssyncset.done $0x0  }
0x62: {  	s12 =	rddreg [dreg:$0x9];
	[sflag:s22] =	ssyncadd.s32 $0xFFFFE000  }
0x63: {  	[spmem:s12] =	stream.linear.scatter [tilespmem:s21], [sflag:$0x8], $0x2000, $0x38;
	[tilespmem:$0x1E800] =	vst v63  }
0x64: {  	_ =	swait.ge [sflag:s22], $0x2000  }
0x65: {  	[sflag:s22] =	ssyncset.done $0x0  }
0x66: {  	s13 =	rddreg [dreg:$0xa];
	[sflag:s22] =	ssyncadd.s32 $0xFFFFE000  }
0x67: {  	[spmem:s13] =	stream.linear.scatter [tilespmem:s21], [sflag:$0x8], $0x2000, $0x38;
	[tilespmem:$0x1E800] =	vst v63  }
0x68: {  	_ =	swait.ge [sflag:s22], $0x2000  }
0x69: {  	[sflag:s22] =	ssyncset.done $0x0  }
0x6a: {  	s14 =	rddreg [dreg:$0xb];
	[sflag:s22] =	ssyncadd.s32 $0xFFFFE000  }
0x6b: {  	[spmem:s14] =	stream.linear.scatter [tilespmem:s21], [sflag:$0x8], $0x2000, $0x38;
	[tilespmem:$0x1E800] =	vst v63  }
0x6c: {  	_ =	swait.ge [sflag:s22], $0x2000  }
0x6d: {  	[sflag:s22] =	ssyncset.done $0x0  }
0x6e: {  	s15 =	rddreg [dreg:$0xc];
	[sflag:s22] =	ssyncadd.s32 $0xFFFFE000  }
0x6f: {  	[spmem:s15] =	stream.linear.scatter [tilespmem:s21], [sflag:$0x8], $0x2000, $0x38;
	[tilespmem:$0x1E800] =	vst v63  }
0x70: {  	_ =	swait.ge [sflag:s22], $0x2000  }
0x71: {  	[sflag:s22] =	ssyncset.done $0x0  }
0x72: {  	s16 =	rddreg [dreg:$0xd];
	[sflag:s22] =	ssyncadd.s32 $0xFFFFE000  }
0x73: {  	[spmem:s16] =	stream.linear.scatter [tilespmem:s21], [sflag:$0x8], $0x2000, $0x38;
	[tilespmem:$0x1E800] =	vst v63  }
0x74: {  	_ =	swait.ge [sflag:s22], $0x2000  }
0x75: {  	[sflag:s22] =	ssyncset.done $0x0  }
0x76: {  	s17 =	rddreg [dreg:$0xe];
	[sflag:s22] =	ssyncadd.s32 $0xFFFFE000  }
0x77: {  	[spmem:s17] =	stream.linear.scatter [tilespmem:s21], [sflag:$0x8], $0x2000, $0x38;
	[tilespmem:$0x1E800] =	vst v63  }
0x78: {  	_ =	swait.ge [sflag:s22], $0x2000  }
0x79: {  	[sflag:s22] =	ssyncset.done $0x0  }
0x7a: {  	[sflag:s22] =	ssyncadd.s32 $0xFFFFE000  }
0x7b: {  	[spmem:s19] =	stream.linear.scatter [tilespmem:s21], [sflag:$0x8], $0x2000, $0x38;
	[tilespmem:$0x1E800] =	vst v63  }
0x7c: {  	_ =	swait.ge [sflag:s22], $0x2000  }
0x7d: {  	[sflag:s22] =	ssyncset.done $0x0  }
0x7e: {  	[sflag:s22] =	ssyncadd.s32 $0xFFFFE000  }
0x7f: {  	[spmem:s20] =	stream.linear.scatter [tilespmem:s21], [sflag:$0x8], $0x2000, $0x38;
	[tilespmem:$0x1E800] =	vst v63  }
0x80: {  	_ =	swait.ge [sflag:s22], $0x2000  }
0x81: {  	[sflag:s22] =	ssyncset.done $0x0  }
0x82: {  	[sflag:s22] =	ssyncadd.s32 $0xFFFFE000  }
0x83: {  	[bflag:$0x0] =	sbarrier.arrive $0xFFFF  }
0x84: {  	s11 =	simm.s32 $0x0;
	s12 =	rddreg [dreg:$0x4]  }
0x85: {  	[tilespmem:s11], [sflag:$0x8] =	stream.linear.gather [hbm4b:s12+s11], $0x1000, $0x38;
	[tilespmem:$0x1E800] =	vst v63  }
0x86: {  	_ =	swait.ge [sflag:s22], $0x1000  }
0x87: {  	[sflag:s22] =	ssyncset.done $0x0  }
0x88: {  	s18 =	simm.s32 $0x80;
	[sflag:s22] =	ssyncadd.s32 $0xFFFFF000  }
0x89: {  	[tilespmem:s21], [sflag:$0x1] =	stream.indirect.gather [hbm4b:s1+s23], $0x80, s11, s23, $0xb8;
	[tilespmem:$0x1E800] =	vst v63  }
0x8a: {  	s13 =	simm.s32 $0x200;
	s14 =	simm.s32 $0x0;
	s12 =	simm.s32 $0x800  }
0x8b: {  	[tilespmem:s26], [sflag:$0x2] =	stream.indirect.gather [hbm4b:s1+s23], $0x80, s18, s23, $0xb8;
	[tilespmem:$0x1E800] =	vst v63  }
.LBB2_6:
0x8c: {  	s15 =	sand.u32 $0x1F, s11;
	p0 =	sgt.u32 s14, $0x2A  }
0x8d: {  	p2 =	sne.s32 @!p0 s15, $0x0  }
0x8e: {  	p2 =	por p0, p2  }
.Ltmp4:
0x8f: {  	p1 =	seq.s32 s11, $0x0;
	(pc) =	sbr.rel @p2 .LBB2_8-.Ltmp4, $4  }
0x90: {  	s17 =	simm.s32 @!p1 $0x6  }
0x91: {  	_ =	swait.ge @!p1 [sflag:s17], $0x2000  }
0x92: {  	[sflag:s17] =	ssyncset.done @!p1 $0x0  }
0x93: {  	s16 =	sshrl.u32 s11, $0x5;
	[sflag:s17] =	ssyncadd.s32 @!p1 $0xFFFFE000  }
0x94: {  	s17 =	sadd.s32 $0x1, s16  }
.Ltmp5:
0x95: {  	s17 =	sshll.u32 s17, $0xC;
	(pc) =	sbr.rel .LBB2_9-.Ltmp5, $4  }
0x96: {  	s18 =	sadd.s32 s8, s17  }
0x97: {  	s18 =	sshrl.u32 s18, $0x3  }
0x98: {  	s17 =	sand.u32 $0x1000, s17;
	s18 =	sadd.s32 s5, s18  }
0x99: {  	[tilespmem:s17], [sflag:$0x7] =	stream.linear.gather [hbm4b:s18+s4], $0x1000, $0x38;
	[tilespmem:$0x1E800] =	vst v63  }
.LBB2_8:
0x9a: {  	p1 =	sne.s32 @!p0 s15, $0x1E  }
0x9b: {  	p1 =	por p1, p0  }
0x9c: {  	s17 =	simm.s32 @!p1 $0x7  }
0x9d: {  	_ =	swait.ge @!p1 [sflag:s17], $0x1000  }
0x9e: {  	[sflag:s17] =	ssyncset.done @!p1 $0x0  }
0x9f: {  	[sflag:s17] =	ssyncadd.s32 @!p1 $0xFFFFF000  }
.LBB2_9:
0xa0: {  	s17 =	sadd.s32 $0xFFFFFC00, s12  }
0xa1: {  	s18 =	sadd.s32 $0xFFFFFF00, s13;
	s17 =	sand.u32 $0x3E00, s17  }
0xa2: {  	s18 =	sand.u32 $0x1000, s18;
	s17 =	sshrl.u32 s17, $0x2  }
0xa3: {  	s16 =	sshll.u32 s16, $0xC;
	s17 =	sor.u32 s17, s18  }
0xa4: {  	[tilespmem:s28], [sflag:$0x3] =	stream.indirect.gather [hbm4b:s1+s23], $0x80, s17, s23, $0xb8;
	[tilespmem:$0x1E800] =	vst v63  }
0xa5: {  	s15 =	sshll.u32 s15, $0x7;
	s16 =	sand.u32 $0x1000, s16;
	_ =	swait.ge [sflag:s29], $0x2000  }
0xa6: {  	s15 =	sor.u32 s15, s16;
	[sflag:s29] =	ssyncset.done $0x0  }
0xa7: {  	s16 =	sor.u32 $0x40, s15;
	[sflag:s29] =	ssyncadd.s32 $0xFFFFE000  }
0xa8: {  	[spmem:s2] =	stream.indirect.scatter.add.f32 [tilespmem:s21], [sflag:$0x4], $0x80, s16, s23, $0xb8;
	[tilespmem:$0x1E800] =	vst v63  }
0xa9: {  	v2 =	vld [tilespmem:s15+$0x40];
	_ =	sdelay $0x7  }
0xaa: {  	[tilespmem:v2+s30+$0x0] =	vst.idx.add.f32.msk $0xffff, v1  }
0xab: {  	v2 =	vld [tilespmem:s15+$0x50];
	_ =	sdelay $0x7  }
0xac: {  	[tilespmem:v2+s30+$0x0] =	vst.idx.add.f32.msk $0xffff, v1  }
0xad: {  	v2 =	vld [tilespmem:s15+$0x60];
	_ =	sdelay $0x7  }
0xae: {  	[tilespmem:v2+s30+$0x0] =	vst.idx.add.f32.msk $0xffff, v1  }
0xaf: {  	v2 =	vld [tilespmem:s15+$0x70];
	_ =	sdelay $0x2  }
0xb0: {  	s18 =	sadd.s32 $0x1, s11  }
0xb1: {  	s15 =	sand.u32 $0x1F, s18  }
0xb2: {  	p1 =	sne.s32 @!p0 s15, $0x0  }
0xb3: {  	p1 =	por p0, p1  }
.Ltmp6:
0xb4: {  	_ = 	snop;
	(pc) =	sbr.rel @p1 .LBB2_11-.Ltmp6, $4  }
0xb5: {  	[tilespmem:v2+s30+$0x0] =	vst.idx.add.f32.msk $0xffff, v1  }
0xb6: {  	_ =	swait.ge [sflag:s31], $0x2000  }
0xb7: {  	s16 =	sshrl.u32 s18, $0x5;
	[sflag:s31] =	ssyncset.done $0x0  }
0xb8: {  	s16 =	sshll.u32 s16, $0xC;
	[sflag:s31] =	ssyncadd.s32 $0xFFFFE000  }
.Ltmp7:
0xb9: {  	s17 =	sadd.s32 $0x1000, s16;
	(pc) =	sbr.rel .LBB2_12-.Ltmp7, $4  }
0xba: {  	s18 =	sadd.s32 s8, s17  }
0xbb: {  	s18 =	sshrl.u32 s18, $0x3  }
0xbc: {  	s17 =	sand.u32 $0x1000, s17;
	s18 =	sadd.s32 s5, s18  }
0xbd: {  	[tilespmem:s17], [sflag:$0x7] =	stream.linear.gather [hbm4b:s18+s4], $0x1000, $0x38;
	[tilespmem:$0x1E800] =	vst v63  }
.LBB2_11:
0xbe: {  	p1 =	sne.s32 @!p0 s15, $0x1E  }
0xbf: {  	p0 =	por p1, p0  }
0xc0: {  	s17 =	simm.s32 @!p0 $0x7  }
0xc1: {  	_ =	swait.ge @!p0 [sflag:s17], $0x1000  }
0xc2: {  	[sflag:s17] =	ssyncset.done @!p0 $0x0  }
0xc3: {  	[sflag:s17] =	ssyncadd.s32 @!p0 $0xFFFFF000  }
.LBB2_12:
0xc4: {  	s17 =	sadd.s32 $0xFFFFFE00, s12  }
0xc5: {  	s18 =	sadd.s32 $0xFFFFFF80, s13;
	s17 =	sand.u32 $0x3E00, s17  }
0xc6: {  	s18 =	sand.u32 $0x1000, s18;
	s17 =	sshrl.u32 s17, $0x2  }
0xc7: {  	s17 =	sor.u32 s17, s18  }
0xc8: {  	[tilespmem:s21], [sflag:$0x1] =	stream.indirect.gather [hbm4b:s1+s23], $0x80, s17, s23, $0xb8;
	[tilespmem:$0x1E800] =	vst v63  }
0xc9: {  	s16 =	sand.u32 $0x1000, s16;
	s15 =	sshll.u32 s15, $0x7;
	_ =	swait.ge [sflag:s0], $0x2000  }
0xca: {  	s15 =	sor.u32 s15, s16;
	[sflag:s0] =	ssyncset.done $0x0  }
0xcb: {  	s16 =	sor.u32 $0x40, s15;
	[sflag:s0] =	ssyncadd.s32 $0xFFFFE000  }
0xcc: {  	[spmem:s2] =	stream.indirect.scatter.add.f32 [tilespmem:s26], [sflag:$0x5], $0x80, s16, s23, $0xb8;
	[tilespmem:$0x1E800] =	vst v63  }
0xcd: {  	v2 =	vld [tilespmem:s15+$0x40];
	_ =	sdelay $0x7  }
0xce: {  	[tilespmem:v2+s30+$0x0] =	vst.idx.add.f32.msk $0xffff, v1  }
0xcf: {  	v2 =	vld [tilespmem:s15+$0x50];
	_ =	sdelay $0x7  }
0xd0: {  	[tilespmem:v2+s30+$0x0] =	vst.idx.add.f32.msk $0xffff, v1  }
0xd1: {  	v2 =	vld [tilespmem:s15+$0x60];
	_ =	sdelay $0x7  }
0xd2: {  	[tilespmem:v2+s30+$0x0] =	vst.idx.add.f32.msk $0xffff, v1  }
0xd3: {  	v2 =	vld [tilespmem:s15+$0x70];
	_ =	sdelay $0x2  }
0xd4: {  	s18 =	sadd.s32 $0x2, s11  }
0xd5: {  	p0 =	sgt.u32 s14, $0x29;
	s15 =	sand.u32 $0x1F, s18  }
0xd6: {  	p1 =	sne.s32 @!p0 s15, $0x0  }
0xd7: {  	p1 =	por p0, p1  }
.Ltmp8:
0xd8: {  	_ = 	snop;
	(pc) =	sbr.rel @p1 .LBB2_14-.Ltmp8, $4  }
0xd9: {  	[tilespmem:v2+s30+$0x0] =	vst.idx.add.f32.msk $0xffff, v1  }
0xda: {  	_ =	swait.ge [sflag:s24], $0x2000  }
0xdb: {  	s16 =	sshrl.u32 s18, $0x5;
	[sflag:s24] =	ssyncset.done $0x0  }
0xdc: {  	s16 =	sshll.u32 s16, $0xC;
	[sflag:s24] =	ssyncadd.s32 $0xFFFFE000  }
.Ltmp9:
0xdd: {  	s17 =	sadd.s32 $0x1000, s16;
	(pc) =	sbr.rel .LBB2_17-.Ltmp9, $4  }
0xde: {  	s18 =	sadd.s32 s8, s17  }
0xdf: {  	s18 =	sshrl.u32 s18, $0x3  }
0xe0: {  	s17 =	sand.u32 $0x1000, s17;
	s18 =	sadd.s32 s5, s18  }
0xe1: {  	[tilespmem:s17], [sflag:$0x7] =	stream.linear.gather [hbm4b:s18+s4], $0x1000, $0x38;
	[tilespmem:$0x1E800] =	vst v63  }
.LBB2_14:
0xe2: {  	p1 =	sne.s32 @!p0 s15, $0x1E  }
0xe3: {  	p0 =	por p0, p1  }
.Ltmp10:
0xe4: {  	_ = 	snop;
	(pc) =	sbr.rel @p0 .LBB2_16-.Ltmp10, $1  }
0xe5: {  	_ =	sdelay $0x3  }
0xe6: {  	_ =	swait.ge [sflag:s9], $0x1000  }
0xe7: {  	[sflag:s9] =	ssyncset.done $0x0  }
0xe8: {  	[sflag:s9] =	ssyncadd.s32 $0xFFFFF000  }
.LBB2_17:
0xe9: {  	s17 =	sand.u32 $0x3E00, s12  }
0xea: {  	s18 =	sand.u32 $0x1000, s13;
	s17 =	sshrl.u32 s17, $0x2  }
0xeb: {  	s17 =	sor.u32 s17, s18  }
0xec: {  	[tilespmem:s26], [sflag:$0x2] =	stream.indirect.gather [hbm4b:s1+s23], $0x80, s17, s23, $0xb8;
	[tilespmem:$0x1E800] =	vst v63  }
.LBB2_18:
0xed: {  	_ =	swait.ge [sflag:s3], $0x2000;
	s16 =	sand.u32 $0x1000, s16;
	s15 =	sshll.u32 s15, $0x7  }
0xee: {  	[sflag:s3] =	ssyncset.done $0x0;
	s15 =	sor.u32 s15, s16  }
0xef: {  	[sflag:s3] =	ssyncadd.s32 $0xFFFFE000;
	s16 =	sor.u32 $0x40, s15  }
0xf0: {  	[spmem:s2] =	stream.indirect.scatter.add.f32 [tilespmem:s28], [sflag:$0x6], $0x80, s16, s23, $0xb8;
	[tilespmem:$0x1E800] =	vst v63  }
0xf1: {  	v2 =	vld [tilespmem:s15+$0x40];
	_ =	sdelay $0x7  }
0xf2: {  	[tilespmem:v2+s30+$0x0] =	vst.idx.add.f32.msk $0xffff, v1  }
0xf3: {  	v2 =	vld [tilespmem:s15+$0x50];
	_ =	sdelay $0x7  }
0xf4: {  	[tilespmem:v2+s30+$0x0] =	vst.idx.add.f32.msk $0xffff, v1  }
0xf5: {  	v2 =	vld [tilespmem:s15+$0x60];
	_ =	sdelay $0x7  }
0xf6: {  	[tilespmem:v2+s30+$0x0] =	vst.idx.add.f32.msk $0xffff, v1  }
0xf7: {  	v2 =	vld [tilespmem:s15+$0x70];
	_ =	sdelay $0x1  }
0xf8: {  	s11 =	sadd.s32 $0x3, s11  }
0xf9: {  	p0 =	sne.s32 s11, $0x9F  }
.Ltmp11:
0xfa: {  	_ = 	snop;
	(pc) =	sbr.rel @p0 .LBB2_6-.Ltmp11, $4  }
.Ltmp12:
0xfb: {  	_ = 	snop;
	(pc) =	sbr.rel @!p0 .LBB2_19-.Ltmp12, $4  }
0xfc: {  	_ = 	snop  }
0xfd: {  	_ = 	snop  }
0xfe: {  	s14 =	sadd.s32 $0x1, s14;
	s12 =	sadd.s32 $0x600, s12;
	s13 =	sadd.s32 $0x180, s13;
	[tilespmem:v2+s30+$0x0] =	vst.idx.add.f32.msk $0xffff, v1  }
0xff: {  	_ = 	snop  }
.LBB2_16:
0x100: {  	p0 =	seq.s32 s11, $0x9C  }
.Ltmp13:
0x101: {  	_ = 	snop;
	(pc) =	sbr.rel @p0 .LBB2_18-.Ltmp13, $4  }
.Ltmp14:
0x102: {  	_ = 	snop;
	(pc) =	sbr.rel @!p0 .LBB2_17-.Ltmp14, $4  }
0x103: {  	_ = 	snop  }
0x104: {  	_ = 	snop  }
0x105: {  	_ = 	snop  }
0x106: {  	_ = 	snop  }
.LBB2_20:
0x107: {  	_ =	sfence.sel $0x180000  }
0x108: {  	[bflag:$0x0] =	sbarrier.arrive $0xFFFF  }
0x109: {  	_ =	strace $0x9000004A  }
0x10a: {  	s0 =	stileid.u32;
	[bflag:$0x2] =	sbarrier.arrive $0xFFFF  }
0x10b: {  	p0 =	sne.s32 s0, $0x0;
	s0 =	rddreg [dreg:$0x3]  }
0x10c: {  	s0 =	sadd.s32 @!p0 $0x100000, s0  }
0x10d: {  	[sflag:s0] =	ssyncadd.tile.s32 @!p0 $0x1;
	_ =	shalt  }
.Lfunc_end2:
_tile_overlayer_lowered:
.L_overlay_start_2:
0x10e: {  	(tag) =	ssettag $0x2  }
0x10f: {  	s0 =	rddreg [dreg:$0x0];
	s2 =	stileid.u32  }
0x110: {  	s1 =	rddreg [dreg:$0x1];
	p0 =	sne.s32 s2, $0x0  }
0x111: {  	s3 =	rddreg [dreg:$0x2];
	[bflag:$0x3] =	sbarrier.arrive $0xFFFF;
	s2 =	simm.s32 @!p0 $0x1C08  }
0x112: {  	[timem:s3], [sflag:s2] =	dma.local @!p0 [hbm:s0], s1  }
0x113: {  	s0 =	simm.s32 @!p0 $0x8  }
0x114: {  	_ =	swait.ge @!p0 [sflag:s0], s1  }
0x115: {  	s1 =	ssub.s32 @!p0 $0x0, s1;
	[sflag:s0] =	ssyncset.done @!p0 $0x0  }
0x116: {  	[sflag:s0] =	ssyncadd.s32 @!p0 s1  }
0x117: {  	[bflag:$0x3] =	sbarrier.arrive $0xFFFF  }
0x118: {  	_ =	shalt  }

</sc_bundles>
